<compile_context>
chip_gen: v7x
topology: tpu7x:2x2x1
jax: 0.10.2.dev20260603
libtpu: 0.0.44.dev20260713+nightly
codegen_flags: <defaults>
</compile_context>

<pallas_src>
import functools

import jax
import jax.numpy as jnp
from jax import lax
from jax.experimental import pallas as pl
from jax.experimental.pallas import tpu as pltpu
from jax.experimental.pallas import tpu_sc as plsc

B, S, V, D, P, T = 1024, 200, 100000, 128, 512, 2
EPS = 1e-12
N = B * S
L = 16
DJ = D // L
C = 128
NAUG = 2 * S
UNROLL = 1

_info = plsc.get_sparse_core_info()
NC, NS = _info.num_cores, _info.num_subcores
NW = NC * NS
NTOK = N // NW
NCH = NTOK // C
G2 = NCH // 2
ROWS_PER_SUB = NAUG // NS
PROWS = ROWS_PER_SUB // 2 + 2


def _body(ids_hbm, tt_hbm, word_hbm, pos_hbm, type_hbm, gb_hbm, out_hbm,
          pos_v, type_v, gb_v, bld_v,
          idx0, idx1, tt0, tt1, aidx0, aidx1,
          rows0, rows1, outb0, outb1,
          aug_sh,
          semi0, semi1, semt0, semt1, semw0, semw1,
          sema0, sema1, semo0, semo1):
    cid = lax.axis_index("c")
    sid = lax.axis_index("s")
    wid = sid * NC + cid
    base = wid * NTOK

    idx = (idx0, idx1)
    tt = (tt0, tt1)
    aidx = (aidx0, aidx1)
    rows = (rows0, rows1)
    outb = (outb0, outb1)
    semi = (semi0, semi1)
    semt = (semt0, semt1)
    semw = (semw0, semw1)
    sema = (sema0, sema1)
    semo = (semo0, semo1)

    r0 = sid * ROWS_PER_SUB
    s0 = lax.div(r0, 2)
    pltpu.sync_copy(pos_hbm.at[pl.ds(s0 * D, PROWS * D)], pos_v)
    pltpu.sync_copy(type_hbm, type_v)
    pltpu.sync_copy(gb_hbm, gb_v)

    gs = [gb_v[pl.ds(j * L, L)] for j in range(DJ)]
    bs = [gb_v[pl.ds(D + j * L, L)] for j in range(DJ)]

    def build(k, carry):
        r = r0 + k
        sl = lax.div(r, 2) - s0
        t = lax.rem(r, 2)
        for j in range(DJ):
            p = pos_v[pl.ds(sl * D + j * L, L)]
            ty = type_v[pl.ds(t * D + j * L, L)]
            bld_v[k, pl.ds(j * L, L)] = p + ty
        return carry

    lax.fori_loop(0, ROWS_PER_SUB, build, 0)
    pltpu.sync_copy(bld_v, aug_sh.at[pl.ds(r0, ROWS_PER_SUB)])
    plsc.subcore_barrier()

    iota = lax.iota(jnp.int32, L)

    def chunk_off(c):
        return base + jnp.minimum(c, NCH - 1) * C

    def fire_inputs(c, b):
        off = chunk_off(c)
        pltpu.async_copy(ids_hbm.at[pl.ds(off, C)], idx[b], semi[b])
        pltpu.async_copy(tt_hbm.at[pl.ds(off, C)], tt[b], semt[b])

    def wait_inputs(b):
        pltpu.make_async_copy(ids_hbm.at[pl.ds(0, C)], idx[b], semi[b]).wait()
        pltpu.make_async_copy(tt_hbm.at[pl.ds(0, C)], tt[b], semt[b]).wait()

    def fire_word(c, b):
        wait_inputs(b)
        pltpu.async_copy(word_hbm.at[idx[b]], rows[b], semw[b])
        off = chunk_off(c)
        for q in range(C // L):
            tvec = tt[b][pl.ds(q * L, L)]
            svec = lax.rem(jnp.full((L,), off + q * L, jnp.int32) + iota, S)
            aidx[b][pl.ds(q * L, L)] = 2 * svec + tvec

    def wait_word(b):
        pltpu.make_async_copy(word_hbm.at[idx[b]], rows[b], semw[b]).wait()

    def fire_aug(b):
        pltpu.async_copy(aug_sh.at[aidx[b]], rows[b], sema[b], add=True)

    def wait_aug(b):
        pltpu.make_async_copy(aug_sh.at[aidx[b]], rows[b], sema[b]).wait()

    def drain_out(b):
        pltpu.make_async_copy(
            outb[b], out_hbm.at[pl.ds(base, C)], semo[b]).wait()

    def tok_chunk(b, lo, hi):
        rb, ob = rows[b], outb[b]

        def tok4(i4, carry):
            for u in range(UNROLL):
                i = i4 * UNROLL + u
                es = [rb[i, pl.ds(j * L, L)] for j in range(DJ)]
                s1 = [es[2 * j] + es[2 * j + 1] for j in range(4)]
                s2 = [s1[0] + s1[1], s1[2] + s1[3]]
                sumv = s2[0] + s2[1]
                qs = [e * e for e in es]
                q1 = [qs[2 * j] + qs[2 * j + 1] for j in range(4)]
                q2 = [q1[0] + q1[1], q1[2] + q1[3]]
                sqv = q2[0] + q2[1]
                mean = jnp.sum(sumv) * (1.0 / D)
                var = jnp.sum(sqv) * (1.0 / D) - mean * mean
                x = jnp.full((L,), var + EPS)
                yi = 0x5F3759DF - lax.shift_right_logical(
                    plsc.bitcast(x, jnp.int32), 1)
                y = plsc.bitcast(yi, jnp.float32)
                y = y * (1.5 - (x * 0.5) * y * y)
                mv = jnp.full((L,), mean)
                for j in range(DJ):
                    ob[i, pl.ds(j * L, L)] = (es[j] - mv) * (y * gs[j]) + bs[j]
            return carry

        lax.fori_loop(lo // UNROLL, hi // UNROLL, tok4, 0)

    def block(c, b, k):
        wait_aug(b)
        fire_inputs(c + 2, b)

        @pl.when(k >= 1)
        def _():
            drain_out(b)

        tok_chunk(b, 0, 13 * C // 16)
        wait_word(1 - b)
        fire_aug(1 - b)
        tok_chunk(b, 13 * C // 16, C)
        off = base + c * C
        pltpu.async_copy(outb[b], out_hbm.at[pl.ds(off, C)], semo[b])
        fire_word(c + 2, b)

    fire_inputs(0, 0)
    fire_inputs(1, 1)
    fire_word(0, 0)
    wait_word(0)
    fire_aug(0)
    fire_word(1, 1)

    def pair(k, carry):
        block(2 * k, 0, k)
        block(2 * k + 1, 1, k)
        return carry

    lax.fori_loop(0, G2, pair, 0)

    wait_word(1)
    wait_aug(0)
    drain_out(0)
    drain_out(1)


_sc_call = functools.partial(
    pl.kernel,
    out_type=jax.ShapeDtypeStruct((N, D), jnp.float32),
    scratch_types=[
        pltpu.VMEM((PROWS * D,), jnp.float32),
        pltpu.VMEM((T * D,), jnp.float32),
        pltpu.VMEM((2 * D,), jnp.float32),
        pltpu.VMEM((ROWS_PER_SUB, D), jnp.float32),
        pltpu.VMEM((C,), jnp.int32),
        pltpu.VMEM((C,), jnp.int32),
        pltpu.VMEM((C,), jnp.int32),
        pltpu.VMEM((C,), jnp.int32),
        pltpu.VMEM((C,), jnp.int32),
        pltpu.VMEM((C,), jnp.int32),
        pltpu.VMEM((C, D), jnp.float32),
        pltpu.VMEM((C, D), jnp.float32),
        pltpu.VMEM((C, D), jnp.float32),
        pltpu.VMEM((C, D), jnp.float32),
        pltpu.VMEM_SHARED((NAUG, D), jnp.float32),
        pltpu.SemaphoreType.DMA,
        pltpu.SemaphoreType.DMA,
        pltpu.SemaphoreType.DMA,
        pltpu.SemaphoreType.DMA,
        pltpu.SemaphoreType.DMA,
        pltpu.SemaphoreType.DMA,
        pltpu.SemaphoreType.DMA,
        pltpu.SemaphoreType.DMA,
        pltpu.SemaphoreType.DMA,
        pltpu.SemaphoreType.DMA,
    ],
    mesh=plsc.VectorSubcoreMesh(core_axis_name="c", subcore_axis_name="s"),
    compiler_params=pltpu.CompilerParams(needs_layout_passes=False),
)(_body)


def kernel(input_ids, token_type_ids, word_table, pos_table, type_table, gamma, beta):
    ids = input_ids.reshape(-1).astype(jnp.int32)
    tts = token_type_ids.reshape(-1).astype(jnp.int32)
    pos = pos_table.reshape(-1)
    typ = type_table.reshape(-1)
    gb = jnp.concatenate([gamma, beta])
    out = _sc_call(ids, tts, word_table, pos, typ, gb)
    return out.reshape(B, S, D)

# --- scband reference (transcript-rebuilt; emitter-appended) ---
"""Pipeline reference for scband-bertembeddings-5961414607606 (READ-ONLY COPY).

The authoritative reference and input builder live on the scoring server;
editing this copy changes nothing except your own understanding.
"""

import jax, jax.numpy as jnp
import numpy as np

B, S, V, D, P, T = 1024, 200, 100000, 128, 512, 2
EPS = 1e-12

def setup_inputs(seed: int = 0) -> dict:
    key = jax.random.key(seed)
    k1, k2, k3, k4, k5 = jax.random.split(key, 5)
    input_ids = jax.random.randint(k1, (B, S), 0, V)
    token_type_ids = jax.random.randint(k2, (B, S), 0, T)
    word_table = jax.random.normal(k3, (V, D), dtype=jnp.float32) * 0.02
    pos_table = jax.random.normal(k4, (P, D), dtype=jnp.float32) * 0.02
    type_table = jax.random.normal(k5, (T, D), dtype=jnp.float32) * 0.02
    gamma = jnp.ones((D,), dtype=jnp.float32)
    beta = jnp.zeros((D,), dtype=jnp.float32)
    return {"input_ids": input_ids, "token_type_ids": token_type_ids,
            "word_table": word_table, "pos_table": pos_table,
            "type_table": type_table, "gamma": gamma, "beta": beta}

def reference(input_ids, token_type_ids, word_table, pos_table, type_table, gamma, beta):
    seq_len = input_ids.shape[1]
    word_emb = jnp.take(word_table, input_ids, axis=0)
    position_emb = pos_table[:seq_len][None, :, :]
    token_type_emb = jnp.take(type_table, token_type_ids, axis=0)
    emb = word_emb + position_emb + token_type_emb
    mean = jnp.mean(emb, axis=-1, keepdims=True)
    var = jnp.mean(jnp.square(emb - mean), axis=-1, keepdims=True)
    normed = (emb - mean) / jnp.sqrt(var + EPS)
    out = normed * gamma + beta
    # dropout prob = 0.0 -> identity
    return out

if __name__ == "__main__":
    import jax
    _d = setup_inputs()
    print(jax.jit(kernel)(*tuple(_d.values())))

</pallas_src>

<mosaic_0001>
#map = affine_map<(d0, d1) -> (0)>
#map1 = affine_map<(d0, d1) -> (0, 0)>
module attributes {stable_mosaic.version = 14 : i64} {
  func.func @_body(%arg0: i32, %arg1: i32, %arg2: memref<204800xi32, #tpu.memory_space<hbm>>, %arg3: memref<204800xi32, #tpu.memory_space<hbm>>, %arg4: memref<100000x128xf32, #tpu.memory_space<hbm>>, %arg5: memref<65536xf32, #tpu.memory_space<hbm>>, %arg6: memref<256xf32, #tpu.memory_space<hbm>>, %arg7: memref<256xf32, #tpu.memory_space<hbm>>, %arg8: memref<204800x128xf32, #tpu.memory_space<hbm>>, %arg9: memref<1792xf32, #tpu.memory_space<vmem>>, %arg10: memref<256xf32, #tpu.memory_space<vmem>>, %arg11: memref<256xf32, #tpu.memory_space<vmem>>, %arg12: memref<25x128xf32, #tpu.memory_space<vmem>>, %arg13: memref<128xi32, #tpu.memory_space<vmem>>, %arg14: memref<128xi32, #tpu.memory_space<vmem>>, %arg15: memref<128xi32, #tpu.memory_space<vmem>>, %arg16: memref<128xi32, #tpu.memory_space<vmem>>, %arg17: memref<128xi32, #tpu.memory_space<vmem>>, %arg18: memref<128xi32, #tpu.memory_space<vmem>>, %arg19: memref<128x128xf32, #tpu.memory_space<vmem>>, %arg20: memref<128x128xf32, #tpu.memory_space<vmem>>, %arg21: memref<128x128xf32, #tpu.memory_space<vmem>>, %arg22: memref<128x128xf32, #tpu.memory_space<vmem>>, %arg23: memref<400x128xf32, #tpu.memory_space<vmem_shared>>, %arg24: memref<!tpu.dma_semaphore, #tpu.memory_space<semaphore_mem>>, %arg25: memref<!tpu.dma_semaphore, #tpu.memory_space<semaphore_mem>>, %arg26: memref<!tpu.dma_semaphore, #tpu.memory_space<semaphore_mem>>, %arg27: memref<!tpu.dma_semaphore, #tpu.memory_space<semaphore_mem>>, %arg28: memref<!tpu.dma_semaphore, #tpu.memory_space<semaphore_mem>>, %arg29: memref<!tpu.dma_semaphore, #tpu.memory_space<semaphore_mem>>, %arg30: memref<!tpu.dma_semaphore, #tpu.memory_space<semaphore_mem>>, %arg31: memref<!tpu.dma_semaphore, #tpu.memory_space<semaphore_mem>>, %arg32: memref<!tpu.dma_semaphore, #tpu.memory_space<semaphore_mem>>, %arg33: memref<!tpu.dma_semaphore, #tpu.memory_space<semaphore_mem>>) attributes {dimension_semantics = [#tpu.dimension_semantics<core_parallel>, #tpu.dimension_semantics<subcore_parallel>], iteration_bounds = array<i64: 2, 16>, scalar_prefetch = 0 : i64, scratch_operands = 25 : i64, tpu.core_type = #tpu.core_type<sc_vector_subcore>, window_params = [{transform_indices = #map}, {transform_indices = #map}, {transform_indices = #map1}, {transform_indices = #map}, {transform_indices = #map}, {transform_indices = #map}, {transform_indices = #map1}]} {
    %mul3A = arith.constant 2 : i32
    %mul3A_0 = arith.muli %arg1, %mul3A : i32
    %add3A = arith.addi %mul3A_0, %arg0 : i32
    %mul3A_1 = arith.constant 6400 : i32
    %mul3A_2 = arith.muli %add3A, %mul3A_1 : i32
    %mul3A_3 = arith.constant 25 : i32
    %mul3A_4 = arith.muli %arg1, %mul3A_3 : i32
    %div3A = arith.constant 2 : i32
    %div3A_5 = arith.divsi %mul3A_4, %div3A : i32
    %mul3A_6 = arith.constant 128 : i32
    %mul3A_7 = arith.muli %div3A_5, %mul3A_6 : i32
    "tpu.region"() ({
      %run_scoped3A = tpu.sem_alloc : memref<!tpu.dma_semaphore, #tpu.memory_space<semaphore_mem>>
      %dma_start3A_358 = tpu.memref_slice %arg5[%mul3A_7] : memref<65536xf32, #tpu.memory_space<hbm>> -> memref<1792xf32, #tpu.memory_space<hbm>>
      %dma_start3A_359 = tpu.memref_slice %arg5[%mul3A_7] : memref<65536xf32, #tpu.memory_space<hbm>> -> memref<1792xf32, #tpu.memory_space<hbm>>
      tpu.enqueue_dma source(%dma_start3A_359 : memref<1792xf32, #tpu.memory_space<hbm>>) target(%arg9 : memref<1792xf32, #tpu.memory_space<vmem>>) target_semaphore(%run_scoped3A : memref<!tpu.dma_semaphore, #tpu.memory_space<semaphore_mem>>)
      %dma_wait3A_360 = tpu.memref_slice %arg5[%mul3A_7] : memref<65536xf32, #tpu.memory_space<hbm>> -> memref<1792xf32, #tpu.memory_space<hbm>>
      %dma_wait3A_361 = tpu.memref_slice %arg5[%mul3A_7] : memref<65536xf32, #tpu.memory_space<hbm>> -> memref<1792xf32, #tpu.memory_space<hbm>>
      tpu.wait_dma2 semaphore(%run_scoped3A : memref<!tpu.dma_semaphore, #tpu.memory_space<semaphore_mem>>) src(%dma_wait3A_361 : memref<1792xf32, #tpu.memory_space<hbm>>) dst(%arg9 : memref<1792xf32, #tpu.memory_space<vmem>>)
      tpu.yield
    }) : () -> ()
    "tpu.region"() ({
      %run_scoped3A = tpu.sem_alloc : memref<!tpu.dma_semaphore, #tpu.memory_space<semaphore_mem>>
      tpu.enqueue_dma source(%arg6 : memref<256xf32, #tpu.memory_space<hbm>>) target(%arg10 : memref<256xf32, #tpu.memory_space<vmem>>) target_semaphore(%run_scoped3A : memref<!tpu.dma_semaphore, #tpu.memory_space<semaphore_mem>>)
      tpu.wait_dma2 semaphore(%run_scoped3A : memref<!tpu.dma_semaphore, #tpu.memory_space<semaphore_mem>>) src(%arg6 : memref<256xf32, #tpu.memory_space<hbm>>) dst(%arg10 : memref<256xf32, #tpu.memory_space<vmem>>)
      tpu.yield
    }) : () -> ()
    "tpu.region"() ({
      %run_scoped3A = tpu.sem_alloc : memref<!tpu.dma_semaphore, #tpu.memory_space<semaphore_mem>>
      tpu.enqueue_dma source(%arg7 : memref<256xf32, #tpu.memory_space<hbm>>) target(%arg11 : memref<256xf32, #tpu.memory_space<vmem>>) target_semaphore(%run_scoped3A : memref<!tpu.dma_semaphore, #tpu.memory_space<semaphore_mem>>)
      tpu.wait_dma2 semaphore(%run_scoped3A : memref<!tpu.dma_semaphore, #tpu.memory_space<semaphore_mem>>) src(%arg7 : memref<256xf32, #tpu.memory_space<hbm>>) dst(%arg11 : memref<256xf32, #tpu.memory_space<vmem>>)
      tpu.yield
    }) : () -> ()
    %get3A = arith.constant 0 : index
    %get3A_8 = tpu.vector_load %arg11[%get3A] {strides = array<i32>} : memref<256xf32, #tpu.memory_space<vmem>>, vector<16xf32>,
    %get3A_9 = arith.constant 16 : index
    %get3A_10 = tpu.vector_load %arg11[%get3A_9] {strides = array<i32>} : memref<256xf32, #tpu.memory_space<vmem>>, vector<16xf32>,
    %get3A_11 = arith.constant 32 : index
    %get3A_12 = tpu.vector_load %arg11[%get3A_11] {strides = array<i32>} : memref<256xf32, #tpu.memory_space<vmem>>, vector<16xf32>,
    %get3A_13 = arith.constant 48 : index
    %get3A_14 = tpu.vector_load %arg11[%get3A_13] {strides = array<i32>} : memref<256xf32, #tpu.memory_space<vmem>>, vector<16xf32>,
    %get3A_15 = arith.constant 64 : index
    %get3A_16 = tpu.vector_load %arg11[%get3A_15] {strides = array<i32>} : memref<256xf32, #tpu.memory_space<vmem>>, vector<16xf32>,
    %get3A_17 = arith.constant 80 : index
    %get3A_18 = tpu.vector_load %arg11[%get3A_17] {strides = array<i32>} : memref<256xf32, #tpu.memory_space<vmem>>, vector<16xf32>,
    %get3A_19 = arith.constant 96 : index
    %get3A_20 = tpu.vector_load %arg11[%get3A_19] {strides = array<i32>} : memref<256xf32, #tpu.memory_space<vmem>>, vector<16xf32>,
    %get3A_21 = arith.constant 112 : index
    %get3A_22 = tpu.vector_load %arg11[%get3A_21] {strides = array<i32>} : memref<256xf32, #tpu.memory_space<vmem>>, vector<16xf32>,
    %get3A_23 = arith.constant 128 : index
    %get3A_24 = tpu.vector_load %arg11[%get3A_23] {strides = array<i32>} : memref<256xf32, #tpu.memory_space<vmem>>, vector<16xf32>,
    %get3A_25 = arith.constant 144 : index
    %get3A_26 = tpu.vector_load %arg11[%get3A_25] {strides = array<i32>} : memref<256xf32, #tpu.memory_space<vmem>>, vector<16xf32>,
    %get3A_27 = arith.constant 160 : index
    %get3A_28 = tpu.vector_load %arg11[%get3A_27] {strides = array<i32>} : memref<256xf32, #tpu.memory_space<vmem>>, vector<16xf32>,
    %get3A_29 = arith.constant 176 : index
    %get3A_30 = tpu.vector_load %arg11[%get3A_29] {strides = array<i32>} : memref<256xf32, #tpu.memory_space<vmem>>, vector<16xf32>,
    %get3A_31 = arith.constant 192 : index
    %get3A_32 = tpu.vector_load %arg11[%get3A_31] {strides = array<i32>} : memref<256xf32, #tpu.memory_space<vmem>>, vector<16xf32>,
    %get3A_33 = arith.constant 208 : index
    %get3A_34 = tpu.vector_load %arg11[%get3A_33] {strides = array<i32>} : memref<256xf32, #tpu.memory_space<vmem>>, vector<16xf32>,
    %get3A_35 = arith.constant 224 : index
    %get3A_36 = tpu.vector_load %arg11[%get3A_35] {strides = array<i32>} : memref<256xf32, #tpu.memory_space<vmem>>, vector<16xf32>,
    %get3A_37 = arith.constant 240 : index
    %get3A_38 = tpu.vector_load %arg11[%get3A_37] {strides = array<i32>} : memref<256xf32, #tpu.memory_space<vmem>>, vector<16xf32>,
    %scan3A = arith.constant 0 : i32
    %scan3A_39 = arith.constant 0 : i32
    %scan3A_40 = arith.constant 25 : i32
    %scan3A_41 = arith.addi %scan3A_39, %scan3A_40 : i32
    %scan3A_42 = arith.constant 1 : i32
    scf.for %scan3A_358 = %scan3A_39 to %scan3A_41 step %scan3A_42  : i32 {
      %add3A_359 = arith.addi %mul3A_4, %scan3A_358 : i32
      %div3A_360 = arith.constant 2 : i32
      %div3A_361 = arith.divsi %add3A_359, %div3A_360 : i32
      %sub3A = arith.subi %div3A_361, %div3A_5 : i32
      %rem3A_362 = arith.constant 2 : i32
      %rem3A_363 = arith.remsi %add3A_359, %rem3A_362 : i32
      %mul3A_364 = arith.constant 128 : i32
      %mul3A_365 = arith.muli %sub3A, %mul3A_364 : i32
      %add3A_366 = arith.constant 0 : i32
      %add3A_367 = arith.addi %mul3A_365, %add3A_366 : i32
      %get3A_368 = arith.index_cast %add3A_367 : i32 to index
      %get3A_369 = tpu.vector_load %arg9[%get3A_368] {strides = array<i32>} : memref<1792xf32, #tpu.memory_space<vmem>>, vector<16xf32>,
      %mul3A_370 = arith.constant 128 : i32
      %mul3A_371 = arith.muli %rem3A_363, %mul3A_370 : i32
      %add3A_372 = arith.constant 0 : i32
      %add3A_373 = arith.addi %mul3A_371, %add3A_372 : i32
      %get3A_374 = arith.index_cast %add3A_373 : i32 to index
      %get3A_375 = tpu.vector_load %arg10[%get3A_374] {strides = array<i32>} : memref<256xf32, #tpu.memory_space<vmem>>, vector<16xf32>,
      %add3A_376 = arith.addf %get3A_369, %get3A_375 : vector<16xf32>
      %swap3A_377 = arith.index_cast %scan3A_358 : i32 to index
      %swap3A_378 = arith.constant 0 : index
      %swap3A_379 = tpu.vector_load %arg12[%swap3A_377, %swap3A_378] {strides = array<i32>} : memref<25x128xf32, #tpu.memory_space<vmem>>, vector<16xf32>,
      tpu.vector_store %arg12[%swap3A_377, %swap3A_378], %add3A_376 {strides = array<i32>} : memref<25x128xf32, #tpu.memory_space<vmem>>, vector<16xf32>,
      %mul3A_380 = arith.constant 128 : i32
      %mul3A_381 = arith.muli %sub3A, %mul3A_380 : i32
      %add3A_382 = arith.constant 16 : i32
      %add3A_383 = arith.addi %mul3A_381, %add3A_382 : i32
      %get3A_384 = arith.index_cast %add3A_383 : i32 to index
      %get3A_385 = tpu.vector_load %arg9[%get3A_384] {strides = array<i32>} : memref<1792xf32, #tpu.memory_space<vmem>>, vector<16xf32>,
      %mul3A_386 = arith.constant 128 : i32
      %mul3A_387 = arith.muli %rem3A_363, %mul3A_386 : i32
      %add3A_388 = arith.constant 16 : i32
      %add3A_389 = arith.addi %mul3A_387, %add3A_388 : i32
      %get3A_390 = arith.index_cast %add3A_389 : i32 to index
      %get3A_391 = tpu.vector_load %arg10[%get3A_390] {strides = array<i32>} : memref<256xf32, #tpu.memory_space<vmem>>, vector<16xf32>,
      %add3A_392 = arith.addf %get3A_385, %get3A_391 : vector<16xf32>
      %swap3A_393 = arith.index_cast %scan3A_358 : i32 to index
      %swap3A_394 = arith.constant 16 : index
      %swap3A_395 = tpu.vector_load %arg12[%swap3A_393, %swap3A_394] {strides = array<i32>} : memref<25x128xf32, #tpu.memory_space<vmem>>, vector<16xf32>,
      tpu.vector_store %arg12[%swap3A_393, %swap3A_394], %add3A_392 {strides = array<i32>} : memref<25x128xf32, #tpu.memory_space<vmem>>, vector<16xf32>,
      %mul3A_396 = arith.constant 128 : i32
      %mul3A_397 = arith.muli %sub3A, %mul3A_396 : i32
      %add3A_398 = arith.constant 32 : i32
      %add3A_399 = arith.addi %mul3A_397, %add3A_398 : i32
      %get3A_400 = arith.index_cast %add3A_399 : i32 to index
      %get3A_401 = tpu.vector_load %arg9[%get3A_400] {strides = array<i32>} : memref<1792xf32, #tpu.memory_space<vmem>>, vector<16xf32>,
      %mul3A_402 = arith.constant 128 : i32
      %mul3A_403 = arith.muli %rem3A_363, %mul3A_402 : i32
      %add3A_404 = arith.constant 32 : i32
      %add3A_405 = arith.addi %mul3A_403, %add3A_404 : i32
      %get3A_406 = arith.index_cast %add3A_405 : i32 to index
      %get3A_407 = tpu.vector_load %arg10[%get3A_406] {strides = array<i32>} : memref<256xf32, #tpu.memory_space<vmem>>, vector<16xf32>,
      %add3A_408 = arith.addf %get3A_401, %get3A_407 : vector<16xf32>
      %swap3A_409 = arith.index_cast %scan3A_358 : i32 to index
      %swap3A_410 = arith.constant 32 : index
      %swap3A_411 = tpu.vector_load %arg12[%swap3A_409, %swap3A_410] {strides = array<i32>} : memref<25x128xf32, #tpu.memory_space<vmem>>, vector<16xf32>,
      tpu.vector_store %arg12[%swap3A_409, %swap3A_410], %add3A_408 {strides = array<i32>} : memref<25x128xf32, #tpu.memory_space<vmem>>, vector<16xf32>,
      %mul3A_412 = arith.constant 128 : i32
      %mul3A_413 = arith.muli %sub3A, %mul3A_412 : i32
      %add3A_414 = arith.constant 48 : i32
      %add3A_415 = arith.addi %mul3A_413, %add3A_414 : i32
      %get3A_416 = arith.index_cast %add3A_415 : i32 to index
      %get3A_417 = tpu.vector_load %arg9[%get3A_416] {strides = array<i32>} : memref<1792xf32, #tpu.memory_space<vmem>>, vector<16xf32>,
      %mul3A_418 = arith.constant 128 : i32
      %mul3A_419 = arith.muli %rem3A_363, %mul3A_418 : i32
      %add3A_420 = arith.constant 48 : i32
      %add3A_421 = arith.addi %mul3A_419, %add3A_420 : i32
      %get3A_422 = arith.index_cast %add3A_421 : i32 to index
      %get3A_423 = tpu.vector_load %arg10[%get3A_422] {strides = array<i32>} : memref<256xf32, #tpu.memory_space<vmem>>, vector<16xf32>,
      %add3A_424 = arith.addf %get3A_417, %get3A_423 : vector<16xf32>
      %swap3A_425 = arith.index_cast %scan3A_358 : i32 to index
      %swap3A_426 = arith.constant 48 : index
      %swap3A_427 = tpu.vector_load %arg12[%swap3A_425, %swap3A_426] {strides = array<i32>} : memref<25x128xf32, #tpu.memory_space<vmem>>, vector<16xf32>,
      tpu.vector_store %arg12[%swap3A_425, %swap3A_426], %add3A_424 {strides = array<i32>} : memref<25x128xf32, #tpu.memory_space<vmem>>, vector<16xf32>,
      %mul3A_428 = arith.constant 128 : i32
      %mul3A_429 = arith.muli %sub3A, %mul3A_428 : i32
      %add3A_430 = arith.constant 64 : i32
      %add3A_431 = arith.addi %mul3A_429, %add3A_430 : i32
      %get3A_432 = arith.index_cast %add3A_431 : i32 to index
      %get3A_433 = tpu.vector_load %arg9[%get3A_432] {strides = array<i32>} : memref<1792xf32, #tpu.memory_space<vmem>>, vector<16xf32>,
      %mul3A_434 = arith.constant 128 : i32
      %mul3A_435 = arith.muli %rem3A_363, %mul3A_434 : i32
      %add3A_436 = arith.constant 64 : i32
      %add3A_437 = arith.addi %mul3A_435, %add3A_436 : i32
      %get3A_438 = arith.index_cast %add3A_437 : i32 to index
      %get3A_439 = tpu.vector_load %arg10[%get3A_438] {strides = array<i32>} : memref<256xf32, #tpu.memory_space<vmem>>, vector<16xf32>,
      %add3A_440 = arith.addf %get3A_433, %get3A_439 : vector<16xf32>
      %swap3A_441 = arith.index_cast %scan3A_358 : i32 to index
      %swap3A_442 = arith.constant 64 : index
      %swap3A_443 = tpu.vector_load %arg12[%swap3A_441, %swap3A_442] {strides = array<i32>} : memref<25x128xf32, #tpu.memory_space<vmem>>, vector<16xf32>,
      tpu.vector_store %arg12[%swap3A_441, %swap3A_442], %add3A_440 {strides = array<i32>} : memref<25x128xf32, #tpu.memory_space<vmem>>, vector<16xf32>,
      %mul3A_444 = arith.constant 128 : i32
      %mul3A_445 = arith.muli %sub3A, %mul3A_444 : i32
      %add3A_446 = arith.constant 80 : i32
      %add3A_447 = arith.addi %mul3A_445, %add3A_446 : i32
      %get3A_448 = arith.index_cast %add3A_447 : i32 to index
      %get3A_449 = tpu.vector_load %arg9[%get3A_448] {strides = array<i32>} : memref<1792xf32, #tpu.memory_space<vmem>>, vector<16xf32>,
      %mul3A_450 = arith.constant 128 : i32
      %mul3A_451 = arith.muli %rem3A_363, %mul3A_450 : i32
      %add3A_452 = arith.constant 80 : i32
      %add3A_453 = arith.addi %mul3A_451, %add3A_452 : i32
      %get3A_454 = arith.index_cast %add3A_453 : i32 to index
      %get3A_455 = tpu.vector_load %arg10[%get3A_454] {strides = array<i32>} : memref<256xf32, #tpu.memory_space<vmem>>, vector<16xf32>,
      %add3A_456 = arith.addf %get3A_449, %get3A_455 : vector<16xf32>
      %swap3A_457 = arith.index_cast %scan3A_358 : i32 to index
      %swap3A_458 = arith.constant 80 : index
      %swap3A_459 = tpu.vector_load %arg12[%swap3A_457, %swap3A_458] {strides = array<i32>} : memref<25x128xf32, #tpu.memory_space<vmem>>, vector<16xf32>,
      tpu.vector_store %arg12[%swap3A_457, %swap3A_458], %add3A_456 {strides = array<i32>} : memref<25x128xf32, #tpu.memory_space<vmem>>, vector<16xf32>,
      %mul3A_460 = arith.constant 128 : i32
      %mul3A_461 = arith.muli %sub3A, %mul3A_460 : i32
      %add3A_462 = arith.constant 96 : i32
      %add3A_463 = arith.addi %mul3A_461, %add3A_462 : i32
      %get3A_464 = arith.index_cast %add3A_463 : i32 to index
      %get3A_465 = tpu.vector_load %arg9[%get3A_464] {strides = array<i32>} : memref<1792xf32, #tpu.memory_space<vmem>>, vector<16xf32>,
      %mul3A_466 = arith.constant 128 : i32
      %mul3A_467 = arith.muli %rem3A_363, %mul3A_466 : i32
      %add3A_468 = arith.constant 96 : i32
      %add3A_469 = arith.addi %mul3A_467, %add3A_468 : i32
      %get3A_470 = arith.index_cast %add3A_469 : i32 to index
      %get3A_471 = tpu.vector_load %arg10[%get3A_470] {strides = array<i32>} : memref<256xf32, #tpu.memory_space<vmem>>, vector<16xf32>,
      %add3A_472 = arith.addf %get3A_465, %get3A_471 : vector<16xf32>
      %swap3A_473 = arith.index_cast %scan3A_358 : i32 to index
      %swap3A_474 = arith.constant 96 : index
      %swap3A_475 = tpu.vector_load %arg12[%swap3A_473, %swap3A_474] {strides = array<i32>} : memref<25x128xf32, #tpu.memory_space<vmem>>, vector<16xf32>,
      tpu.vector_store %arg12[%swap3A_473, %swap3A_474], %add3A_472 {strides = array<i32>} : memref<25x128xf32, #tpu.memory_space<vmem>>, vector<16xf32>,
      %mul3A_476 = arith.constant 128 : i32
      %mul3A_477 = arith.muli %sub3A, %mul3A_476 : i32
      %add3A_478 = arith.constant 112 : i32
      %add3A_479 = arith.addi %mul3A_477, %add3A_478 : i32
      %get3A_480 = arith.index_cast %add3A_479 : i32 to index
      %get3A_481 = tpu.vector_load %arg9[%get3A_480] {strides = array<i32>} : memref<1792xf32, #tpu.memory_space<vmem>>, vector<16xf32>,
      %mul3A_482 = arith.constant 128 : i32
      %mul3A_483 = arith.muli %rem3A_363, %mul3A_482 : i32
      %add3A_484 = arith.constant 112 : i32
      %add3A_485 = arith.addi %mul3A_483, %add3A_484 : i32
      %get3A_486 = arith.index_cast %add3A_485 : i32 to index
      %get3A_487 = tpu.vector_load %arg10[%get3A_486] {strides = array<i32>} : memref<256xf32, #tpu.memory_space<vmem>>, vector<16xf32>,
      %add3A_488 = arith.addf %get3A_481, %get3A_487 : vector<16xf32>
      %swap3A_489 = arith.index_cast %scan3A_358 : i32 to index
      %swap3A_490 = arith.constant 112 : index
      %swap3A_491 = tpu.vector_load %arg12[%swap3A_489, %swap3A_490] {strides = array<i32>} : memref<25x128xf32, #tpu.memory_space<vmem>>, vector<16xf32>,
      tpu.vector_store %arg12[%swap3A_489, %swap3A_490], %add3A_488 {strides = array<i32>} : memref<25x128xf32, #tpu.memory_space<vmem>>, vector<16xf32>,
    }
    %scan3A_43 = arith.constant 25 : i32
    "tpu.region"() ({
      %run_scoped3A = tpu.sem_alloc : memref<!tpu.dma_semaphore, #tpu.memory_space<semaphore_mem>>
      %dma_start3A_358 = arith.constant 0 : i32
      %dma_start3A_359 = tpu.memref_slice %arg23[%mul3A_4, %dma_start3A_358] : memref<400x128xf32, #tpu.memory_space<vmem_shared>> -> memref<25x128xf32, #tpu.memory_space<vmem_shared>>
      %dma_start3A_360 = arith.constant 0 : i32
      %dma_start3A_361 = tpu.memref_slice %arg23[%mul3A_4, %dma_start3A_360] : memref<400x128xf32, #tpu.memory_space<vmem_shared>> -> memref<25x128xf32, #tpu.memory_space<vmem_shared>>
      tpu.enqueue_dma source(%arg12 : memref<25x128xf32, #tpu.memory_space<vmem>>) target(%dma_start3A_361 : memref<25x128xf32, #tpu.memory_space<vmem_shared>>) target_semaphore(%run_scoped3A : memref<!tpu.dma_semaphore, #tpu.memory_space<semaphore_mem>>)
      %dma_wait3A_362 = arith.constant 0 : i32
      %dma_wait3A_363 = tpu.memref_slice %arg23[%mul3A_4, %dma_wait3A_362] : memref<400x128xf32, #tpu.memory_space<vmem_shared>> -> memref<25x128xf32, #tpu.memory_space<vmem_shared>>
      %dma_wait3A_364 = arith.constant 0 : i32
      %dma_wait3A_365 = tpu.memref_slice %arg23[%mul3A_4, %dma_wait3A_364] : memref<400x128xf32, #tpu.memory_space<vmem_shared>> -> memref<25x128xf32, #tpu.memory_space<vmem_shared>>
      tpu.wait_dma2 semaphore(%run_scoped3A : memref<!tpu.dma_semaphore, #tpu.memory_space<semaphore_mem>>) src(%arg12 : memref<25x128xf32, #tpu.memory_space<vmem>>) dst(%dma_wait3A_365 : memref<25x128xf32, #tpu.memory_space<vmem_shared>>)
      tpu.yield
    }) : () -> ()
    %barrier3A = arith.constant 0 : index
    tpu.barrier barrier_id(%barrier3A)
    %iota3A = tpu.iota {dimensions = array<i32: 0>} : vector<16xi32>
    %min3A = arith.constant 0 : i32
    %min3A_44 = arith.constant 49 : i32
    %min3A_45 = arith.minsi %min3A, %min3A_44 : i32
    %mul3A_46 = arith.constant 128 : i32
    %mul3A_47 = arith.muli %min3A_45, %mul3A_46 : i32
    %add3A_48 = arith.addi %mul3A_2, %mul3A_47 : i32
    %dma_start3A = tpu.memref_slice %arg2[%add3A_48] : memref<204800xi32, #tpu.memory_space<hbm>> -> memref<128xi32, #tpu.memory_space<hbm>>
    %dma_start3A_49 = tpu.memref_slice %arg2[%add3A_48] : memref<204800xi32, #tpu.memory_space<hbm>> -> memref<128xi32, #tpu.memory_space<hbm>>
    tpu.enqueue_dma source(%dma_start3A_49 : memref<128xi32, #tpu.memory_space<hbm>>) target(%arg13 : memref<128xi32, #tpu.memory_space<vmem>>) target_semaphore(%arg24 : memref<!tpu.dma_semaphore, #tpu.memory_space<semaphore_mem>>)
    %dma_start3A_50 = tpu.memref_slice %arg3[%add3A_48] : memref<204800xi32, #tpu.memory_space<hbm>> -> memref<128xi32, #tpu.memory_space<hbm>>
    %dma_start3A_51 = tpu.memref_slice %arg3[%add3A_48] : memref<204800xi32, #tpu.memory_space<hbm>> -> memref<128xi32, #tpu.memory_space<hbm>>
    tpu.enqueue_dma source(%dma_start3A_51 : memref<128xi32, #tpu.memory_space<hbm>>) target(%arg15 : memref<128xi32, #tpu.memory_space<vmem>>) target_semaphore(%arg26 : memref<!tpu.dma_semaphore, #tpu.memory_space<semaphore_mem>>)
    %min3A_52 = arith.constant 1 : i32
    %min3A_53 = arith.constant 49 : i32
    %min3A_54 = arith.minsi %min3A_52, %min3A_53 : i32
    %mul3A_55 = arith.constant 128 : i32
    %mul3A_56 = arith.muli %min3A_54, %mul3A_55 : i32
    %add3A_57 = arith.addi %mul3A_2, %mul3A_56 : i32
    %dma_start3A_58 = tpu.memref_slice %arg2[%add3A_57] : memref<204800xi32, #tpu.memory_space<hbm>> -> memref<128xi32, #tpu.memory_space<hbm>>
    %dma_start3A_59 = tpu.memref_slice %arg2[%add3A_57] : memref<204800xi32, #tpu.memory_space<hbm>> -> memref<128xi32, #tpu.memory_space<hbm>>
    tpu.enqueue_dma source(%dma_start3A_59 : memref<128xi32, #tpu.memory_space<hbm>>) target(%arg14 : memref<128xi32, #tpu.memory_space<vmem>>) target_semaphore(%arg25 : memref<!tpu.dma_semaphore, #tpu.memory_space<semaphore_mem>>)
    %dma_start3A_60 = tpu.memref_slice %arg3[%add3A_57] : memref<204800xi32, #tpu.memory_space<hbm>> -> memref<128xi32, #tpu.memory_space<hbm>>
    %dma_start3A_61 = tpu.memref_slice %arg3[%add3A_57] : memref<204800xi32, #tpu.memory_space<hbm>> -> memref<128xi32, #tpu.memory_space<hbm>>
    tpu.enqueue_dma source(%dma_start3A_61 : memref<128xi32, #tpu.memory_space<hbm>>) target(%arg16 : memref<128xi32, #tpu.memory_space<vmem>>) target_semaphore(%arg27 : memref<!tpu.dma_semaphore, #tpu.memory_space<semaphore_mem>>)
    %dma_wait3A = arith.constant 0 : i32
    %dma_wait3A_62 = tpu.memref_slice %arg2[%dma_wait3A] : memref<204800xi32, #tpu.memory_space<hbm>> -> memref<128xi32, #tpu.memory_space<hbm>>
    %dma_wait3A_63 = arith.constant 0 : i32
    %dma_wait3A_64 = tpu.memref_slice %arg2[%dma_wait3A_63] : memref<204800xi32, #tpu.memory_space<hbm>> -> memref<128xi32, #tpu.memory_space<hbm>>
    tpu.wait_dma2 semaphore(%arg24 : memref<!tpu.dma_semaphore, #tpu.memory_space<semaphore_mem>>) src(%dma_wait3A_64 : memref<128xi32, #tpu.memory_space<hbm>>) dst(%arg13 : memref<128xi32, #tpu.memory_space<vmem>>)
    %dma_wait3A_65 = arith.constant 0 : i32
    %dma_wait3A_66 = tpu.memref_slice %arg3[%dma_wait3A_65] : memref<204800xi32, #tpu.memory_space<hbm>> -> memref<128xi32, #tpu.memory_space<hbm>>
    %dma_wait3A_67 = arith.constant 0 : i32
    %dma_wait3A_68 = tpu.memref_slice %arg3[%dma_wait3A_67] : memref<204800xi32, #tpu.memory_space<hbm>> -> memref<128xi32, #tpu.memory_space<hbm>>
    tpu.wait_dma2 semaphore(%arg26 : memref<!tpu.dma_semaphore, #tpu.memory_space<semaphore_mem>>) src(%dma_wait3A_68 : memref<128xi32, #tpu.memory_space<hbm>>) dst(%arg15 : memref<128xi32, #tpu.memory_space<vmem>>)
    %dma_start3A_69 = arith.constant 0 : i32
    %dma_start3A_70 = arith.constant 0 : i32
    %dma_start3A_71 = tpu.memref_slice %arg4[%dma_start3A_69, %dma_start3A_70] : memref<100000x128xf32, #tpu.memory_space<hbm>> -> memref<100000x128xf32, #tpu.memory_space<hbm>>
    tpu.enqueue_indirect_dma source(%dma_start3A_71 : memref<100000x128xf32, #tpu.memory_space<hbm>>) target(%arg19 : memref<128x128xf32, #tpu.memory_space<vmem>>) offsets(%arg13 : memref<128xi32, #tpu.memory_space<vmem>>) semaphore(%arg28 : memref<!tpu.dma_semaphore, #tpu.memory_space<semaphore_mem>>)
    %min3A_72 = arith.constant 0 : i32
    %min3A_73 = arith.constant 49 : i32
    %min3A_74 = arith.minsi %min3A_72, %min3A_73 : i32
    %mul3A_75 = arith.constant 128 : i32
    %mul3A_76 = arith.muli %min3A_74, %mul3A_75 : i32
    %add3A_77 = arith.addi %mul3A_2, %mul3A_76 : i32
    %get3A_78 = arith.constant 0 : index
    %get3A_79 = tpu.vector_load %arg15[%get3A_78] {strides = array<i32>} : memref<128xi32, #tpu.memory_space<vmem>>, vector<16xi32>,
    %add3A_80 = arith.constant 0 : i32
    %add3A_81 = arith.addi %add3A_77, %add3A_80 : i32
    %broadcast_in_dim3A = vector.broadcast %add3A_81 : i32 to vector<16xi32>
    %add3A_82 = arith.addi %broadcast_in_dim3A, %iota3A : vector<16xi32>
    %rem3A = arith.constant 200 : i32
    %rem3A_83 = vector.broadcast %rem3A : i32 to vector<16xi32>
    %rem3A_84 = arith.remsi %add3A_82, %rem3A_83 : vector<16xi32>
    %mul3A_85 = arith.constant 2 : i32
    %mul3A_86 = vector.broadcast %mul3A_85 : i32 to vector<16xi32>
    %mul3A_87 = arith.muli %mul3A_86, %rem3A_84 : vector<16xi32>
    %add3A_88 = arith.addi %mul3A_87, %get3A_79 : vector<16xi32>
    %swap3A = arith.constant 0 : index
    %swap3A_89 = tpu.vector_load %arg17[%swap3A] {strides = array<i32>} : memref<128xi32, #tpu.memory_space<vmem>>, vector<16xi32>,
    tpu.vector_store %arg17[%swap3A], %add3A_88 {strides = array<i32>} : memref<128xi32, #tpu.memory_space<vmem>>, vector<16xi32>,
    %get3A_90 = arith.constant 16 : index
    %get3A_91 = tpu.vector_load %arg15[%get3A_90] {strides = array<i32>} : memref<128xi32, #tpu.memory_space<vmem>>, vector<16xi32>,
    %add3A_92 = arith.constant 16 : i32
    %add3A_93 = arith.addi %add3A_77, %add3A_92 : i32
    %broadcast_in_dim3A_94 = vector.broadcast %add3A_93 : i32 to vector<16xi32>
    %add3A_95 = arith.addi %broadcast_in_dim3A_94, %iota3A : vector<16xi32>
    %rem3A_96 = arith.constant 200 : i32
    %rem3A_97 = vector.broadcast %rem3A_96 : i32 to vector<16xi32>
    %rem3A_98 = arith.remsi %add3A_95, %rem3A_97 : vector<16xi32>
    %mul3A_99 = arith.constant 2 : i32
    %mul3A_100 = vector.broadcast %mul3A_99 : i32 to vector<16xi32>
    %mul3A_101 = arith.muli %mul3A_100, %rem3A_98 : vector<16xi32>
    %add3A_102 = arith.addi %mul3A_101, %get3A_91 : vector<16xi32>
    %swap3A_103 = arith.constant 16 : index
    %swap3A_104 = tpu.vector_load %arg17[%swap3A_103] {strides = array<i32>} : memref<128xi32, #tpu.memory_space<vmem>>, vector<16xi32>,
    tpu.vector_store %arg17[%swap3A_103], %add3A_102 {strides = array<i32>} : memref<128xi32, #tpu.memory_space<vmem>>, vector<16xi32>,
    %get3A_105 = arith.constant 32 : index
    %get3A_106 = tpu.vector_load %arg15[%get3A_105] {strides = array<i32>} : memref<128xi32, #tpu.memory_space<vmem>>, vector<16xi32>,
    %add3A_107 = arith.constant 32 : i32
    %add3A_108 = arith.addi %add3A_77, %add3A_107 : i32
    %broadcast_in_dim3A_109 = vector.broadcast %add3A_108 : i32 to vector<16xi32>
    %add3A_110 = arith.addi %broadcast_in_dim3A_109, %iota3A : vector<16xi32>
    %rem3A_111 = arith.constant 200 : i32
    %rem3A_112 = vector.broadcast %rem3A_111 : i32 to vector<16xi32>
    %rem3A_113 = arith.remsi %add3A_110, %rem3A_112 : vector<16xi32>
    %mul3A_114 = arith.constant 2 : i32
    %mul3A_115 = vector.broadcast %mul3A_114 : i32 to vector<16xi32>
    %mul3A_116 = arith.muli %mul3A_115, %rem3A_113 : vector<16xi32>
    %add3A_117 = arith.addi %mul3A_116, %get3A_106 : vector<16xi32>
    %swap3A_118 = arith.constant 32 : index
    %swap3A_119 = tpu.vector_load %arg17[%swap3A_118] {strides = array<i32>} : memref<128xi32, #tpu.memory_space<vmem>>, vector<16xi32>,
    tpu.vector_store %arg17[%swap3A_118], %add3A_117 {strides = array<i32>} : memref<128xi32, #tpu.memory_space<vmem>>, vector<16xi32>,
    %get3A_120 = arith.constant 48 : index
    %get3A_121 = tpu.vector_load %arg15[%get3A_120] {strides = array<i32>} : memref<128xi32, #tpu.memory_space<vmem>>, vector<16xi32>,
    %add3A_122 = arith.constant 48 : i32
    %add3A_123 = arith.addi %add3A_77, %add3A_122 : i32
    %broadcast_in_dim3A_124 = vector.broadcast %add3A_123 : i32 to vector<16xi32>
    %add3A_125 = arith.addi %broadcast_in_dim3A_124, %iota3A : vector<16xi32>
    %rem3A_126 = arith.constant 200 : i32
    %rem3A_127 = vector.broadcast %rem3A_126 : i32 to vector<16xi32>
    %rem3A_128 = arith.remsi %add3A_125, %rem3A_127 : vector<16xi32>
    %mul3A_129 = arith.constant 2 : i32
    %mul3A_130 = vector.broadcast %mul3A_129 : i32 to vector<16xi32>
    %mul3A_131 = arith.muli %mul3A_130, %rem3A_128 : vector<16xi32>
    %add3A_132 = arith.addi %mul3A_131, %get3A_121 : vector<16xi32>
    %swap3A_133 = arith.constant 48 : index
    %swap3A_134 = tpu.vector_load %arg17[%swap3A_133] {strides = array<i32>} : memref<128xi32, #tpu.memory_space<vmem>>, vector<16xi32>,
    tpu.vector_store %arg17[%swap3A_133], %add3A_132 {strides = array<i32>} : memref<128xi32, #tpu.memory_space<vmem>>, vector<16xi32>,
    %get3A_135 = arith.constant 64 : index
    %get3A_136 = tpu.vector_load %arg15[%get3A_135] {strides = array<i32>} : memref<128xi32, #tpu.memory_space<vmem>>, vector<16xi32>,
    %add3A_137 = arith.constant 64 : i32
    %add3A_138 = arith.addi %add3A_77, %add3A_137 : i32
    %broadcast_in_dim3A_139 = vector.broadcast %add3A_138 : i32 to vector<16xi32>
    %add3A_140 = arith.addi %broadcast_in_dim3A_139, %iota3A : vector<16xi32>
    %rem3A_141 = arith.constant 200 : i32
    %rem3A_142 = vector.broadcast %rem3A_141 : i32 to vector<16xi32>
    %rem3A_143 = arith.remsi %add3A_140, %rem3A_142 : vector<16xi32>
    %mul3A_144 = arith.constant 2 : i32
    %mul3A_145 = vector.broadcast %mul3A_144 : i32 to vector<16xi32>
    %mul3A_146 = arith.muli %mul3A_145, %rem3A_143 : vector<16xi32>
    %add3A_147 = arith.addi %mul3A_146, %get3A_136 : vector<16xi32>
    %swap3A_148 = arith.constant 64 : index
    %swap3A_149 = tpu.vector_load %arg17[%swap3A_148] {strides = array<i32>} : memref<128xi32, #tpu.memory_space<vmem>>, vector<16xi32>,
    tpu.vector_store %arg17[%swap3A_148], %add3A_147 {strides = array<i32>} : memref<128xi32, #tpu.memory_space<vmem>>, vector<16xi32>,
    %get3A_150 = arith.constant 80 : index
    %get3A_151 = tpu.vector_load %arg15[%get3A_150] {strides = array<i32>} : memref<128xi32, #tpu.memory_space<vmem>>, vector<16xi32>,
    %add3A_152 = arith.constant 80 : i32
    %add3A_153 = arith.addi %add3A_77, %add3A_152 : i32
    %broadcast_in_dim3A_154 = vector.broadcast %add3A_153 : i32 to vector<16xi32>
    %add3A_155 = arith.addi %broadcast_in_dim3A_154, %iota3A : vector<16xi32>
    %rem3A_156 = arith.constant 200 : i32
    %rem3A_157 = vector.broadcast %rem3A_156 : i32 to vector<16xi32>
    %rem3A_158 = arith.remsi %add3A_155, %rem3A_157 : vector<16xi32>
    %mul3A_159 = arith.constant 2 : i32
    %mul3A_160 = vector.broadcast %mul3A_159 : i32 to vector<16xi32>
    %mul3A_161 = arith.muli %mul3A_160, %rem3A_158 : vector<16xi32>
    %add3A_162 = arith.addi %mul3A_161, %get3A_151 : vector<16xi32>
    %swap3A_163 = arith.constant 80 : index
    %swap3A_164 = tpu.vector_load %arg17[%swap3A_163] {strides = array<i32>} : memref<128xi32, #tpu.memory_space<vmem>>, vector<16xi32>,
    tpu.vector_store %arg17[%swap3A_163], %add3A_162 {strides = array<i32>} : memref<128xi32, #tpu.memory_space<vmem>>, vector<16xi32>,
    %get3A_165 = arith.constant 96 : index
    %get3A_166 = tpu.vector_load %arg15[%get3A_165] {strides = array<i32>} : memref<128xi32, #tpu.memory_space<vmem>>, vector<16xi32>,
    %add3A_167 = arith.constant 96 : i32
    %add3A_168 = arith.addi %add3A_77, %add3A_167 : i32
    %broadcast_in_dim3A_169 = vector.broadcast %add3A_168 : i32 to vector<16xi32>
    %add3A_170 = arith.addi %broadcast_in_dim3A_169, %iota3A : vector<16xi32>
    %rem3A_171 = arith.constant 200 : i32
    %rem3A_172 = vector.broadcast %rem3A_171 : i32 to vector<16xi32>
    %rem3A_173 = arith.remsi %add3A_170, %rem3A_172 : vector<16xi32>
    %mul3A_174 = arith.constant 2 : i32
    %mul3A_175 = vector.broadcast %mul3A_174 : i32 to vector<16xi32>
    %mul3A_176 = arith.muli %mul3A_175, %rem3A_173 : vector<16xi32>
    %add3A_177 = arith.addi %mul3A_176, %get3A_166 : vector<16xi32>
    %swap3A_178 = arith.constant 96 : index
    %swap3A_179 = tpu.vector_load %arg17[%swap3A_178] {strides = array<i32>} : memref<128xi32, #tpu.memory_space<vmem>>, vector<16xi32>,
    tpu.vector_store %arg17[%swap3A_178], %add3A_177 {strides = array<i32>} : memref<128xi32, #tpu.memory_space<vmem>>, vector<16xi32>,
    %get3A_180 = arith.constant 112 : index
    %get3A_181 = tpu.vector_load %arg15[%get3A_180] {strides = array<i32>} : memref<128xi32, #tpu.memory_space<vmem>>, vector<16xi32>,
    %add3A_182 = arith.constant 112 : i32
    %add3A_183 = arith.addi %add3A_77, %add3A_182 : i32
    %broadcast_in_dim3A_184 = vector.broadcast %add3A_183 : i32 to vector<16xi32>
    %add3A_185 = arith.addi %broadcast_in_dim3A_184, %iota3A : vector<16xi32>
    %rem3A_186 = arith.constant 200 : i32
    %rem3A_187 = vector.broadcast %rem3A_186 : i32 to vector<16xi32>
    %rem3A_188 = arith.remsi %add3A_185, %rem3A_187 : vector<16xi32>
    %mul3A_189 = arith.constant 2 : i32
    %mul3A_190 = vector.broadcast %mul3A_189 : i32 to vector<16xi32>
    %mul3A_191 = arith.muli %mul3A_190, %rem3A_188 : vector<16xi32>
    %add3A_192 = arith.addi %mul3A_191, %get3A_181 : vector<16xi32>
    %swap3A_193 = arith.constant 112 : index
    %swap3A_194 = tpu.vector_load %arg17[%swap3A_193] {strides = array<i32>} : memref<128xi32, #tpu.memory_space<vmem>>, vector<16xi32>,
    tpu.vector_store %arg17[%swap3A_193], %add3A_192 {strides = array<i32>} : memref<128xi32, #tpu.memory_space<vmem>>, vector<16xi32>,
    %dma_wait3A_195 = arith.constant 0 : i32
    %dma_wait3A_196 = arith.constant 0 : i32
    %dma_wait3A_197 = tpu.memref_slice %arg4[%dma_wait3A_195, %dma_wait3A_196] : memref<100000x128xf32, #tpu.memory_space<hbm>> -> memref<100000x128xf32, #tpu.memory_space<hbm>>
    tpu.wait_indirect_dma semaphore(%arg28 : memref<!tpu.dma_semaphore, #tpu.memory_space<semaphore_mem>>) src(%dma_wait3A_197 : memref<100000x128xf32, #tpu.memory_space<hbm>>) dst(%arg19 : memref<128x128xf32, #tpu.memory_space<vmem>>)
    %dma_start3A_198 = arith.constant 0 : i32
    %dma_start3A_199 = arith.constant 0 : i32
    %dma_start3A_200 = tpu.memref_slice %arg23[%dma_start3A_198, %dma_start3A_199] : memref<400x128xf32, #tpu.memory_space<vmem_shared>> -> memref<400x128xf32, #tpu.memory_space<vmem_shared>>
    tpu.enqueue_indirect_dma source(%dma_start3A_200 : memref<400x128xf32, #tpu.memory_space<vmem_shared>>) target(%arg19 : memref<128x128xf32, #tpu.memory_space<vmem>>) offsets(%arg17 : memref<128xi32, #tpu.memory_space<vmem>>) semaphore(%arg30 : memref<!tpu.dma_semaphore, #tpu.memory_space<semaphore_mem>>) {add = true}
    %dma_wait3A_201 = arith.constant 0 : i32
    %dma_wait3A_202 = tpu.memref_slice %arg2[%dma_wait3A_201] : memref<204800xi32, #tpu.memory_space<hbm>> -> memref<128xi32, #tpu.memory_space<hbm>>
    %dma_wait3A_203 = arith.constant 0 : i32
    %dma_wait3A_204 = tpu.memref_slice %arg2[%dma_wait3A_203] : memref<204800xi32, #tpu.memory_space<hbm>> -> memref<128xi32, #tpu.memory_space<hbm>>
    tpu.wait_dma2 semaphore(%arg25 : memref<!tpu.dma_semaphore, #tpu.memory_space<semaphore_mem>>) src(%dma_wait3A_204 : memref<128xi32, #tpu.memory_space<hbm>>) dst(%arg14 : memref<128xi32, #tpu.memory_space<vmem>>)
    %dma_wait3A_205 = arith.constant 0 : i32
    %dma_wait3A_206 = tpu.memref_slice %arg3[%dma_wait3A_205] : memref<204800xi32, #tpu.memory_space<hbm>> -> memref<128xi32, #tpu.memory_space<hbm>>
    %dma_wait3A_207 = arith.constant 0 : i32
    %dma_wait3A_208 = tpu.memref_slice %arg3[%dma_wait3A_207] : memref<204800xi32, #tpu.memory_space<hbm>> -> memref<128xi32, #tpu.memory_space<hbm>>
    tpu.wait_dma2 semaphore(%arg27 : memref<!tpu.dma_semaphore, #tpu.memory_space<semaphore_mem>>) src(%dma_wait3A_208 : memref<128xi32, #tpu.memory_space<hbm>>) dst(%arg16 : memref<128xi32, #tpu.memory_space<vmem>>)
    %dma_start3A_209 = arith.constant 0 : i32
    %dma_start3A_210 = arith.constant 0 : i32
    %dma_start3A_211 = tpu.memref_slice %arg4[%dma_start3A_209, %dma_start3A_210] : memref<100000x128xf32, #tpu.memory_space<hbm>> -> memref<100000x128xf32, #tpu.memory_space<hbm>>
    tpu.enqueue_indirect_dma source(%dma_start3A_211 : memref<100000x128xf32, #tpu.memory_space<hbm>>) target(%arg20 : memref<128x128xf32, #tpu.memory_space<vmem>>) offsets(%arg14 : memref<128xi32, #tpu.memory_space<vmem>>) semaphore(%arg29 : memref<!tpu.dma_semaphore, #tpu.memory_space<semaphore_mem>>)
    %min3A_212 = arith.constant 1 : i32
    %min3A_213 = arith.constant 49 : i32
    %min3A_214 = arith.minsi %min3A_212, %min3A_213 : i32
    %mul3A_215 = arith.constant 128 : i32
    %mul3A_216 = arith.muli %min3A_214, %mul3A_215 : i32
    %add3A_217 = arith.addi %mul3A_2, %mul3A_216 : i32
    %get3A_218 = arith.constant 0 : index
    %get3A_219 = tpu.vector_load %arg16[%get3A_218] {strides = array<i32>} : memref<128xi32, #tpu.memory_space<vmem>>, vector<16xi32>,
    %add3A_220 = arith.constant 0 : i32
    %add3A_221 = arith.addi %add3A_217, %add3A_220 : i32
    %broadcast_in_dim3A_222 = vector.broadcast %add3A_221 : i32 to vector<16xi32>
    %add3A_223 = arith.addi %broadcast_in_dim3A_222, %iota3A : vector<16xi32>
    %rem3A_224 = arith.constant 200 : i32
    %rem3A_225 = vector.broadcast %rem3A_224 : i32 to vector<16xi32>
    %rem3A_226 = arith.remsi %add3A_223, %rem3A_225 : vector<16xi32>
    %mul3A_227 = arith.constant 2 : i32
    %mul3A_228 = vector.broadcast %mul3A_227 : i32 to vector<16xi32>
    %mul3A_229 = arith.muli %mul3A_228, %rem3A_226 : vector<16xi32>
    %add3A_230 = arith.addi %mul3A_229, %get3A_219 : vector<16xi32>
    %swap3A_231 = arith.constant 0 : index
    %swap3A_232 = tpu.vector_load %arg18[%swap3A_231] {strides = array<i32>} : memref<128xi32, #tpu.memory_space<vmem>>, vector<16xi32>,
    tpu.vector_store %arg18[%swap3A_231], %add3A_230 {strides = array<i32>} : memref<128xi32, #tpu.memory_space<vmem>>, vector<16xi32>,
    %get3A_233 = arith.constant 16 : index
    %get3A_234 = tpu.vector_load %arg16[%get3A_233] {strides = array<i32>} : memref<128xi32, #tpu.memory_space<vmem>>, vector<16xi32>,
    %add3A_235 = arith.constant 16 : i32
    %add3A_236 = arith.addi %add3A_217, %add3A_235 : i32
    %broadcast_in_dim3A_237 = vector.broadcast %add3A_236 : i32 to vector<16xi32>
    %add3A_238 = arith.addi %broadcast_in_dim3A_237, %iota3A : vector<16xi32>
    %rem3A_239 = arith.constant 200 : i32
    %rem3A_240 = vector.broadcast %rem3A_239 : i32 to vector<16xi32>
    %rem3A_241 = arith.remsi %add3A_238, %rem3A_240 : vector<16xi32>
    %mul3A_242 = arith.constant 2 : i32
    %mul3A_243 = vector.broadcast %mul3A_242 : i32 to vector<16xi32>
    %mul3A_244 = arith.muli %mul3A_243, %rem3A_241 : vector<16xi32>
    %add3A_245 = arith.addi %mul3A_244, %get3A_234 : vector<16xi32>
    %swap3A_246 = arith.constant 16 : index
    %swap3A_247 = tpu.vector_load %arg18[%swap3A_246] {strides = array<i32>} : memref<128xi32, #tpu.memory_space<vmem>>, vector<16xi32>,
    tpu.vector_store %arg18[%swap3A_246], %add3A_245 {strides = array<i32>} : memref<128xi32, #tpu.memory_space<vmem>>, vector<16xi32>,
    %get3A_248 = arith.constant 32 : index
    %get3A_249 = tpu.vector_load %arg16[%get3A_248] {strides = array<i32>} : memref<128xi32, #tpu.memory_space<vmem>>, vector<16xi32>,
    %add3A_250 = arith.constant 32 : i32
    %add3A_251 = arith.addi %add3A_217, %add3A_250 : i32
    %broadcast_in_dim3A_252 = vector.broadcast %add3A_251 : i32 to vector<16xi32>
    %add3A_253 = arith.addi %broadcast_in_dim3A_252, %iota3A : vector<16xi32>
    %rem3A_254 = arith.constant 200 : i32
    %rem3A_255 = vector.broadcast %rem3A_254 : i32 to vector<16xi32>
    %rem3A_256 = arith.remsi %add3A_253, %rem3A_255 : vector<16xi32>
    %mul3A_257 = arith.constant 2 : i32
    %mul3A_258 = vector.broadcast %mul3A_257 : i32 to vector<16xi32>
    %mul3A_259 = arith.muli %mul3A_258, %rem3A_256 : vector<16xi32>
    %add3A_260 = arith.addi %mul3A_259, %get3A_249 : vector<16xi32>
    %swap3A_261 = arith.constant 32 : index
    %swap3A_262 = tpu.vector_load %arg18[%swap3A_261] {strides = array<i32>} : memref<128xi32, #tpu.memory_space<vmem>>, vector<16xi32>,
    tpu.vector_store %arg18[%swap3A_261], %add3A_260 {strides = array<i32>} : memref<128xi32, #tpu.memory_space<vmem>>, vector<16xi32>,
    %get3A_263 = arith.constant 48 : index
    %get3A_264 = tpu.vector_load %arg16[%get3A_263] {strides = array<i32>} : memref<128xi32, #tpu.memory_space<vmem>>, vector<16xi32>,
    %add3A_265 = arith.constant 48 : i32
    %add3A_266 = arith.addi %add3A_217, %add3A_265 : i32
    %broadcast_in_dim3A_267 = vector.broadcast %add3A_266 : i32 to vector<16xi32>
    %add3A_268 = arith.addi %broadcast_in_dim3A_267, %iota3A : vector<16xi32>
    %rem3A_269 = arith.constant 200 : i32
    %rem3A_270 = vector.broadcast %rem3A_269 : i32 to vector<16xi32>
    %rem3A_271 = arith.remsi %add3A_268, %rem3A_270 : vector<16xi32>
    %mul3A_272 = arith.constant 2 : i32
    %mul3A_273 = vector.broadcast %mul3A_272 : i32 to vector<16xi32>
    %mul3A_274 = arith.muli %mul3A_273, %rem3A_271 : vector<16xi32>
    %add3A_275 = arith.addi %mul3A_274, %get3A_264 : vector<16xi32>
    %swap3A_276 = arith.constant 48 : index
    %swap3A_277 = tpu.vector_load %arg18[%swap3A_276] {strides = array<i32>} : memref<128xi32, #tpu.memory_space<vmem>>, vector<16xi32>,
    tpu.vector_store %arg18[%swap3A_276], %add3A_275 {strides = array<i32>} : memref<128xi32, #tpu.memory_space<vmem>>, vector<16xi32>,
    %get3A_278 = arith.constant 64 : index
    %get3A_279 = tpu.vector_load %arg16[%get3A_278] {strides = array<i32>} : memref<128xi32, #tpu.memory_space<vmem>>, vector<16xi32>,
    %add3A_280 = arith.constant 64 : i32
    %add3A_281 = arith.addi %add3A_217, %add3A_280 : i32
    %broadcast_in_dim3A_282 = vector.broadcast %add3A_281 : i32 to vector<16xi32>
    %add3A_283 = arith.addi %broadcast_in_dim3A_282, %iota3A : vector<16xi32>
    %rem3A_284 = arith.constant 200 : i32
    %rem3A_285 = vector.broadcast %rem3A_284 : i32 to vector<16xi32>
    %rem3A_286 = arith.remsi %add3A_283, %rem3A_285 : vector<16xi32>
    %mul3A_287 = arith.constant 2 : i32
    %mul3A_288 = vector.broadcast %mul3A_287 : i32 to vector<16xi32>
    %mul3A_289 = arith.muli %mul3A_288, %rem3A_286 : vector<16xi32>
    %add3A_290 = arith.addi %mul3A_289, %get3A_279 : vector<16xi32>
    %swap3A_291 = arith.constant 64 : index
    %swap3A_292 = tpu.vector_load %arg18[%swap3A_291] {strides = array<i32>} : memref<128xi32, #tpu.memory_space<vmem>>, vector<16xi32>,
    tpu.vector_store %arg18[%swap3A_291], %add3A_290 {strides = array<i32>} : memref<128xi32, #tpu.memory_space<vmem>>, vector<16xi32>,
    %get3A_293 = arith.constant 80 : index
    %get3A_294 = tpu.vector_load %arg16[%get3A_293] {strides = array<i32>} : memref<128xi32, #tpu.memory_space<vmem>>, vector<16xi32>,
    %add3A_295 = arith.constant 80 : i32
    %add3A_296 = arith.addi %add3A_217, %add3A_295 : i32
    %broadcast_in_dim3A_297 = vector.broadcast %add3A_296 : i32 to vector<16xi32>
    %add3A_298 = arith.addi %broadcast_in_dim3A_297, %iota3A : vector<16xi32>
    %rem3A_299 = arith.constant 200 : i32
    %rem3A_300 = vector.broadcast %rem3A_299 : i32 to vector<16xi32>
    %rem3A_301 = arith.remsi %add3A_298, %rem3A_300 : vector<16xi32>
    %mul3A_302 = arith.constant 2 : i32
    %mul3A_303 = vector.broadcast %mul3A_302 : i32 to vector<16xi32>
    %mul3A_304 = arith.muli %mul3A_303, %rem3A_301 : vector<16xi32>
    %add3A_305 = arith.addi %mul3A_304, %get3A_294 : vector<16xi32>
    %swap3A_306 = arith.constant 80 : index
    %swap3A_307 = tpu.vector_load %arg18[%swap3A_306] {strides = array<i32>} : memref<128xi32, #tpu.memory_space<vmem>>, vector<16xi32>,
    tpu.vector_store %arg18[%swap3A_306], %add3A_305 {strides = array<i32>} : memref<128xi32, #tpu.memory_space<vmem>>, vector<16xi32>,
    %get3A_308 = arith.constant 96 : index
    %get3A_309 = tpu.vector_load %arg16[%get3A_308] {strides = array<i32>} : memref<128xi32, #tpu.memory_space<vmem>>, vector<16xi32>,
    %add3A_310 = arith.constant 96 : i32
    %add3A_311 = arith.addi %add3A_217, %add3A_310 : i32
    %broadcast_in_dim3A_312 = vector.broadcast %add3A_311 : i32 to vector<16xi32>
    %add3A_313 = arith.addi %broadcast_in_dim3A_312, %iota3A : vector<16xi32>
    %rem3A_314 = arith.constant 200 : i32
    %rem3A_315 = vector.broadcast %rem3A_314 : i32 to vector<16xi32>
    %rem3A_316 = arith.remsi %add3A_313, %rem3A_315 : vector<16xi32>
    %mul3A_317 = arith.constant 2 : i32
    %mul3A_318 = vector.broadcast %mul3A_317 : i32 to vector<16xi32>
    %mul3A_319 = arith.muli %mul3A_318, %rem3A_316 : vector<16xi32>
    %add3A_320 = arith.addi %mul3A_319, %get3A_309 : vector<16xi32>
    %swap3A_321 = arith.constant 96 : index
    %swap3A_322 = tpu.vector_load %arg18[%swap3A_321] {strides = array<i32>} : memref<128xi32, #tpu.memory_space<vmem>>, vector<16xi32>,
    tpu.vector_store %arg18[%swap3A_321], %add3A_320 {strides = array<i32>} : memref<128xi32, #tpu.memory_space<vmem>>, vector<16xi32>,
    %get3A_323 = arith.constant 112 : index
    %get3A_324 = tpu.vector_load %arg16[%get3A_323] {strides = array<i32>} : memref<128xi32, #tpu.memory_space<vmem>>, vector<16xi32>,
    %add3A_325 = arith.constant 112 : i32
    %add3A_326 = arith.addi %add3A_217, %add3A_325 : i32
    %broadcast_in_dim3A_327 = vector.broadcast %add3A_326 : i32 to vector<16xi32>
    %add3A_328 = arith.addi %broadcast_in_dim3A_327, %iota3A : vector<16xi32>
    %rem3A_329 = arith.constant 200 : i32
    %rem3A_330 = vector.broadcast %rem3A_329 : i32 to vector<16xi32>
    %rem3A_331 = arith.remsi %add3A_328, %rem3A_330 : vector<16xi32>
    %mul3A_332 = arith.constant 2 : i32
    %mul3A_333 = vector.broadcast %mul3A_332 : i32 to vector<16xi32>
    %mul3A_334 = arith.muli %mul3A_333, %rem3A_331 : vector<16xi32>
    %add3A_335 = arith.addi %mul3A_334, %get3A_324 : vector<16xi32>
    %swap3A_336 = arith.constant 112 : index
    %swap3A_337 = tpu.vector_load %arg18[%swap3A_336] {strides = array<i32>} : memref<128xi32, #tpu.memory_space<vmem>>, vector<16xi32>,
    tpu.vector_store %arg18[%swap3A_336], %add3A_335 {strides = array<i32>} : memref<128xi32, #tpu.memory_space<vmem>>, vector<16xi32>,
    %scan3A_338 = arith.constant 0 : i32
    %scan3A_339 = arith.constant 0 : i32
    %scan3A_340 = arith.constant 25 : i32
    %scan3A_341 = arith.addi %scan3A_339, %scan3A_340 : i32
    %scan3A_342 = arith.constant 1 : i32
    scf.for %scan3A_358 = %scan3A_339 to %scan3A_341 step %scan3A_342  : i32 {
      %mul3A_359 = arith.constant 2 : i32
      %mul3A_360 = arith.muli %mul3A_359, %scan3A_358 : i32
      %dma_wait3A_361 = arith.constant 0 : i32
      %dma_wait3A_362 = arith.constant 0 : i32
      %dma_wait3A_363 = tpu.memref_slice %arg23[%dma_wait3A_361, %dma_wait3A_362] : memref<400x128xf32, #tpu.memory_space<vmem_shared>> -> memref<400x128xf32, #tpu.memory_space<vmem_shared>>
      tpu.wait_indirect_dma semaphore(%arg30 : memref<!tpu.dma_semaphore, #tpu.memory_space<semaphore_mem>>) src(%dma_wait3A_363 : memref<400x128xf32, #tpu.memory_space<vmem_shared>>) dst(%arg19 : memref<128x128xf32, #tpu.memory_space<vmem>>)
      %add3A_364 = arith.constant 2 : i32
      %add3A_365 = arith.addi %mul3A_360, %add3A_364 : i32
      %min3A_366 = arith.constant 49 : i32
      %min3A_367 = arith.minsi %add3A_365, %min3A_366 : i32
      %mul3A_368 = arith.constant 128 : i32
      %mul3A_369 = arith.muli %min3A_367, %mul3A_368 : i32
      %add3A_370 = arith.addi %mul3A_2, %mul3A_369 : i32
      %dma_start3A_371 = tpu.memref_slice %arg2[%add3A_370] : memref<204800xi32, #tpu.memory_space<hbm>> -> memref<128xi32, #tpu.memory_space<hbm>>
      %dma_start3A_372 = tpu.memref_slice %arg2[%add3A_370] : memref<204800xi32, #tpu.memory_space<hbm>> -> memref<128xi32, #tpu.memory_space<hbm>>
      tpu.enqueue_dma source(%dma_start3A_372 : memref<128xi32, #tpu.memory_space<hbm>>) target(%arg13 : memref<128xi32, #tpu.memory_space<vmem>>) target_semaphore(%arg24 : memref<!tpu.dma_semaphore, #tpu.memory_space<semaphore_mem>>)
      %dma_start3A_373 = tpu.memref_slice %arg3[%add3A_370] : memref<204800xi32, #tpu.memory_space<hbm>> -> memref<128xi32, #tpu.memory_space<hbm>>
      %dma_start3A_374 = tpu.memref_slice %arg3[%add3A_370] : memref<204800xi32, #tpu.memory_space<hbm>> -> memref<128xi32, #tpu.memory_space<hbm>>
      tpu.enqueue_dma source(%dma_start3A_374 : memref<128xi32, #tpu.memory_space<hbm>>) target(%arg15 : memref<128xi32, #tpu.memory_space<vmem>>) target_semaphore(%arg26 : memref<!tpu.dma_semaphore, #tpu.memory_space<semaphore_mem>>)
      %ge3A = arith.constant 1 : i32
      %ge3A_375 = arith.cmpi sge, %scan3A_358, %ge3A : i32
      %convert_element_type3A = arith.extui %ge3A_375 : i1 to i32
      %cond3A = arith.constant 0 : i32
      %cond3A_376 = arith.cmpi ne, %convert_element_type3A, %cond3A : i32
      scf.if %cond3A_376 {
        %dma_wait3A_726 = arith.constant 0 : i32
        %dma_wait3A_727 = tpu.memref_slice %arg8[%mul3A_2, %dma_wait3A_726] : memref<204800x128xf32, #tpu.memory_space<hbm>> -> memref<128x128xf32, #tpu.memory_space<hbm>>
        %dma_wait3A_728 = arith.constant 0 : i32
        %dma_wait3A_729 = tpu.memref_slice %arg8[%mul3A_2, %dma_wait3A_728] : memref<204800x128xf32, #tpu.memory_space<hbm>> -> memref<128x128xf32, #tpu.memory_space<hbm>>
        tpu.wait_dma2 semaphore(%arg32 : memref<!tpu.dma_semaphore, #tpu.memory_space<semaphore_mem>>) src(%arg21 : memref<128x128xf32, #tpu.memory_space<vmem>>) dst(%dma_wait3A_729 : memref<128x128xf32, #tpu.memory_space<hbm>>)
      } else {
      }
      %scan3A_377 = arith.constant 0 : i32
      %scan3A_378 = arith.constant 0 : i32
      %scan3A_379 = arith.constant 104 : i32
      %scan3A_380 = arith.addi %scan3A_378, %scan3A_379 : i32
      %scan3A_381 = arith.constant 1 : i32
      scf.for %scan3A_726 = %scan3A_378 to %scan3A_380 step %scan3A_381  : i32 {
        %mul3A_727 = arith.constant 1 : i32
        %mul3A_728 = arith.muli %scan3A_726, %mul3A_727 : i32
        %add3A_729 = arith.constant 0 : i32
        %add3A_730 = arith.addi %mul3A_728, %add3A_729 : i32
        %get3A_731 = arith.index_cast %add3A_730 : i32 to index
        %get3A_732 = arith.constant 0 : index
        %get3A_733 = tpu.vector_load %arg19[%get3A_731, %get3A_732] {strides = array<i32>} : memref<128x128xf32, #tpu.memory_space<vmem>>, vector<16xf32>,
        %get3A_734 = arith.index_cast %add3A_730 : i32 to index
        %get3A_735 = arith.constant 16 : index
        %get3A_736 = tpu.vector_load %arg19[%get3A_734, %get3A_735] {strides = array<i32>} : memref<128x128xf32, #tpu.memory_space<vmem>>, vector<16xf32>,
        %get3A_737 = arith.index_cast %add3A_730 : i32 to index
        %get3A_738 = arith.constant 32 : index
        %get3A_739 = tpu.vector_load %arg19[%get3A_737, %get3A_738] {strides = array<i32>} : memref<128x128xf32, #tpu.memory_space<vmem>>, vector<16xf32>,
        %get3A_740 = arith.index_cast %add3A_730 : i32 to index
        %get3A_741 = arith.constant 48 : index
        %get3A_742 = tpu.vector_load %arg19[%get3A_740, %get3A_741] {strides = array<i32>} : memref<128x128xf32, #tpu.memory_space<vmem>>, vector<16xf32>,
        %get3A_743 = arith.index_cast %add3A_730 : i32 to index
        %get3A_744 = arith.constant 64 : index
        %get3A_745 = tpu.vector_load %arg19[%get3A_743, %get3A_744] {strides = array<i32>} : memref<128x128xf32, #tpu.memory_space<vmem>>, vector<16xf32>,
        %get3A_746 = arith.index_cast %add3A_730 : i32 to index
        %get3A_747 = arith.constant 80 : index
        %get3A_748 = tpu.vector_load %arg19[%get3A_746, %get3A_747] {strides = array<i32>} : memref<128x128xf32, #tpu.memory_space<vmem>>, vector<16xf32>,
        %get3A_749 = arith.index_cast %add3A_730 : i32 to index
        %get3A_750 = arith.constant 96 : index
        %get3A_751 = tpu.vector_load %arg19[%get3A_749, %get3A_750] {strides = array<i32>} : memref<128x128xf32, #tpu.memory_space<vmem>>, vector<16xf32>,
        %get3A_752 = arith.index_cast %add3A_730 : i32 to index
        %get3A_753 = arith.constant 112 : index
        %get3A_754 = tpu.vector_load %arg19[%get3A_752, %get3A_753] {strides = array<i32>} : memref<128x128xf32, #tpu.memory_space<vmem>>, vector<16xf32>,
        %add3A_755 = arith.addf %get3A_733, %get3A_736 : vector<16xf32>
        %add3A_756 = arith.addf %get3A_739, %get3A_742 : vector<16xf32>
        %add3A_757 = arith.addf %get3A_745, %get3A_748 : vector<16xf32>
        %add3A_758 = arith.addf %get3A_751, %get3A_754 : vector<16xf32>
        %add3A_759 = arith.addf %add3A_755, %add3A_756 : vector<16xf32>
        %add3A_760 = arith.addf %add3A_757, %add3A_758 : vector<16xf32>
        %add3A_761 = arith.addf %add3A_759, %add3A_760 : vector<16xf32>
        %mul3A_762 = arith.mulf %get3A_733, %get3A_733 : vector<16xf32>
        %mul3A_763 = arith.mulf %get3A_736, %get3A_736 : vector<16xf32>
        %mul3A_764 = arith.mulf %get3A_739, %get3A_739 : vector<16xf32>
        %mul3A_765 = arith.mulf %get3A_742, %get3A_742 : vector<16xf32>
        %mul3A_766 = arith.mulf %get3A_745, %get3A_745 : vector<16xf32>
        %mul3A_767 = arith.mulf %get3A_748, %get3A_748 : vector<16xf32>
        %mul3A_768 = arith.mulf %get3A_751, %get3A_751 : vector<16xf32>
        %mul3A_769 = arith.mulf %get3A_754, %get3A_754 : vector<16xf32>
        %add3A_770 = arith.addf %mul3A_762, %mul3A_763 : vector<16xf32>
        %add3A_771 = arith.addf %mul3A_764, %mul3A_765 : vector<16xf32>
        %add3A_772 = arith.addf %mul3A_766, %mul3A_767 : vector<16xf32>
        %add3A_773 = arith.addf %mul3A_768, %mul3A_769 : vector<16xf32>
        %add3A_774 = arith.addf %add3A_770, %add3A_771 : vector<16xf32>
        %add3A_775 = arith.addf %add3A_772, %add3A_773 : vector<16xf32>
        %add3A_776 = arith.addf %add3A_774, %add3A_775 : vector<16xf32>
        %reduce_sum3A = arith.constant true
        %reduce_sum3A_777 = vector.broadcast %reduce_sum3A : i1 to vector<16xi1>
        %reduce_sum3A_778 = tpu.scan <sum>, %add3A_761 masked %reduce_sum3A_777 : vector<16xf32>, vector<16xi1> -> vector<16xf32>
        %reduce_sum3A_779 = vector.extract %reduce_sum3A_778[15] : f32 from vector<16xf32>
        %mul3A_780 = arith.constant 7.812500e-03 : f32
        %mul3A_781 = arith.mulf %reduce_sum3A_779, %mul3A_780 : f32
        %reduce_sum3A_782 = arith.constant true
        %reduce_sum3A_783 = vector.broadcast %reduce_sum3A_782 : i1 to vector<16xi1>
        %reduce_sum3A_784 = tpu.scan <sum>, %add3A_776 masked %reduce_sum3A_783 : vector<16xf32>, vector<16xi1> -> vector<16xf32>
        %reduce_sum3A_785 = vector.extract %reduce_sum3A_784[15] : f32 from vector<16xf32>
        %mul3A_786 = arith.constant 7.812500e-03 : f32
        %mul3A_787 = arith.mulf %reduce_sum3A_785, %mul3A_786 : f32
        %mul3A_788 = arith.mulf %mul3A_781, %mul3A_781 : f32
        %sub3A = arith.subf %mul3A_787, %mul3A_788 : f32
        %add3A_789 = arith.constant 9.99999996E-13 : f32
        %add3A_790 = arith.addf %sub3A, %add3A_789 : f32
        %broadcast_in_dim3A_791 = vector.broadcast %add3A_790 : f32 to vector<16xf32>
        %bitcast3A = vector.bitcast %broadcast_in_dim3A_791 : vector<16xf32> to vector<16xi32>
        %shift_right_logical3A = arith.constant 1 : i32
        %shift_right_logical3A_792 = vector.broadcast %shift_right_logical3A : i32 to vector<16xi32>
        %shift_right_logical3A_793 = arith.shrui %bitcast3A, %shift_right_logical3A_792 : vector<16xi32>
        %sub3A_794 = arith.constant 1597463007 : i32
        %sub3A_795 = vector.broadcast %sub3A_794 : i32 to vector<16xi32>
        %sub3A_796 = arith.subi %sub3A_795, %shift_right_logical3A_793 : vector<16xi32>
        %bitcast3A_797 = vector.bitcast %sub3A_796 : vector<16xi32> to vector<16xf32>
        %mul3A_798 = arith.constant 5.000000e-01 : f32
        %mul3A_799 = vector.broadcast %mul3A_798 : f32 to vector<16xf32>
        %mul3A_800 = arith.mulf %broadcast_in_dim3A_791, %mul3A_799 : vector<16xf32>
        %mul3A_801 = arith.mulf %mul3A_800, %bitcast3A_797 : vector<16xf32>
        %mul3A_802 = arith.mulf %mul3A_801, %bitcast3A_797 : vector<16xf32>
        %sub3A_803 = arith.constant 1.500000e+00 : f32
        %sub3A_804 = vector.broadcast %sub3A_803 : f32 to vector<16xf32>
        %sub3A_805 = arith.subf %sub3A_804, %mul3A_802 : vector<16xf32>
        %mul3A_806 = arith.mulf %bitcast3A_797, %sub3A_805 : vector<16xf32>
        %broadcast_in_dim3A_807 = vector.broadcast %mul3A_781 : f32 to vector<16xf32>
        %sub3A_808 = arith.subf %get3A_733, %broadcast_in_dim3A_807 : vector<16xf32>
        %mul3A_809 = arith.mulf %mul3A_806, %get3A_8 : vector<16xf32>
        %mul3A_810 = arith.mulf %sub3A_808, %mul3A_809 : vector<16xf32>
        %add3A_811 = arith.addf %mul3A_810, %get3A_24 : vector<16xf32>
        %swap3A_812 = arith.index_cast %add3A_730 : i32 to index
        %swap3A_813 = arith.constant 0 : index
        %swap3A_814 = tpu.vector_load %arg21[%swap3A_812, %swap3A_813] {strides = array<i32>} : memref<128x128xf32, #tpu.memory_space<vmem>>, vector<16xf32>,
        tpu.vector_store %arg21[%swap3A_812, %swap3A_813], %add3A_811 {strides = array<i32>} : memref<128x128xf32, #tpu.memory_space<vmem>>, vector<16xf32>,
        %sub3A_815 = arith.subf %get3A_736, %broadcast_in_dim3A_807 : vector<16xf32>
        %mul3A_816 = arith.mulf %mul3A_806, %get3A_10 : vector<16xf32>
        %mul3A_817 = arith.mulf %sub3A_815, %mul3A_816 : vector<16xf32>
        %add3A_818 = arith.addf %mul3A_817, %get3A_26 : vector<16xf32>
        %swap3A_819 = arith.index_cast %add3A_730 : i32 to index
        %swap3A_820 = arith.constant 16 : index
        %swap3A_821 = tpu.vector_load %arg21[%swap3A_819, %swap3A_820] {strides = array<i32>} : memref<128x128xf32, #tpu.memory_space<vmem>>, vector<16xf32>,
        tpu.vector_store %arg21[%swap3A_819, %swap3A_820], %add3A_818 {strides = array<i32>} : memref<128x128xf32, #tpu.memory_space<vmem>>, vector<16xf32>,
        %sub3A_822 = arith.subf %get3A_739, %broadcast_in_dim3A_807 : vector<16xf32>
        %mul3A_823 = arith.mulf %mul3A_806, %get3A_12 : vector<16xf32>
        %mul3A_824 = arith.mulf %sub3A_822, %mul3A_823 : vector<16xf32>
        %add3A_825 = arith.addf %mul3A_824, %get3A_28 : vector<16xf32>
        %swap3A_826 = arith.index_cast %add3A_730 : i32 to index
        %swap3A_827 = arith.constant 32 : index
        %swap3A_828 = tpu.vector_load %arg21[%swap3A_826, %swap3A_827] {strides = array<i32>} : memref<128x128xf32, #tpu.memory_space<vmem>>, vector<16xf32>,
        tpu.vector_store %arg21[%swap3A_826, %swap3A_827], %add3A_825 {strides = array<i32>} : memref<128x128xf32, #tpu.memory_space<vmem>>, vector<16xf32>,
        %sub3A_829 = arith.subf %get3A_742, %broadcast_in_dim3A_807 : vector<16xf32>
        %mul3A_830 = arith.mulf %mul3A_806, %get3A_14 : vector<16xf32>
        %mul3A_831 = arith.mulf %sub3A_829, %mul3A_830 : vector<16xf32>
        %add3A_832 = arith.addf %mul3A_831, %get3A_30 : vector<16xf32>
        %swap3A_833 = arith.index_cast %add3A_730 : i32 to index
        %swap3A_834 = arith.constant 48 : index
        %swap3A_835 = tpu.vector_load %arg21[%swap3A_833, %swap3A_834] {strides = array<i32>} : memref<128x128xf32, #tpu.memory_space<vmem>>, vector<16xf32>,
        tpu.vector_store %arg21[%swap3A_833, %swap3A_834], %add3A_832 {strides = array<i32>} : memref<128x128xf32, #tpu.memory_space<vmem>>, vector<16xf32>,
        %sub3A_836 = arith.subf %get3A_745, %broadcast_in_dim3A_807 : vector<16xf32>
        %mul3A_837 = arith.mulf %mul3A_806, %get3A_16 : vector<16xf32>
        %mul3A_838 = arith.mulf %sub3A_836, %mul3A_837 : vector<16xf32>
        %add3A_839 = arith.addf %mul3A_838, %get3A_32 : vector<16xf32>
        %swap3A_840 = arith.index_cast %add3A_730 : i32 to index
        %swap3A_841 = arith.constant 64 : index
        %swap3A_842 = tpu.vector_load %arg21[%swap3A_840, %swap3A_841] {strides = array<i32>} : memref<128x128xf32, #tpu.memory_space<vmem>>, vector<16xf32>,
        tpu.vector_store %arg21[%swap3A_840, %swap3A_841], %add3A_839 {strides = array<i32>} : memref<128x128xf32, #tpu.memory_space<vmem>>, vector<16xf32>,
        %sub3A_843 = arith.subf %get3A_748, %broadcast_in_dim3A_807 : vector<16xf32>
        %mul3A_844 = arith.mulf %mul3A_806, %get3A_18 : vector<16xf32>
        %mul3A_845 = arith.mulf %sub3A_843, %mul3A_844 : vector<16xf32>
        %add3A_846 = arith.addf %mul3A_845, %get3A_34 : vector<16xf32>
        %swap3A_847 = arith.index_cast %add3A_730 : i32 to index
        %swap3A_848 = arith.constant 80 : index
        %swap3A_849 = tpu.vector_load %arg21[%swap3A_847, %swap3A_848] {strides = array<i32>} : memref<128x128xf32, #tpu.memory_space<vmem>>, vector<16xf32>,
        tpu.vector_store %arg21[%swap3A_847, %swap3A_848], %add3A_846 {strides = array<i32>} : memref<128x128xf32, #tpu.memory_space<vmem>>, vector<16xf32>,
        %sub3A_850 = arith.subf %get3A_751, %broadcast_in_dim3A_807 : vector<16xf32>
        %mul3A_851 = arith.mulf %mul3A_806, %get3A_20 : vector<16xf32>
        %mul3A_852 = arith.mulf %sub3A_850, %mul3A_851 : vector<16xf32>
        %add3A_853 = arith.addf %mul3A_852, %get3A_36 : vector<16xf32>
        %swap3A_854 = arith.index_cast %add3A_730 : i32 to index
        %swap3A_855 = arith.constant 96 : index
        %swap3A_856 = tpu.vector_load %arg21[%swap3A_854, %swap3A_855] {strides = array<i32>} : memref<128x128xf32, #tpu.memory_space<vmem>>, vector<16xf32>,
        tpu.vector_store %arg21[%swap3A_854, %swap3A_855], %add3A_853 {strides = array<i32>} : memref<128x128xf32, #tpu.memory_space<vmem>>, vector<16xf32>,
        %sub3A_857 = arith.subf %get3A_754, %broadcast_in_dim3A_807 : vector<16xf32>
        %mul3A_858 = arith.mulf %mul3A_806, %get3A_22 : vector<16xf32>
        %mul3A_859 = arith.mulf %sub3A_857, %mul3A_858 : vector<16xf32>
        %add3A_860 = arith.addf %mul3A_859, %get3A_38 : vector<16xf32>
        %swap3A_861 = arith.index_cast %add3A_730 : i32 to index
        %swap3A_862 = arith.constant 112 : index
        %swap3A_863 = tpu.vector_load %arg21[%swap3A_861, %swap3A_862] {strides = array<i32>} : memref<128x128xf32, #tpu.memory_space<vmem>>, vector<16xf32>,
        tpu.vector_store %arg21[%swap3A_861, %swap3A_862], %add3A_860 {strides = array<i32>} : memref<128x128xf32, #tpu.memory_space<vmem>>, vector<16xf32>,
      }
      %scan3A_382 = arith.constant 104 : i32
      %dma_wait3A_383 = arith.constant 0 : i32
      %dma_wait3A_384 = arith.constant 0 : i32
      %dma_wait3A_385 = tpu.memref_slice %arg4[%dma_wait3A_383, %dma_wait3A_384] : memref<100000x128xf32, #tpu.memory_space<hbm>> -> memref<100000x128xf32, #tpu.memory_space<hbm>>
      tpu.wait_indirect_dma semaphore(%arg29 : memref<!tpu.dma_semaphore, #tpu.memory_space<semaphore_mem>>) src(%dma_wait3A_385 : memref<100000x128xf32, #tpu.memory_space<hbm>>) dst(%arg20 : memref<128x128xf32, #tpu.memory_space<vmem>>)
      %dma_start3A_386 = arith.constant 0 : i32
      %dma_start3A_387 = arith.constant 0 : i32
      %dma_start3A_388 = tpu.memref_slice %arg23[%dma_start3A_386, %dma_start3A_387] : memref<400x128xf32, #tpu.memory_space<vmem_shared>> -> memref<400x128xf32, #tpu.memory_space<vmem_shared>>
      tpu.enqueue_indirect_dma source(%dma_start3A_388 : memref<400x128xf32, #tpu.memory_space<vmem_shared>>) target(%arg20 : memref<128x128xf32, #tpu.memory_space<vmem>>) offsets(%arg18 : memref<128xi32, #tpu.memory_space<vmem>>) semaphore(%arg31 : memref<!tpu.dma_semaphore, #tpu.memory_space<semaphore_mem>>) {add = true}
      %scan3A_389 = arith.constant 0 : i32
      %scan3A_390 = arith.constant 104 : i32
      %scan3A_391 = arith.constant 24 : i32
      %scan3A_392 = arith.addi %scan3A_390, %scan3A_391 : i32
      %scan3A_393 = arith.constant 1 : i32
      scf.for %scan3A_726 = %scan3A_390 to %scan3A_392 step %scan3A_393  : i32 {
        %mul3A_727 = arith.constant 1 : i32
        %mul3A_728 = arith.muli %scan3A_726, %mul3A_727 : i32
        %add3A_729 = arith.constant 0 : i32
        %add3A_730 = arith.addi %mul3A_728, %add3A_729 : i32
        %get3A_731 = arith.index_cast %add3A_730 : i32 to index
        %get3A_732 = arith.constant 0 : index
        %get3A_733 = tpu.vector_load %arg19[%get3A_731, %get3A_732] {strides = array<i32>} : memref<128x128xf32, #tpu.memory_space<vmem>>, vector<16xf32>,
        %get3A_734 = arith.index_cast %add3A_730 : i32 to index
        %get3A_735 = arith.constant 16 : index
        %get3A_736 = tpu.vector_load %arg19[%get3A_734, %get3A_735] {strides = array<i32>} : memref<128x128xf32, #tpu.memory_space<vmem>>, vector<16xf32>,
        %get3A_737 = arith.index_cast %add3A_730 : i32 to index
        %get3A_738 = arith.constant 32 : index
        %get3A_739 = tpu.vector_load %arg19[%get3A_737, %get3A_738] {strides = array<i32>} : memref<128x128xf32, #tpu.memory_space<vmem>>, vector<16xf32>,
        %get3A_740 = arith.index_cast %add3A_730 : i32 to index
        %get3A_741 = arith.constant 48 : index
        %get3A_742 = tpu.vector_load %arg19[%get3A_740, %get3A_741] {strides = array<i32>} : memref<128x128xf32, #tpu.memory_space<vmem>>, vector<16xf32>,
        %get3A_743 = arith.index_cast %add3A_730 : i32 to index
        %get3A_744 = arith.constant 64 : index
        %get3A_745 = tpu.vector_load %arg19[%get3A_743, %get3A_744] {strides = array<i32>} : memref<128x128xf32, #tpu.memory_space<vmem>>, vector<16xf32>,
        %get3A_746 = arith.index_cast %add3A_730 : i32 to index
        %get3A_747 = arith.constant 80 : index
        %get3A_748 = tpu.vector_load %arg19[%get3A_746, %get3A_747] {strides = array<i32>} : memref<128x128xf32, #tpu.memory_space<vmem>>, vector<16xf32>,
        %get3A_749 = arith.index_cast %add3A_730 : i32 to index
        %get3A_750 = arith.constant 96 : index
        %get3A_751 = tpu.vector_load %arg19[%get3A_749, %get3A_750] {strides = array<i32>} : memref<128x128xf32, #tpu.memory_space<vmem>>, vector<16xf32>,
        %get3A_752 = arith.index_cast %add3A_730 : i32 to index
        %get3A_753 = arith.constant 112 : index
        %get3A_754 = tpu.vector_load %arg19[%get3A_752, %get3A_753] {strides = array<i32>} : memref<128x128xf32, #tpu.memory_space<vmem>>, vector<16xf32>,
        %add3A_755 = arith.addf %get3A_733, %get3A_736 : vector<16xf32>
        %add3A_756 = arith.addf %get3A_739, %get3A_742 : vector<16xf32>
        %add3A_757 = arith.addf %get3A_745, %get3A_748 : vector<16xf32>
        %add3A_758 = arith.addf %get3A_751, %get3A_754 : vector<16xf32>
        %add3A_759 = arith.addf %add3A_755, %add3A_756 : vector<16xf32>
        %add3A_760 = arith.addf %add3A_757, %add3A_758 : vector<16xf32>
        %add3A_761 = arith.addf %add3A_759, %add3A_760 : vector<16xf32>
        %mul3A_762 = arith.mulf %get3A_733, %get3A_733 : vector<16xf32>
        %mul3A_763 = arith.mulf %get3A_736, %get3A_736 : vector<16xf32>
        %mul3A_764 = arith.mulf %get3A_739, %get3A_739 : vector<16xf32>
        %mul3A_765 = arith.mulf %get3A_742, %get3A_742 : vector<16xf32>
        %mul3A_766 = arith.mulf %get3A_745, %get3A_745 : vector<16xf32>
        %mul3A_767 = arith.mulf %get3A_748, %get3A_748 : vector<16xf32>
        %mul3A_768 = arith.mulf %get3A_751, %get3A_751 : vector<16xf32>
        %mul3A_769 = arith.mulf %get3A_754, %get3A_754 : vector<16xf32>
        %add3A_770 = arith.addf %mul3A_762, %mul3A_763 : vector<16xf32>
        %add3A_771 = arith.addf %mul3A_764, %mul3A_765 : vector<16xf32>
        %add3A_772 = arith.addf %mul3A_766, %mul3A_767 : vector<16xf32>
        %add3A_773 = arith.addf %mul3A_768, %mul3A_769 : vector<16xf32>
        %add3A_774 = arith.addf %add3A_770, %add3A_771 : vector<16xf32>
        %add3A_775 = arith.addf %add3A_772, %add3A_773 : vector<16xf32>
        %add3A_776 = arith.addf %add3A_774, %add3A_775 : vector<16xf32>
        %reduce_sum3A = arith.constant true
        %reduce_sum3A_777 = vector.broadcast %reduce_sum3A : i1 to vector<16xi1>
        %reduce_sum3A_778 = tpu.scan <sum>, %add3A_761 masked %reduce_sum3A_777 : vector<16xf32>, vector<16xi1> -> vector<16xf32>
        %reduce_sum3A_779 = vector.extract %reduce_sum3A_778[15] : f32 from vector<16xf32>
        %mul3A_780 = arith.constant 7.812500e-03 : f32
        %mul3A_781 = arith.mulf %reduce_sum3A_779, %mul3A_780 : f32
        %reduce_sum3A_782 = arith.constant true
        %reduce_sum3A_783 = vector.broadcast %reduce_sum3A_782 : i1 to vector<16xi1>
        %reduce_sum3A_784 = tpu.scan <sum>, %add3A_776 masked %reduce_sum3A_783 : vector<16xf32>, vector<16xi1> -> vector<16xf32>
        %reduce_sum3A_785 = vector.extract %reduce_sum3A_784[15] : f32 from vector<16xf32>
        %mul3A_786 = arith.constant 7.812500e-03 : f32
        %mul3A_787 = arith.mulf %reduce_sum3A_785, %mul3A_786 : f32
        %mul3A_788 = arith.mulf %mul3A_781, %mul3A_781 : f32
        %sub3A = arith.subf %mul3A_787, %mul3A_788 : f32
        %add3A_789 = arith.constant 9.99999996E-13 : f32
        %add3A_790 = arith.addf %sub3A, %add3A_789 : f32
        %broadcast_in_dim3A_791 = vector.broadcast %add3A_790 : f32 to vector<16xf32>
        %bitcast3A = vector.bitcast %broadcast_in_dim3A_791 : vector<16xf32> to vector<16xi32>
        %shift_right_logical3A = arith.constant 1 : i32
        %shift_right_logical3A_792 = vector.broadcast %shift_right_logical3A : i32 to vector<16xi32>
        %shift_right_logical3A_793 = arith.shrui %bitcast3A, %shift_right_logical3A_792 : vector<16xi32>
        %sub3A_794 = arith.constant 1597463007 : i32
        %sub3A_795 = vector.broadcast %sub3A_794 : i32 to vector<16xi32>
        %sub3A_796 = arith.subi %sub3A_795, %shift_right_logical3A_793 : vector<16xi32>
        %bitcast3A_797 = vector.bitcast %sub3A_796 : vector<16xi32> to vector<16xf32>
        %mul3A_798 = arith.constant 5.000000e-01 : f32
        %mul3A_799 = vector.broadcast %mul3A_798 : f32 to vector<16xf32>
        %mul3A_800 = arith.mulf %broadcast_in_dim3A_791, %mul3A_799 : vector<16xf32>
        %mul3A_801 = arith.mulf %mul3A_800, %bitcast3A_797 : vector<16xf32>
        %mul3A_802 = arith.mulf %mul3A_801, %bitcast3A_797 : vector<16xf32>
        %sub3A_803 = arith.constant 1.500000e+00 : f32
        %sub3A_804 = vector.broadcast %sub3A_803 : f32 to vector<16xf32>
        %sub3A_805 = arith.subf %sub3A_804, %mul3A_802 : vector<16xf32>
        %mul3A_806 = arith.mulf %bitcast3A_797, %sub3A_805 : vector<16xf32>
        %broadcast_in_dim3A_807 = vector.broadcast %mul3A_781 : f32 to vector<16xf32>
        %sub3A_808 = arith.subf %get3A_733, %broadcast_in_dim3A_807 : vector<16xf32>
        %mul3A_809 = arith.mulf %mul3A_806, %get3A_8 : vector<16xf32>
        %mul3A_810 = arith.mulf %sub3A_808, %mul3A_809 : vector<16xf32>
        %add3A_811 = arith.addf %mul3A_810, %get3A_24 : vector<16xf32>
        %swap3A_812 = arith.index_cast %add3A_730 : i32 to index
        %swap3A_813 = arith.constant 0 : index
        %swap3A_814 = tpu.vector_load %arg21[%swap3A_812, %swap3A_813] {strides = array<i32>} : memref<128x128xf32, #tpu.memory_space<vmem>>, vector<16xf32>,
        tpu.vector_store %arg21[%swap3A_812, %swap3A_813], %add3A_811 {strides = array<i32>} : memref<128x128xf32, #tpu.memory_space<vmem>>, vector<16xf32>,
        %sub3A_815 = arith.subf %get3A_736, %broadcast_in_dim3A_807 : vector<16xf32>
        %mul3A_816 = arith.mulf %mul3A_806, %get3A_10 : vector<16xf32>
        %mul3A_817 = arith.mulf %sub3A_815, %mul3A_816 : vector<16xf32>
        %add3A_818 = arith.addf %mul3A_817, %get3A_26 : vector<16xf32>
        %swap3A_819 = arith.index_cast %add3A_730 : i32 to index
        %swap3A_820 = arith.constant 16 : index
        %swap3A_821 = tpu.vector_load %arg21[%swap3A_819, %swap3A_820] {strides = array<i32>} : memref<128x128xf32, #tpu.memory_space<vmem>>, vector<16xf32>,
        tpu.vector_store %arg21[%swap3A_819, %swap3A_820], %add3A_818 {strides = array<i32>} : memref<128x128xf32, #tpu.memory_space<vmem>>, vector<16xf32>,
        %sub3A_822 = arith.subf %get3A_739, %broadcast_in_dim3A_807 : vector<16xf32>
        %mul3A_823 = arith.mulf %mul3A_806, %get3A_12 : vector<16xf32>
        %mul3A_824 = arith.mulf %sub3A_822, %mul3A_823 : vector<16xf32>
        %add3A_825 = arith.addf %mul3A_824, %get3A_28 : vector<16xf32>
        %swap3A_826 = arith.index_cast %add3A_730 : i32 to index
        %swap3A_827 = arith.constant 32 : index
        %swap3A_828 = tpu.vector_load %arg21[%swap3A_826, %swap3A_827] {strides = array<i32>} : memref<128x128xf32, #tpu.memory_space<vmem>>, vector<16xf32>,
        tpu.vector_store %arg21[%swap3A_826, %swap3A_827], %add3A_825 {strides = array<i32>} : memref<128x128xf32, #tpu.memory_space<vmem>>, vector<16xf32>,
        %sub3A_829 = arith.subf %get3A_742, %broadcast_in_dim3A_807 : vector<16xf32>
        %mul3A_830 = arith.mulf %mul3A_806, %get3A_14 : vector<16xf32>
        %mul3A_831 = arith.mulf %sub3A_829, %mul3A_830 : vector<16xf32>
        %add3A_832 = arith.addf %mul3A_831, %get3A_30 : vector<16xf32>
        %swap3A_833 = arith.index_cast %add3A_730 : i32 to index
        %swap3A_834 = arith.constant 48 : index
        %swap3A_835 = tpu.vector_load %arg21[%swap3A_833, %swap3A_834] {strides = array<i32>} : memref<128x128xf32, #tpu.memory_space<vmem>>, vector<16xf32>,
        tpu.vector_store %arg21[%swap3A_833, %swap3A_834], %add3A_832 {strides = array<i32>} : memref<128x128xf32, #tpu.memory_space<vmem>>, vector<16xf32>,
        %sub3A_836 = arith.subf %get3A_745, %broadcast_in_dim3A_807 : vector<16xf32>
        %mul3A_837 = arith.mulf %mul3A_806, %get3A_16 : vector<16xf32>
        %mul3A_838 = arith.mulf %sub3A_836, %mul3A_837 : vector<16xf32>
        %add3A_839 = arith.addf %mul3A_838, %get3A_32 : vector<16xf32>
        %swap3A_840 = arith.index_cast %add3A_730 : i32 to index
        %swap3A_841 = arith.constant 64 : index
        %swap3A_842 = tpu.vector_load %arg21[%swap3A_840, %swap3A_841] {strides = array<i32>} : memref<128x128xf32, #tpu.memory_space<vmem>>, vector<16xf32>,
        tpu.vector_store %arg21[%swap3A_840, %swap3A_841], %add3A_839 {strides = array<i32>} : memref<128x128xf32, #tpu.memory_space<vmem>>, vector<16xf32>,
        %sub3A_843 = arith.subf %get3A_748, %broadcast_in_dim3A_807 : vector<16xf32>
        %mul3A_844 = arith.mulf %mul3A_806, %get3A_18 : vector<16xf32>
        %mul3A_845 = arith.mulf %sub3A_843, %mul3A_844 : vector<16xf32>
        %add3A_846 = arith.addf %mul3A_845, %get3A_34 : vector<16xf32>
        %swap3A_847 = arith.index_cast %add3A_730 : i32 to index
        %swap3A_848 = arith.constant 80 : index
        %swap3A_849 = tpu.vector_load %arg21[%swap3A_847, %swap3A_848] {strides = array<i32>} : memref<128x128xf32, #tpu.memory_space<vmem>>, vector<16xf32>,
        tpu.vector_store %arg21[%swap3A_847, %swap3A_848], %add3A_846 {strides = array<i32>} : memref<128x128xf32, #tpu.memory_space<vmem>>, vector<16xf32>,
        %sub3A_850 = arith.subf %get3A_751, %broadcast_in_dim3A_807 : vector<16xf32>
        %mul3A_851 = arith.mulf %mul3A_806, %get3A_20 : vector<16xf32>
        %mul3A_852 = arith.mulf %sub3A_850, %mul3A_851 : vector<16xf32>
        %add3A_853 = arith.addf %mul3A_852, %get3A_36 : vector<16xf32>
        %swap3A_854 = arith.index_cast %add3A_730 : i32 to index
        %swap3A_855 = arith.constant 96 : index
        %swap3A_856 = tpu.vector_load %arg21[%swap3A_854, %swap3A_855] {strides = array<i32>} : memref<128x128xf32, #tpu.memory_space<vmem>>, vector<16xf32>,
        tpu.vector_store %arg21[%swap3A_854, %swap3A_855], %add3A_853 {strides = array<i32>} : memref<128x128xf32, #tpu.memory_space<vmem>>, vector<16xf32>,
        %sub3A_857 = arith.subf %get3A_754, %broadcast_in_dim3A_807 : vector<16xf32>
        %mul3A_858 = arith.mulf %mul3A_806, %get3A_22 : vector<16xf32>
        %mul3A_859 = arith.mulf %sub3A_857, %mul3A_858 : vector<16xf32>
        %add3A_860 = arith.addf %mul3A_859, %get3A_38 : vector<16xf32>
        %swap3A_861 = arith.index_cast %add3A_730 : i32 to index
        %swap3A_862 = arith.constant 112 : index
        %swap3A_863 = tpu.vector_load %arg21[%swap3A_861, %swap3A_862] {strides = array<i32>} : memref<128x128xf32, #tpu.memory_space<vmem>>, vector<16xf32>,
        tpu.vector_store %arg21[%swap3A_861, %swap3A_862], %add3A_860 {strides = array<i32>} : memref<128x128xf32, #tpu.memory_space<vmem>>, vector<16xf32>,
      }
      %scan3A_394 = arith.constant 24 : i32
      %mul3A_395 = arith.constant 128 : i32
      %mul3A_396 = arith.muli %mul3A_360, %mul3A_395 : i32
      %add3A_397 = arith.addi %mul3A_2, %mul3A_396 : i32
      %dma_start3A_398 = arith.constant 0 : i32
      %dma_start3A_399 = tpu.memref_slice %arg8[%add3A_397, %dma_start3A_398] : memref<204800x128xf32, #tpu.memory_space<hbm>> -> memref<128x128xf32, #tpu.memory_space<hbm>>
      %dma_start3A_400 = arith.constant 0 : i32
      %dma_start3A_401 = tpu.memref_slice %arg8[%add3A_397, %dma_start3A_400] : memref<204800x128xf32, #tpu.memory_space<hbm>> -> memref<128x128xf32, #tpu.memory_space<hbm>>
      tpu.enqueue_dma source(%arg21 : memref<128x128xf32, #tpu.memory_space<vmem>>) target(%dma_start3A_401 : memref<128x128xf32, #tpu.memory_space<hbm>>) target_semaphore(%arg32 : memref<!tpu.dma_semaphore, #tpu.memory_space<semaphore_mem>>)
      %add3A_402 = arith.constant 2 : i32
      %add3A_403 = arith.addi %mul3A_360, %add3A_402 : i32
      %dma_wait3A_404 = arith.constant 0 : i32
      %dma_wait3A_405 = tpu.memref_slice %arg2[%dma_wait3A_404] : memref<204800xi32, #tpu.memory_space<hbm>> -> memref<128xi32, #tpu.memory_space<hbm>>
      %dma_wait3A_406 = arith.constant 0 : i32
      %dma_wait3A_407 = tpu.memref_slice %arg2[%dma_wait3A_406] : memref<204800xi32, #tpu.memory_space<hbm>> -> memref<128xi32, #tpu.memory_space<hbm>>
      tpu.wait_dma2 semaphore(%arg24 : memref<!tpu.dma_semaphore, #tpu.memory_space<semaphore_mem>>) src(%dma_wait3A_407 : memref<128xi32, #tpu.memory_space<hbm>>) dst(%arg13 : memref<128xi32, #tpu.memory_space<vmem>>)
      %dma_wait3A_408 = arith.constant 0 : i32
      %dma_wait3A_409 = tpu.memref_slice %arg3[%dma_wait3A_408] : memref<204800xi32, #tpu.memory_space<hbm>> -> memref<128xi32, #tpu.memory_space<hbm>>
      %dma_wait3A_410 = arith.constant 0 : i32
      %dma_wait3A_411 = tpu.memref_slice %arg3[%dma_wait3A_410] : memref<204800xi32, #tpu.memory_space<hbm>> -> memref<128xi32, #tpu.memory_space<hbm>>
      tpu.wait_dma2 semaphore(%arg26 : memref<!tpu.dma_semaphore, #tpu.memory_space<semaphore_mem>>) src(%dma_wait3A_411 : memref<128xi32, #tpu.memory_space<hbm>>) dst(%arg15 : memref<128xi32, #tpu.memory_space<vmem>>)
      %dma_start3A_412 = arith.constant 0 : i32
      %dma_start3A_413 = arith.constant 0 : i32
      %dma_start3A_414 = tpu.memref_slice %arg4[%dma_start3A_412, %dma_start3A_413] : memref<100000x128xf32, #tpu.memory_space<hbm>> -> memref<100000x128xf32, #tpu.memory_space<hbm>>
      tpu.enqueue_indirect_dma source(%dma_start3A_414 : memref<100000x128xf32, #tpu.memory_space<hbm>>) target(%arg19 : memref<128x128xf32, #tpu.memory_space<vmem>>) offsets(%arg13 : memref<128xi32, #tpu.memory_space<vmem>>) semaphore(%arg28 : memref<!tpu.dma_semaphore, #tpu.memory_space<semaphore_mem>>)
      %min3A_415 = arith.constant 49 : i32
      %min3A_416 = arith.minsi %add3A_403, %min3A_415 : i32
      %mul3A_417 = arith.constant 128 : i32
      %mul3A_418 = arith.muli %min3A_416, %mul3A_417 : i32
      %add3A_419 = arith.addi %mul3A_2, %mul3A_418 : i32
      %get3A_420 = arith.constant 0 : index
      %get3A_421 = tpu.vector_load %arg15[%get3A_420] {strides = array<i32>} : memref<128xi32, #tpu.memory_space<vmem>>, vector<16xi32>,
      %add3A_422 = arith.constant 0 : i32
      %add3A_423 = arith.addi %add3A_419, %add3A_422 : i32
      %broadcast_in_dim3A_424 = vector.broadcast %add3A_423 : i32 to vector<16xi32>
      %add3A_425 = arith.addi %broadcast_in_dim3A_424, %iota3A : vector<16xi32>
      %rem3A_426 = arith.constant 200 : i32
      %rem3A_427 = vector.broadcast %rem3A_426 : i32 to vector<16xi32>
      %rem3A_428 = arith.remsi %add3A_425, %rem3A_427 : vector<16xi32>
      %mul3A_429 = arith.constant 2 : i32
      %mul3A_430 = vector.broadcast %mul3A_429 : i32 to vector<16xi32>
      %mul3A_431 = arith.muli %mul3A_430, %rem3A_428 : vector<16xi32>
      %add3A_432 = arith.addi %mul3A_431, %get3A_421 : vector<16xi32>
      %swap3A_433 = arith.constant 0 : index
      %swap3A_434 = tpu.vector_load %arg17[%swap3A_433] {strides = array<i32>} : memref<128xi32, #tpu.memory_space<vmem>>, vector<16xi32>,
      tpu.vector_store %arg17[%swap3A_433], %add3A_432 {strides = array<i32>} : memref<128xi32, #tpu.memory_space<vmem>>, vector<16xi32>,
      %get3A_435 = arith.constant 16 : index
      %get3A_436 = tpu.vector_load %arg15[%get3A_435] {strides = array<i32>} : memref<128xi32, #tpu.memory_space<vmem>>, vector<16xi32>,
      %add3A_437 = arith.constant 16 : i32
      %add3A_438 = arith.addi %add3A_419, %add3A_437 : i32
      %broadcast_in_dim3A_439 = vector.broadcast %add3A_438 : i32 to vector<16xi32>
      %add3A_440 = arith.addi %broadcast_in_dim3A_439, %iota3A : vector<16xi32>
      %rem3A_441 = arith.constant 200 : i32
      %rem3A_442 = vector.broadcast %rem3A_441 : i32 to vector<16xi32>
      %rem3A_443 = arith.remsi %add3A_440, %rem3A_442 : vector<16xi32>
      %mul3A_444 = arith.constant 2 : i32
      %mul3A_445 = vector.broadcast %mul3A_444 : i32 to vector<16xi32>
      %mul3A_446 = arith.muli %mul3A_445, %rem3A_443 : vector<16xi32>
      %add3A_447 = arith.addi %mul3A_446, %get3A_436 : vector<16xi32>
      %swap3A_448 = arith.constant 16 : index
      %swap3A_449 = tpu.vector_load %arg17[%swap3A_448] {strides = array<i32>} : memref<128xi32, #tpu.memory_space<vmem>>, vector<16xi32>,
      tpu.vector_store %arg17[%swap3A_448], %add3A_447 {strides = array<i32>} : memref<128xi32, #tpu.memory_space<vmem>>, vector<16xi32>,
      %get3A_450 = arith.constant 32 : index
      %get3A_451 = tpu.vector_load %arg15[%get3A_450] {strides = array<i32>} : memref<128xi32, #tpu.memory_space<vmem>>, vector<16xi32>,
      %add3A_452 = arith.constant 32 : i32
      %add3A_453 = arith.addi %add3A_419, %add3A_452 : i32
      %broadcast_in_dim3A_454 = vector.broadcast %add3A_453 : i32 to vector<16xi32>
      %add3A_455 = arith.addi %broadcast_in_dim3A_454, %iota3A : vector<16xi32>
      %rem3A_456 = arith.constant 200 : i32
      %rem3A_457 = vector.broadcast %rem3A_456 : i32 to vector<16xi32>
      %rem3A_458 = arith.remsi %add3A_455, %rem3A_457 : vector<16xi32>
      %mul3A_459 = arith.constant 2 : i32
      %mul3A_460 = vector.broadcast %mul3A_459 : i32 to vector<16xi32>
      %mul3A_461 = arith.muli %mul3A_460, %rem3A_458 : vector<16xi32>
      %add3A_462 = arith.addi %mul3A_461, %get3A_451 : vector<16xi32>
      %swap3A_463 = arith.constant 32 : index
      %swap3A_464 = tpu.vector_load %arg17[%swap3A_463] {strides = array<i32>} : memref<128xi32, #tpu.memory_space<vmem>>, vector<16xi32>,
      tpu.vector_store %arg17[%swap3A_463], %add3A_462 {strides = array<i32>} : memref<128xi32, #tpu.memory_space<vmem>>, vector<16xi32>,
      %get3A_465 = arith.constant 48 : index
      %get3A_466 = tpu.vector_load %arg15[%get3A_465] {strides = array<i32>} : memref<128xi32, #tpu.memory_space<vmem>>, vector<16xi32>,
      %add3A_467 = arith.constant 48 : i32
      %add3A_468 = arith.addi %add3A_419, %add3A_467 : i32
      %broadcast_in_dim3A_469 = vector.broadcast %add3A_468 : i32 to vector<16xi32>
      %add3A_470 = arith.addi %broadcast_in_dim3A_469, %iota3A : vector<16xi32>
      %rem3A_471 = arith.constant 200 : i32
      %rem3A_472 = vector.broadcast %rem3A_471 : i32 to vector<16xi32>
      %rem3A_473 = arith.remsi %add3A_470, %rem3A_472 : vector<16xi32>
      %mul3A_474 = arith.constant 2 : i32
      %mul3A_475 = vector.broadcast %mul3A_474 : i32 to vector<16xi32>
      %mul3A_476 = arith.muli %mul3A_475, %rem3A_473 : vector<16xi32>
      %add3A_477 = arith.addi %mul3A_476, %get3A_466 : vector<16xi32>
      %swap3A_478 = arith.constant 48 : index
      %swap3A_479 = tpu.vector_load %arg17[%swap3A_478] {strides = array<i32>} : memref<128xi32, #tpu.memory_space<vmem>>, vector<16xi32>,
      tpu.vector_store %arg17[%swap3A_478], %add3A_477 {strides = array<i32>} : memref<128xi32, #tpu.memory_space<vmem>>, vector<16xi32>,
      %get3A_480 = arith.constant 64 : index
      %get3A_481 = tpu.vector_load %arg15[%get3A_480] {strides = array<i32>} : memref<128xi32, #tpu.memory_space<vmem>>, vector<16xi32>,
      %add3A_482 = arith.constant 64 : i32
      %add3A_483 = arith.addi %add3A_419, %add3A_482 : i32
      %broadcast_in_dim3A_484 = vector.broadcast %add3A_483 : i32 to vector<16xi32>
      %add3A_485 = arith.addi %broadcast_in_dim3A_484, %iota3A : vector<16xi32>
      %rem3A_486 = arith.constant 200 : i32
      %rem3A_487 = vector.broadcast %rem3A_486 : i32 to vector<16xi32>
      %rem3A_488 = arith.remsi %add3A_485, %rem3A_487 : vector<16xi32>
      %mul3A_489 = arith.constant 2 : i32
      %mul3A_490 = vector.broadcast %mul3A_489 : i32 to vector<16xi32>
      %mul3A_491 = arith.muli %mul3A_490, %rem3A_488 : vector<16xi32>
      %add3A_492 = arith.addi %mul3A_491, %get3A_481 : vector<16xi32>
      %swap3A_493 = arith.constant 64 : index
      %swap3A_494 = tpu.vector_load %arg17[%swap3A_493] {strides = array<i32>} : memref<128xi32, #tpu.memory_space<vmem>>, vector<16xi32>,
      tpu.vector_store %arg17[%swap3A_493], %add3A_492 {strides = array<i32>} : memref<128xi32, #tpu.memory_space<vmem>>, vector<16xi32>,
      %get3A_495 = arith.constant 80 : index
      %get3A_496 = tpu.vector_load %arg15[%get3A_495] {strides = array<i32>} : memref<128xi32, #tpu.memory_space<vmem>>, vector<16xi32>,
      %add3A_497 = arith.constant 80 : i32
      %add3A_498 = arith.addi %add3A_419, %add3A_497 : i32
      %broadcast_in_dim3A_499 = vector.broadcast %add3A_498 : i32 to vector<16xi32>
      %add3A_500 = arith.addi %broadcast_in_dim3A_499, %iota3A : vector<16xi32>
      %rem3A_501 = arith.constant 200 : i32
      %rem3A_502 = vector.broadcast %rem3A_501 : i32 to vector<16xi32>
      %rem3A_503 = arith.remsi %add3A_500, %rem3A_502 : vector<16xi32>
      %mul3A_504 = arith.constant 2 : i32
      %mul3A_505 = vector.broadcast %mul3A_504 : i32 to vector<16xi32>
      %mul3A_506 = arith.muli %mul3A_505, %rem3A_503 : vector<16xi32>
      %add3A_507 = arith.addi %mul3A_506, %get3A_496 : vector<16xi32>
      %swap3A_508 = arith.constant 80 : index
      %swap3A_509 = tpu.vector_load %arg17[%swap3A_508] {strides = array<i32>} : memref<128xi32, #tpu.memory_space<vmem>>, vector<16xi32>,
      tpu.vector_store %arg17[%swap3A_508], %add3A_507 {strides = array<i32>} : memref<128xi32, #tpu.memory_space<vmem>>, vector<16xi32>,
      %get3A_510 = arith.constant 96 : index
      %get3A_511 = tpu.vector_load %arg15[%get3A_510] {strides = array<i32>} : memref<128xi32, #tpu.memory_space<vmem>>, vector<16xi32>,
      %add3A_512 = arith.constant 96 : i32
      %add3A_513 = arith.addi %add3A_419, %add3A_512 : i32
      %broadcast_in_dim3A_514 = vector.broadcast %add3A_513 : i32 to vector<16xi32>
      %add3A_515 = arith.addi %broadcast_in_dim3A_514, %iota3A : vector<16xi32>
      %rem3A_516 = arith.constant 200 : i32
      %rem3A_517 = vector.broadcast %rem3A_516 : i32 to vector<16xi32>
      %rem3A_518 = arith.remsi %add3A_515, %rem3A_517 : vector<16xi32>
      %mul3A_519 = arith.constant 2 : i32
      %mul3A_520 = vector.broadcast %mul3A_519 : i32 to vector<16xi32>
      %mul3A_521 = arith.muli %mul3A_520, %rem3A_518 : vector<16xi32>
      %add3A_522 = arith.addi %mul3A_521, %get3A_511 : vector<16xi32>
      %swap3A_523 = arith.constant 96 : index
      %swap3A_524 = tpu.vector_load %arg17[%swap3A_523] {strides = array<i32>} : memref<128xi32, #tpu.memory_space<vmem>>, vector<16xi32>,
      tpu.vector_store %arg17[%swap3A_523], %add3A_522 {strides = array<i32>} : memref<128xi32, #tpu.memory_space<vmem>>, vector<16xi32>,
      %get3A_525 = arith.constant 112 : index
      %get3A_526 = tpu.vector_load %arg15[%get3A_525] {strides = array<i32>} : memref<128xi32, #tpu.memory_space<vmem>>, vector<16xi32>,
      %add3A_527 = arith.constant 112 : i32
      %add3A_528 = arith.addi %add3A_419, %add3A_527 : i32
      %broadcast_in_dim3A_529 = vector.broadcast %add3A_528 : i32 to vector<16xi32>
      %add3A_530 = arith.addi %broadcast_in_dim3A_529, %iota3A : vector<16xi32>
      %rem3A_531 = arith.constant 200 : i32
      %rem3A_532 = vector.broadcast %rem3A_531 : i32 to vector<16xi32>
      %rem3A_533 = arith.remsi %add3A_530, %rem3A_532 : vector<16xi32>
      %mul3A_534 = arith.constant 2 : i32
      %mul3A_535 = vector.broadcast %mul3A_534 : i32 to vector<16xi32>
      %mul3A_536 = arith.muli %mul3A_535, %rem3A_533 : vector<16xi32>
      %add3A_537 = arith.addi %mul3A_536, %get3A_526 : vector<16xi32>
      %swap3A_538 = arith.constant 112 : index
      %swap3A_539 = tpu.vector_load %arg17[%swap3A_538] {strides = array<i32>} : memref<128xi32, #tpu.memory_space<vmem>>, vector<16xi32>,
      tpu.vector_store %arg17[%swap3A_538], %add3A_537 {strides = array<i32>} : memref<128xi32, #tpu.memory_space<vmem>>, vector<16xi32>,
      %mul3A_540 = arith.constant 2 : i32
      %mul3A_541 = arith.muli %mul3A_540, %scan3A_358 : i32
      %add3A_542 = arith.constant 1 : i32
      %add3A_543 = arith.addi %mul3A_541, %add3A_542 : i32
      %dma_wait3A_544 = arith.constant 0 : i32
      %dma_wait3A_545 = arith.constant 0 : i32
      %dma_wait3A_546 = tpu.memref_slice %arg23[%dma_wait3A_544, %dma_wait3A_545] : memref<400x128xf32, #tpu.memory_space<vmem_shared>> -> memref<400x128xf32, #tpu.memory_space<vmem_shared>>
      tpu.wait_indirect_dma semaphore(%arg31 : memref<!tpu.dma_semaphore, #tpu.memory_space<semaphore_mem>>) src(%dma_wait3A_546 : memref<400x128xf32, #tpu.memory_space<vmem_shared>>) dst(%arg20 : memref<128x128xf32, #tpu.memory_space<vmem>>)
      %add3A_547 = arith.constant 2 : i32
      %add3A_548 = arith.addi %add3A_543, %add3A_547 : i32
      %min3A_549 = arith.constant 49 : i32
      %min3A_550 = arith.minsi %add3A_548, %min3A_549 : i32
      %mul3A_551 = arith.constant 128 : i32
      %mul3A_552 = arith.muli %min3A_550, %mul3A_551 : i32
      %add3A_553 = arith.addi %mul3A_2, %mul3A_552 : i32
      %dma_start3A_554 = tpu.memref_slice %arg2[%add3A_553] : memref<204800xi32, #tpu.memory_space<hbm>> -> memref<128xi32, #tpu.memory_space<hbm>>
      %dma_start3A_555 = tpu.memref_slice %arg2[%add3A_553] : memref<204800xi32, #tpu.memory_space<hbm>> -> memref<128xi32, #tpu.memory_space<hbm>>
      tpu.enqueue_dma source(%dma_start3A_555 : memref<128xi32, #tpu.memory_space<hbm>>) target(%arg14 : memref<128xi32, #tpu.memory_space<vmem>>) target_semaphore(%arg25 : memref<!tpu.dma_semaphore, #tpu.memory_space<semaphore_mem>>)
      %dma_start3A_556 = tpu.memref_slice %arg3[%add3A_553] : memref<204800xi32, #tpu.memory_space<hbm>> -> memref<128xi32, #tpu.memory_space<hbm>>
      %dma_start3A_557 = tpu.memref_slice %arg3[%add3A_553] : memref<204800xi32, #tpu.memory_space<hbm>> -> memref<128xi32, #tpu.memory_space<hbm>>
      tpu.enqueue_dma source(%dma_start3A_557 : memref<128xi32, #tpu.memory_space<hbm>>) target(%arg16 : memref<128xi32, #tpu.memory_space<vmem>>) target_semaphore(%arg27 : memref<!tpu.dma_semaphore, #tpu.memory_space<semaphore_mem>>)
      %ge3A_558 = arith.constant 1 : i32
      %ge3A_559 = arith.cmpi sge, %scan3A_358, %ge3A_558 : i32
      %convert_element_type3A_560 = arith.extui %ge3A_559 : i1 to i32
      %cond3A_561 = arith.constant 0 : i32
      %cond3A_562 = arith.cmpi ne, %convert_element_type3A_560, %cond3A_561 : i32
      scf.if %cond3A_562 {
        %dma_wait3A_726 = arith.constant 0 : i32
        %dma_wait3A_727 = tpu.memref_slice %arg8[%mul3A_2, %dma_wait3A_726] : memref<204800x128xf32, #tpu.memory_space<hbm>> -> memref<128x128xf32, #tpu.memory_space<hbm>>
        %dma_wait3A_728 = arith.constant 0 : i32
        %dma_wait3A_729 = tpu.memref_slice %arg8[%mul3A_2, %dma_wait3A_728] : memref<204800x128xf32, #tpu.memory_space<hbm>> -> memref<128x128xf32, #tpu.memory_space<hbm>>
        tpu.wait_dma2 semaphore(%arg33 : memref<!tpu.dma_semaphore, #tpu.memory_space<semaphore_mem>>) src(%arg22 : memref<128x128xf32, #tpu.memory_space<vmem>>) dst(%dma_wait3A_729 : memref<128x128xf32, #tpu.memory_space<hbm>>)
      } else {
      }
      %scan3A_563 = arith.constant 0 : i32
      %scan3A_564 = arith.constant 0 : i32
      %scan3A_565 = arith.constant 104 : i32
      %scan3A_566 = arith.addi %scan3A_564, %scan3A_565 : i32
      %scan3A_567 = arith.constant 1 : i32
      scf.for %scan3A_726 = %scan3A_564 to %scan3A_566 step %scan3A_567  : i32 {
        %mul3A_727 = arith.constant 1 : i32
        %mul3A_728 = arith.muli %scan3A_726, %mul3A_727 : i32
        %add3A_729 = arith.constant 0 : i32
        %add3A_730 = arith.addi %mul3A_728, %add3A_729 : i32
        %get3A_731 = arith.index_cast %add3A_730 : i32 to index
        %get3A_732 = arith.constant 0 : index
        %get3A_733 = tpu.vector_load %arg20[%get3A_731, %get3A_732] {strides = array<i32>} : memref<128x128xf32, #tpu.memory_space<vmem>>, vector<16xf32>,
        %get3A_734 = arith.index_cast %add3A_730 : i32 to index
        %get3A_735 = arith.constant 16 : index
        %get3A_736 = tpu.vector_load %arg20[%get3A_734, %get3A_735] {strides = array<i32>} : memref<128x128xf32, #tpu.memory_space<vmem>>, vector<16xf32>,
        %get3A_737 = arith.index_cast %add3A_730 : i32 to index
        %get3A_738 = arith.constant 32 : index
        %get3A_739 = tpu.vector_load %arg20[%get3A_737, %get3A_738] {strides = array<i32>} : memref<128x128xf32, #tpu.memory_space<vmem>>, vector<16xf32>,
        %get3A_740 = arith.index_cast %add3A_730 : i32 to index
        %get3A_741 = arith.constant 48 : index
        %get3A_742 = tpu.vector_load %arg20[%get3A_740, %get3A_741] {strides = array<i32>} : memref<128x128xf32, #tpu.memory_space<vmem>>, vector<16xf32>,
        %get3A_743 = arith.index_cast %add3A_730 : i32 to index
        %get3A_744 = arith.constant 64 : index
        %get3A_745 = tpu.vector_load %arg20[%get3A_743, %get3A_744] {strides = array<i32>} : memref<128x128xf32, #tpu.memory_space<vmem>>, vector<16xf32>,
        %get3A_746 = arith.index_cast %add3A_730 : i32 to index
        %get3A_747 = arith.constant 80 : index
        %get3A_748 = tpu.vector_load %arg20[%get3A_746, %get3A_747] {strides = array<i32>} : memref<128x128xf32, #tpu.memory_space<vmem>>, vector<16xf32>,
        %get3A_749 = arith.index_cast %add3A_730 : i32 to index
        %get3A_750 = arith.constant 96 : index
        %get3A_751 = tpu.vector_load %arg20[%get3A_749, %get3A_750] {strides = array<i32>} : memref<128x128xf32, #tpu.memory_space<vmem>>, vector<16xf32>,
        %get3A_752 = arith.index_cast %add3A_730 : i32 to index
        %get3A_753 = arith.constant 112 : index
        %get3A_754 = tpu.vector_load %arg20[%get3A_752, %get3A_753] {strides = array<i32>} : memref<128x128xf32, #tpu.memory_space<vmem>>, vector<16xf32>,
        %add3A_755 = arith.addf %get3A_733, %get3A_736 : vector<16xf32>
        %add3A_756 = arith.addf %get3A_739, %get3A_742 : vector<16xf32>
        %add3A_757 = arith.addf %get3A_745, %get3A_748 : vector<16xf32>
        %add3A_758 = arith.addf %get3A_751, %get3A_754 : vector<16xf32>
        %add3A_759 = arith.addf %add3A_755, %add3A_756 : vector<16xf32>
        %add3A_760 = arith.addf %add3A_757, %add3A_758 : vector<16xf32>
        %add3A_761 = arith.addf %add3A_759, %add3A_760 : vector<16xf32>
        %mul3A_762 = arith.mulf %get3A_733, %get3A_733 : vector<16xf32>
        %mul3A_763 = arith.mulf %get3A_736, %get3A_736 : vector<16xf32>
        %mul3A_764 = arith.mulf %get3A_739, %get3A_739 : vector<16xf32>
        %mul3A_765 = arith.mulf %get3A_742, %get3A_742 : vector<16xf32>
        %mul3A_766 = arith.mulf %get3A_745, %get3A_745 : vector<16xf32>
        %mul3A_767 = arith.mulf %get3A_748, %get3A_748 : vector<16xf32>
        %mul3A_768 = arith.mulf %get3A_751, %get3A_751 : vector<16xf32>
        %mul3A_769 = arith.mulf %get3A_754, %get3A_754 : vector<16xf32>
        %add3A_770 = arith.addf %mul3A_762, %mul3A_763 : vector<16xf32>
        %add3A_771 = arith.addf %mul3A_764, %mul3A_765 : vector<16xf32>
        %add3A_772 = arith.addf %mul3A_766, %mul3A_767 : vector<16xf32>
        %add3A_773 = arith.addf %mul3A_768, %mul3A_769 : vector<16xf32>
        %add3A_774 = arith.addf %add3A_770, %add3A_771 : vector<16xf32>
        %add3A_775 = arith.addf %add3A_772, %add3A_773 : vector<16xf32>
        %add3A_776 = arith.addf %add3A_774, %add3A_775 : vector<16xf32>
        %reduce_sum3A = arith.constant true
        %reduce_sum3A_777 = vector.broadcast %reduce_sum3A : i1 to vector<16xi1>
        %reduce_sum3A_778 = tpu.scan <sum>, %add3A_761 masked %reduce_sum3A_777 : vector<16xf32>, vector<16xi1> -> vector<16xf32>
        %reduce_sum3A_779 = vector.extract %reduce_sum3A_778[15] : f32 from vector<16xf32>
        %mul3A_780 = arith.constant 7.812500e-03 : f32
        %mul3A_781 = arith.mulf %reduce_sum3A_779, %mul3A_780 : f32
        %reduce_sum3A_782 = arith.constant true
        %reduce_sum3A_783 = vector.broadcast %reduce_sum3A_782 : i1 to vector<16xi1>
        %reduce_sum3A_784 = tpu.scan <sum>, %add3A_776 masked %reduce_sum3A_783 : vector<16xf32>, vector<16xi1> -> vector<16xf32>
        %reduce_sum3A_785 = vector.extract %reduce_sum3A_784[15] : f32 from vector<16xf32>
        %mul3A_786 = arith.constant 7.812500e-03 : f32
        %mul3A_787 = arith.mulf %reduce_sum3A_785, %mul3A_786 : f32
        %mul3A_788 = arith.mulf %mul3A_781, %mul3A_781 : f32
        %sub3A = arith.subf %mul3A_787, %mul3A_788 : f32
        %add3A_789 = arith.constant 9.99999996E-13 : f32
        %add3A_790 = arith.addf %sub3A, %add3A_789 : f32
        %broadcast_in_dim3A_791 = vector.broadcast %add3A_790 : f32 to vector<16xf32>
        %bitcast3A = vector.bitcast %broadcast_in_dim3A_791 : vector<16xf32> to vector<16xi32>
        %shift_right_logical3A = arith.constant 1 : i32
        %shift_right_logical3A_792 = vector.broadcast %shift_right_logical3A : i32 to vector<16xi32>
        %shift_right_logical3A_793 = arith.shrui %bitcast3A, %shift_right_logical3A_792 : vector<16xi32>
        %sub3A_794 = arith.constant 1597463007 : i32
        %sub3A_795 = vector.broadcast %sub3A_794 : i32 to vector<16xi32>
        %sub3A_796 = arith.subi %sub3A_795, %shift_right_logical3A_793 : vector<16xi32>
        %bitcast3A_797 = vector.bitcast %sub3A_796 : vector<16xi32> to vector<16xf32>
        %mul3A_798 = arith.constant 5.000000e-01 : f32
        %mul3A_799 = vector.broadcast %mul3A_798 : f32 to vector<16xf32>
        %mul3A_800 = arith.mulf %broadcast_in_dim3A_791, %mul3A_799 : vector<16xf32>
        %mul3A_801 = arith.mulf %mul3A_800, %bitcast3A_797 : vector<16xf32>
        %mul3A_802 = arith.mulf %mul3A_801, %bitcast3A_797 : vector<16xf32>
        %sub3A_803 = arith.constant 1.500000e+00 : f32
        %sub3A_804 = vector.broadcast %sub3A_803 : f32 to vector<16xf32>
        %sub3A_805 = arith.subf %sub3A_804, %mul3A_802 : vector<16xf32>
        %mul3A_806 = arith.mulf %bitcast3A_797, %sub3A_805 : vector<16xf32>
        %broadcast_in_dim3A_807 = vector.broadcast %mul3A_781 : f32 to vector<16xf32>
        %sub3A_808 = arith.subf %get3A_733, %broadcast_in_dim3A_807 : vector<16xf32>
        %mul3A_809 = arith.mulf %mul3A_806, %get3A_8 : vector<16xf32>
        %mul3A_810 = arith.mulf %sub3A_808, %mul3A_809 : vector<16xf32>
        %add3A_811 = arith.addf %mul3A_810, %get3A_24 : vector<16xf32>
        %swap3A_812 = arith.index_cast %add3A_730 : i32 to index
        %swap3A_813 = arith.constant 0 : index
        %swap3A_814 = tpu.vector_load %arg22[%swap3A_812, %swap3A_813] {strides = array<i32>} : memref<128x128xf32, #tpu.memory_space<vmem>>, vector<16xf32>,
        tpu.vector_store %arg22[%swap3A_812, %swap3A_813], %add3A_811 {strides = array<i32>} : memref<128x128xf32, #tpu.memory_space<vmem>>, vector<16xf32>,
        %sub3A_815 = arith.subf %get3A_736, %broadcast_in_dim3A_807 : vector<16xf32>
        %mul3A_816 = arith.mulf %mul3A_806, %get3A_10 : vector<16xf32>
        %mul3A_817 = arith.mulf %sub3A_815, %mul3A_816 : vector<16xf32>
        %add3A_818 = arith.addf %mul3A_817, %get3A_26 : vector<16xf32>
        %swap3A_819 = arith.index_cast %add3A_730 : i32 to index
        %swap3A_820 = arith.constant 16 : index
        %swap3A_821 = tpu.vector_load %arg22[%swap3A_819, %swap3A_820] {strides = array<i32>} : memref<128x128xf32, #tpu.memory_space<vmem>>, vector<16xf32>,
        tpu.vector_store %arg22[%swap3A_819, %swap3A_820], %add3A_818 {strides = array<i32>} : memref<128x128xf32, #tpu.memory_space<vmem>>, vector<16xf32>,
        %sub3A_822 = arith.subf %get3A_739, %broadcast_in_dim3A_807 : vector<16xf32>
        %mul3A_823 = arith.mulf %mul3A_806, %get3A_12 : vector<16xf32>
        %mul3A_824 = arith.mulf %sub3A_822, %mul3A_823 : vector<16xf32>
        %add3A_825 = arith.addf %mul3A_824, %get3A_28 : vector<16xf32>
        %swap3A_826 = arith.index_cast %add3A_730 : i32 to index
        %swap3A_827 = arith.constant 32 : index
        %swap3A_828 = tpu.vector_load %arg22[%swap3A_826, %swap3A_827] {strides = array<i32>} : memref<128x128xf32, #tpu.memory_space<vmem>>, vector<16xf32>,
        tpu.vector_store %arg22[%swap3A_826, %swap3A_827], %add3A_825 {strides = array<i32>} : memref<128x128xf32, #tpu.memory_space<vmem>>, vector<16xf32>,
        %sub3A_829 = arith.subf %get3A_742, %broadcast_in_dim3A_807 : vector<16xf32>
        %mul3A_830 = arith.mulf %mul3A_806, %get3A_14 : vector<16xf32>
        %mul3A_831 = arith.mulf %sub3A_829, %mul3A_830 : vector<16xf32>
        %add3A_832 = arith.addf %mul3A_831, %get3A_30 : vector<16xf32>
        %swap3A_833 = arith.index_cast %add3A_730 : i32 to index
        %swap3A_834 = arith.constant 48 : index
        %swap3A_835 = tpu.vector_load %arg22[%swap3A_833, %swap3A_834] {strides = array<i32>} : memref<128x128xf32, #tpu.memory_space<vmem>>, vector<16xf32>,
        tpu.vector_store %arg22[%swap3A_833, %swap3A_834], %add3A_832 {strides = array<i32>} : memref<128x128xf32, #tpu.memory_space<vmem>>, vector<16xf32>,
        %sub3A_836 = arith.subf %get3A_745, %broadcast_in_dim3A_807 : vector<16xf32>
        %mul3A_837 = arith.mulf %mul3A_806, %get3A_16 : vector<16xf32>
        %mul3A_838 = arith.mulf %sub3A_836, %mul3A_837 : vector<16xf32>
        %add3A_839 = arith.addf %mul3A_838, %get3A_32 : vector<16xf32>
        %swap3A_840 = arith.index_cast %add3A_730 : i32 to index
        %swap3A_841 = arith.constant 64 : index
        %swap3A_842 = tpu.vector_load %arg22[%swap3A_840, %swap3A_841] {strides = array<i32>} : memref<128x128xf32, #tpu.memory_space<vmem>>, vector<16xf32>,
        tpu.vector_store %arg22[%swap3A_840, %swap3A_841], %add3A_839 {strides = array<i32>} : memref<128x128xf32, #tpu.memory_space<vmem>>, vector<16xf32>,
        %sub3A_843 = arith.subf %get3A_748, %broadcast_in_dim3A_807 : vector<16xf32>
        %mul3A_844 = arith.mulf %mul3A_806, %get3A_18 : vector<16xf32>
        %mul3A_845 = arith.mulf %sub3A_843, %mul3A_844 : vector<16xf32>
        %add3A_846 = arith.addf %mul3A_845, %get3A_34 : vector<16xf32>
        %swap3A_847 = arith.index_cast %add3A_730 : i32 to index
        %swap3A_848 = arith.constant 80 : index
        %swap3A_849 = tpu.vector_load %arg22[%swap3A_847, %swap3A_848] {strides = array<i32>} : memref<128x128xf32, #tpu.memory_space<vmem>>, vector<16xf32>,
        tpu.vector_store %arg22[%swap3A_847, %swap3A_848], %add3A_846 {strides = array<i32>} : memref<128x128xf32, #tpu.memory_space<vmem>>, vector<16xf32>,
        %sub3A_850 = arith.subf %get3A_751, %broadcast_in_dim3A_807 : vector<16xf32>
        %mul3A_851 = arith.mulf %mul3A_806, %get3A_20 : vector<16xf32>
        %mul3A_852 = arith.mulf %sub3A_850, %mul3A_851 : vector<16xf32>
        %add3A_853 = arith.addf %mul3A_852, %get3A_36 : vector<16xf32>
        %swap3A_854 = arith.index_cast %add3A_730 : i32 to index
        %swap3A_855 = arith.constant 96 : index
        %swap3A_856 = tpu.vector_load %arg22[%swap3A_854, %swap3A_855] {strides = array<i32>} : memref<128x128xf32, #tpu.memory_space<vmem>>, vector<16xf32>,
        tpu.vector_store %arg22[%swap3A_854, %swap3A_855], %add3A_853 {strides = array<i32>} : memref<128x128xf32, #tpu.memory_space<vmem>>, vector<16xf32>,
        %sub3A_857 = arith.subf %get3A_754, %broadcast_in_dim3A_807 : vector<16xf32>
        %mul3A_858 = arith.mulf %mul3A_806, %get3A_22 : vector<16xf32>
        %mul3A_859 = arith.mulf %sub3A_857, %mul3A_858 : vector<16xf32>
        %add3A_860 = arith.addf %mul3A_859, %get3A_38 : vector<16xf32>
        %swap3A_861 = arith.index_cast %add3A_730 : i32 to index
        %swap3A_862 = arith.constant 112 : index
        %swap3A_863 = tpu.vector_load %arg22[%swap3A_861, %swap3A_862] {strides = array<i32>} : memref<128x128xf32, #tpu.memory_space<vmem>>, vector<16xf32>,
        tpu.vector_store %arg22[%swap3A_861, %swap3A_862], %add3A_860 {strides = array<i32>} : memref<128x128xf32, #tpu.memory_space<vmem>>, vector<16xf32>,
      }
      %scan3A_568 = arith.constant 104 : i32
      %dma_wait3A_569 = arith.constant 0 : i32
      %dma_wait3A_570 = arith.constant 0 : i32
      %dma_wait3A_571 = tpu.memref_slice %arg4[%dma_wait3A_569, %dma_wait3A_570] : memref<100000x128xf32, #tpu.memory_space<hbm>> -> memref<100000x128xf32, #tpu.memory_space<hbm>>
      tpu.wait_indirect_dma semaphore(%arg28 : memref<!tpu.dma_semaphore, #tpu.memory_space<semaphore_mem>>) src(%dma_wait3A_571 : memref<100000x128xf32, #tpu.memory_space<hbm>>) dst(%arg19 : memref<128x128xf32, #tpu.memory_space<vmem>>)
      %dma_start3A_572 = arith.constant 0 : i32
      %dma_start3A_573 = arith.constant 0 : i32
      %dma_start3A_574 = tpu.memref_slice %arg23[%dma_start3A_572, %dma_start3A_573] : memref<400x128xf32, #tpu.memory_space<vmem_shared>> -> memref<400x128xf32, #tpu.memory_space<vmem_shared>>
      tpu.enqueue_indirect_dma source(%dma_start3A_574 : memref<400x128xf32, #tpu.memory_space<vmem_shared>>) target(%arg19 : memref<128x128xf32, #tpu.memory_space<vmem>>) offsets(%arg17 : memref<128xi32, #tpu.memory_space<vmem>>) semaphore(%arg30 : memref<!tpu.dma_semaphore, #tpu.memory_space<semaphore_mem>>) {add = true}
      %scan3A_575 = arith.constant 0 : i32
      %scan3A_576 = arith.constant 104 : i32
      %scan3A_577 = arith.constant 24 : i32
      %scan3A_578 = arith.addi %scan3A_576, %scan3A_577 : i32
      %scan3A_579 = arith.constant 1 : i32
      scf.for %scan3A_726 = %scan3A_576 to %scan3A_578 step %scan3A_579  : i32 {
        %mul3A_727 = arith.constant 1 : i32
        %mul3A_728 = arith.muli %scan3A_726, %mul3A_727 : i32
        %add3A_729 = arith.constant 0 : i32
        %add3A_730 = arith.addi %mul3A_728, %add3A_729 : i32
        %get3A_731 = arith.index_cast %add3A_730 : i32 to index
        %get3A_732 = arith.constant 0 : index
        %get3A_733 = tpu.vector_load %arg20[%get3A_731, %get3A_732] {strides = array<i32>} : memref<128x128xf32, #tpu.memory_space<vmem>>, vector<16xf32>,
        %get3A_734 = arith.index_cast %add3A_730 : i32 to index
        %get3A_735 = arith.constant 16 : index
        %get3A_736 = tpu.vector_load %arg20[%get3A_734, %get3A_735] {strides = array<i32>} : memref<128x128xf32, #tpu.memory_space<vmem>>, vector<16xf32>,
        %get3A_737 = arith.index_cast %add3A_730 : i32 to index
        %get3A_738 = arith.constant 32 : index
        %get3A_739 = tpu.vector_load %arg20[%get3A_737, %get3A_738] {strides = array<i32>} : memref<128x128xf32, #tpu.memory_space<vmem>>, vector<16xf32>,
        %get3A_740 = arith.index_cast %add3A_730 : i32 to index
        %get3A_741 = arith.constant 48 : index
        %get3A_742 = tpu.vector_load %arg20[%get3A_740, %get3A_741] {strides = array<i32>} : memref<128x128xf32, #tpu.memory_space<vmem>>, vector<16xf32>,
        %get3A_743 = arith.index_cast %add3A_730 : i32 to index
        %get3A_744 = arith.constant 64 : index
        %get3A_745 = tpu.vector_load %arg20[%get3A_743, %get3A_744] {strides = array<i32>} : memref<128x128xf32, #tpu.memory_space<vmem>>, vector<16xf32>,
        %get3A_746 = arith.index_cast %add3A_730 : i32 to index
        %get3A_747 = arith.constant 80 : index
        %get3A_748 = tpu.vector_load %arg20[%get3A_746, %get3A_747] {strides = array<i32>} : memref<128x128xf32, #tpu.memory_space<vmem>>, vector<16xf32>,
        %get3A_749 = arith.index_cast %add3A_730 : i32 to index
        %get3A_750 = arith.constant 96 : index
        %get3A_751 = tpu.vector_load %arg20[%get3A_749, %get3A_750] {strides = array<i32>} : memref<128x128xf32, #tpu.memory_space<vmem>>, vector<16xf32>,
        %get3A_752 = arith.index_cast %add3A_730 : i32 to index
        %get3A_753 = arith.constant 112 : index
        %get3A_754 = tpu.vector_load %arg20[%get3A_752, %get3A_753] {strides = array<i32>} : memref<128x128xf32, #tpu.memory_space<vmem>>, vector<16xf32>,
        %add3A_755 = arith.addf %get3A_733, %get3A_736 : vector<16xf32>
        %add3A_756 = arith.addf %get3A_739, %get3A_742 : vector<16xf32>
        %add3A_757 = arith.addf %get3A_745, %get3A_748 : vector<16xf32>
        %add3A_758 = arith.addf %get3A_751, %get3A_754 : vector<16xf32>
        %add3A_759 = arith.addf %add3A_755, %add3A_756 : vector<16xf32>
        %add3A_760 = arith.addf %add3A_757, %add3A_758 : vector<16xf32>
        %add3A_761 = arith.addf %add3A_759, %add3A_760 : vector<16xf32>
        %mul3A_762 = arith.mulf %get3A_733, %get3A_733 : vector<16xf32>
        %mul3A_763 = arith.mulf %get3A_736, %get3A_736 : vector<16xf32>
        %mul3A_764 = arith.mulf %get3A_739, %get3A_739 : vector<16xf32>
        %mul3A_765 = arith.mulf %get3A_742, %get3A_742 : vector<16xf32>
        %mul3A_766 = arith.mulf %get3A_745, %get3A_745 : vector<16xf32>
        %mul3A_767 = arith.mulf %get3A_748, %get3A_748 : vector<16xf32>
        %mul3A_768 = arith.mulf %get3A_751, %get3A_751 : vector<16xf32>
        %mul3A_769 = arith.mulf %get3A_754, %get3A_754 : vector<16xf32>
        %add3A_770 = arith.addf %mul3A_762, %mul3A_763 : vector<16xf32>
        %add3A_771 = arith.addf %mul3A_764, %mul3A_765 : vector<16xf32>
        %add3A_772 = arith.addf %mul3A_766, %mul3A_767 : vector<16xf32>
        %add3A_773 = arith.addf %mul3A_768, %mul3A_769 : vector<16xf32>
        %add3A_774 = arith.addf %add3A_770, %add3A_771 : vector<16xf32>
        %add3A_775 = arith.addf %add3A_772, %add3A_773 : vector<16xf32>
        %add3A_776 = arith.addf %add3A_774, %add3A_775 : vector<16xf32>
        %reduce_sum3A = arith.constant true
        %reduce_sum3A_777 = vector.broadcast %reduce_sum3A : i1 to vector<16xi1>
        %reduce_sum3A_778 = tpu.scan <sum>, %add3A_761 masked %reduce_sum3A_777 : vector<16xf32>, vector<16xi1> -> vector<16xf32>
        %reduce_sum3A_779 = vector.extract %reduce_sum3A_778[15] : f32 from vector<16xf32>
        %mul3A_780 = arith.constant 7.812500e-03 : f32
        %mul3A_781 = arith.mulf %reduce_sum3A_779, %mul3A_780 : f32
        %reduce_sum3A_782 = arith.constant true
        %reduce_sum3A_783 = vector.broadcast %reduce_sum3A_782 : i1 to vector<16xi1>
        %reduce_sum3A_784 = tpu.scan <sum>, %add3A_776 masked %reduce_sum3A_783 : vector<16xf32>, vector<16xi1> -> vector<16xf32>
        %reduce_sum3A_785 = vector.extract %reduce_sum3A_784[15] : f32 from vector<16xf32>
        %mul3A_786 = arith.constant 7.812500e-03 : f32
        %mul3A_787 = arith.mulf %reduce_sum3A_785, %mul3A_786 : f32
        %mul3A_788 = arith.mulf %mul3A_781, %mul3A_781 : f32
        %sub3A = arith.subf %mul3A_787, %mul3A_788 : f32
        %add3A_789 = arith.constant 9.99999996E-13 : f32
        %add3A_790 = arith.addf %sub3A, %add3A_789 : f32
        %broadcast_in_dim3A_791 = vector.broadcast %add3A_790 : f32 to vector<16xf32>
        %bitcast3A = vector.bitcast %broadcast_in_dim3A_791 : vector<16xf32> to vector<16xi32>
        %shift_right_logical3A = arith.constant 1 : i32
        %shift_right_logical3A_792 = vector.broadcast %shift_right_logical3A : i32 to vector<16xi32>
        %shift_right_logical3A_793 = arith.shrui %bitcast3A, %shift_right_logical3A_792 : vector<16xi32>
        %sub3A_794 = arith.constant 1597463007 : i32
        %sub3A_795 = vector.broadcast %sub3A_794 : i32 to vector<16xi32>
        %sub3A_796 = arith.subi %sub3A_795, %shift_right_logical3A_793 : vector<16xi32>
        %bitcast3A_797 = vector.bitcast %sub3A_796 : vector<16xi32> to vector<16xf32>
        %mul3A_798 = arith.constant 5.000000e-01 : f32
        %mul3A_799 = vector.broadcast %mul3A_798 : f32 to vector<16xf32>
        %mul3A_800 = arith.mulf %broadcast_in_dim3A_791, %mul3A_799 : vector<16xf32>
        %mul3A_801 = arith.mulf %mul3A_800, %bitcast3A_797 : vector<16xf32>
        %mul3A_802 = arith.mulf %mul3A_801, %bitcast3A_797 : vector<16xf32>
        %sub3A_803 = arith.constant 1.500000e+00 : f32
        %sub3A_804 = vector.broadcast %sub3A_803 : f32 to vector<16xf32>
        %sub3A_805 = arith.subf %sub3A_804, %mul3A_802 : vector<16xf32>
        %mul3A_806 = arith.mulf %bitcast3A_797, %sub3A_805 : vector<16xf32>
        %broadcast_in_dim3A_807 = vector.broadcast %mul3A_781 : f32 to vector<16xf32>
        %sub3A_808 = arith.subf %get3A_733, %broadcast_in_dim3A_807 : vector<16xf32>
        %mul3A_809 = arith.mulf %mul3A_806, %get3A_8 : vector<16xf32>
        %mul3A_810 = arith.mulf %sub3A_808, %mul3A_809 : vector<16xf32>
        %add3A_811 = arith.addf %mul3A_810, %get3A_24 : vector<16xf32>
        %swap3A_812 = arith.index_cast %add3A_730 : i32 to index
        %swap3A_813 = arith.constant 0 : index
        %swap3A_814 = tpu.vector_load %arg22[%swap3A_812, %swap3A_813] {strides = array<i32>} : memref<128x128xf32, #tpu.memory_space<vmem>>, vector<16xf32>,
        tpu.vector_store %arg22[%swap3A_812, %swap3A_813], %add3A_811 {strides = array<i32>} : memref<128x128xf32, #tpu.memory_space<vmem>>, vector<16xf32>,
        %sub3A_815 = arith.subf %get3A_736, %broadcast_in_dim3A_807 : vector<16xf32>
        %mul3A_816 = arith.mulf %mul3A_806, %get3A_10 : vector<16xf32>
        %mul3A_817 = arith.mulf %sub3A_815, %mul3A_816 : vector<16xf32>
        %add3A_818 = arith.addf %mul3A_817, %get3A_26 : vector<16xf32>
        %swap3A_819 = arith.index_cast %add3A_730 : i32 to index
        %swap3A_820 = arith.constant 16 : index
        %swap3A_821 = tpu.vector_load %arg22[%swap3A_819, %swap3A_820] {strides = array<i32>} : memref<128x128xf32, #tpu.memory_space<vmem>>, vector<16xf32>,
        tpu.vector_store %arg22[%swap3A_819, %swap3A_820], %add3A_818 {strides = array<i32>} : memref<128x128xf32, #tpu.memory_space<vmem>>, vector<16xf32>,
        %sub3A_822 = arith.subf %get3A_739, %broadcast_in_dim3A_807 : vector<16xf32>
        %mul3A_823 = arith.mulf %mul3A_806, %get3A_12 : vector<16xf32>
        %mul3A_824 = arith.mulf %sub3A_822, %mul3A_823 : vector<16xf32>
        %add3A_825 = arith.addf %mul3A_824, %get3A_28 : vector<16xf32>
        %swap3A_826 = arith.index_cast %add3A_730 : i32 to index
        %swap3A_827 = arith.constant 32 : index
        %swap3A_828 = tpu.vector_load %arg22[%swap3A_826, %swap3A_827] {strides = array<i32>} : memref<128x128xf32, #tpu.memory_space<vmem>>, vector<16xf32>,
        tpu.vector_store %arg22[%swap3A_826, %swap3A_827], %add3A_825 {strides = array<i32>} : memref<128x128xf32, #tpu.memory_space<vmem>>, vector<16xf32>,
        %sub3A_829 = arith.subf %get3A_742, %broadcast_in_dim3A_807 : vector<16xf32>
        %mul3A_830 = arith.mulf %mul3A_806, %get3A_14 : vector<16xf32>
        %mul3A_831 = arith.mulf %sub3A_829, %mul3A_830 : vector<16xf32>
        %add3A_832 = arith.addf %mul3A_831, %get3A_30 : vector<16xf32>
        %swap3A_833 = arith.index_cast %add3A_730 : i32 to index
        %swap3A_834 = arith.constant 48 : index
        %swap3A_835 = tpu.vector_load %arg22[%swap3A_833, %swap3A_834] {strides = array<i32>} : memref<128x128xf32, #tpu.memory_space<vmem>>, vector<16xf32>,
        tpu.vector_store %arg22[%swap3A_833, %swap3A_834], %add3A_832 {strides = array<i32>} : memref<128x128xf32, #tpu.memory_space<vmem>>, vector<16xf32>,
        %sub3A_836 = arith.subf %get3A_745, %broadcast_in_dim3A_807 : vector<16xf32>
        %mul3A_837 = arith.mulf %mul3A_806, %get3A_16 : vector<16xf32>
        %mul3A_838 = arith.mulf %sub3A_836, %mul3A_837 : vector<16xf32>
        %add3A_839 = arith.addf %mul3A_838, %get3A_32 : vector<16xf32>
        %swap3A_840 = arith.index_cast %add3A_730 : i32 to index
        %swap3A_841 = arith.constant 64 : index
        %swap3A_842 = tpu.vector_load %arg22[%swap3A_840, %swap3A_841] {strides = array<i32>} : memref<128x128xf32, #tpu.memory_space<vmem>>, vector<16xf32>,
        tpu.vector_store %arg22[%swap3A_840, %swap3A_841], %add3A_839 {strides = array<i32>} : memref<128x128xf32, #tpu.memory_space<vmem>>, vector<16xf32>,
        %sub3A_843 = arith.subf %get3A_748, %broadcast_in_dim3A_807 : vector<16xf32>
        %mul3A_844 = arith.mulf %mul3A_806, %get3A_18 : vector<16xf32>
        %mul3A_845 = arith.mulf %sub3A_843, %mul3A_844 : vector<16xf32>
        %add3A_846 = arith.addf %mul3A_845, %get3A_34 : vector<16xf32>
        %swap3A_847 = arith.index_cast %add3A_730 : i32 to index
        %swap3A_848 = arith.constant 80 : index
        %swap3A_849 = tpu.vector_load %arg22[%swap3A_847, %swap3A_848] {strides = array<i32>} : memref<128x128xf32, #tpu.memory_space<vmem>>, vector<16xf32>,
        tpu.vector_store %arg22[%swap3A_847, %swap3A_848], %add3A_846 {strides = array<i32>} : memref<128x128xf32, #tpu.memory_space<vmem>>, vector<16xf32>,
        %sub3A_850 = arith.subf %get3A_751, %broadcast_in_dim3A_807 : vector<16xf32>
        %mul3A_851 = arith.mulf %mul3A_806, %get3A_20 : vector<16xf32>
        %mul3A_852 = arith.mulf %sub3A_850, %mul3A_851 : vector<16xf32>
        %add3A_853 = arith.addf %mul3A_852, %get3A_36 : vector<16xf32>
        %swap3A_854 = arith.index_cast %add3A_730 : i32 to index
        %swap3A_855 = arith.constant 96 : index
        %swap3A_856 = tpu.vector_load %arg22[%swap3A_854, %swap3A_855] {strides = array<i32>} : memref<128x128xf32, #tpu.memory_space<vmem>>, vector<16xf32>,
        tpu.vector_store %arg22[%swap3A_854, %swap3A_855], %add3A_853 {strides = array<i32>} : memref<128x128xf32, #tpu.memory_space<vmem>>, vector<16xf32>,
        %sub3A_857 = arith.subf %get3A_754, %broadcast_in_dim3A_807 : vector<16xf32>
        %mul3A_858 = arith.mulf %mul3A_806, %get3A_22 : vector<16xf32>
        %mul3A_859 = arith.mulf %sub3A_857, %mul3A_858 : vector<16xf32>
        %add3A_860 = arith.addf %mul3A_859, %get3A_38 : vector<16xf32>
        %swap3A_861 = arith.index_cast %add3A_730 : i32 to index
        %swap3A_862 = arith.constant 112 : index
        %swap3A_863 = tpu.vector_load %arg22[%swap3A_861, %swap3A_862] {strides = array<i32>} : memref<128x128xf32, #tpu.memory_space<vmem>>, vector<16xf32>,
        tpu.vector_store %arg22[%swap3A_861, %swap3A_862], %add3A_860 {strides = array<i32>} : memref<128x128xf32, #tpu.memory_space<vmem>>, vector<16xf32>,
      }
      %scan3A_580 = arith.constant 24 : i32
      %mul3A_581 = arith.constant 128 : i32
      %mul3A_582 = arith.muli %add3A_543, %mul3A_581 : i32
      %add3A_583 = arith.addi %mul3A_2, %mul3A_582 : i32
      %dma_start3A_584 = arith.constant 0 : i32
      %dma_start3A_585 = tpu.memref_slice %arg8[%add3A_583, %dma_start3A_584] : memref<204800x128xf32, #tpu.memory_space<hbm>> -> memref<128x128xf32, #tpu.memory_space<hbm>>
      %dma_start3A_586 = arith.constant 0 : i32
      %dma_start3A_587 = tpu.memref_slice %arg8[%add3A_583, %dma_start3A_586] : memref<204800x128xf32, #tpu.memory_space<hbm>> -> memref<128x128xf32, #tpu.memory_space<hbm>>
      tpu.enqueue_dma source(%arg22 : memref<128x128xf32, #tpu.memory_space<vmem>>) target(%dma_start3A_587 : memref<128x128xf32, #tpu.memory_space<hbm>>) target_semaphore(%arg33 : memref<!tpu.dma_semaphore, #tpu.memory_space<semaphore_mem>>)
      %add3A_588 = arith.constant 2 : i32
      %add3A_589 = arith.addi %add3A_543, %add3A_588 : i32
      %dma_wait3A_590 = arith.constant 0 : i32
      %dma_wait3A_591 = tpu.memref_slice %arg2[%dma_wait3A_590] : memref<204800xi32, #tpu.memory_space<hbm>> -> memref<128xi32, #tpu.memory_space<hbm>>
      %dma_wait3A_592 = arith.constant 0 : i32
      %dma_wait3A_593 = tpu.memref_slice %arg2[%dma_wait3A_592] : memref<204800xi32, #tpu.memory_space<hbm>> -> memref<128xi32, #tpu.memory_space<hbm>>
      tpu.wait_dma2 semaphore(%arg25 : memref<!tpu.dma_semaphore, #tpu.memory_space<semaphore_mem>>) src(%dma_wait3A_593 : memref<128xi32, #tpu.memory_space<hbm>>) dst(%arg14 : memref<128xi32, #tpu.memory_space<vmem>>)
      %dma_wait3A_594 = arith.constant 0 : i32
      %dma_wait3A_595 = tpu.memref_slice %arg3[%dma_wait3A_594] : memref<204800xi32, #tpu.memory_space<hbm>> -> memref<128xi32, #tpu.memory_space<hbm>>
      %dma_wait3A_596 = arith.constant 0 : i32
      %dma_wait3A_597 = tpu.memref_slice %arg3[%dma_wait3A_596] : memref<204800xi32, #tpu.memory_space<hbm>> -> memref<128xi32, #tpu.memory_space<hbm>>
      tpu.wait_dma2 semaphore(%arg27 : memref<!tpu.dma_semaphore, #tpu.memory_space<semaphore_mem>>) src(%dma_wait3A_597 : memref<128xi32, #tpu.memory_space<hbm>>) dst(%arg16 : memref<128xi32, #tpu.memory_space<vmem>>)
      %dma_start3A_598 = arith.constant 0 : i32
      %dma_start3A_599 = arith.constant 0 : i32
      %dma_start3A_600 = tpu.memref_slice %arg4[%dma_start3A_598, %dma_start3A_599] : memref<100000x128xf32, #tpu.memory_space<hbm>> -> memref<100000x128xf32, #tpu.memory_space<hbm>>
      tpu.enqueue_indirect_dma source(%dma_start3A_600 : memref<100000x128xf32, #tpu.memory_space<hbm>>) target(%arg20 : memref<128x128xf32, #tpu.memory_space<vmem>>) offsets(%arg14 : memref<128xi32, #tpu.memory_space<vmem>>) semaphore(%arg29 : memref<!tpu.dma_semaphore, #tpu.memory_space<semaphore_mem>>)
      %min3A_601 = arith.constant 49 : i32
      %min3A_602 = arith.minsi %add3A_589, %min3A_601 : i32
      %mul3A_603 = arith.constant 128 : i32
      %mul3A_604 = arith.muli %min3A_602, %mul3A_603 : i32
      %add3A_605 = arith.addi %mul3A_2, %mul3A_604 : i32
      %get3A_606 = arith.constant 0 : index
      %get3A_607 = tpu.vector_load %arg16[%get3A_606] {strides = array<i32>} : memref<128xi32, #tpu.memory_space<vmem>>, vector<16xi32>,
      %add3A_608 = arith.constant 0 : i32
      %add3A_609 = arith.addi %add3A_605, %add3A_608 : i32
      %broadcast_in_dim3A_610 = vector.broadcast %add3A_609 : i32 to vector<16xi32>
      %add3A_611 = arith.addi %broadcast_in_dim3A_610, %iota3A : vector<16xi32>
      %rem3A_612 = arith.constant 200 : i32
      %rem3A_613 = vector.broadcast %rem3A_612 : i32 to vector<16xi32>
      %rem3A_614 = arith.remsi %add3A_611, %rem3A_613 : vector<16xi32>
      %mul3A_615 = arith.constant 2 : i32
      %mul3A_616 = vector.broadcast %mul3A_615 : i32 to vector<16xi32>
      %mul3A_617 = arith.muli %mul3A_616, %rem3A_614 : vector<16xi32>
      %add3A_618 = arith.addi %mul3A_617, %get3A_607 : vector<16xi32>
      %swap3A_619 = arith.constant 0 : index
      %swap3A_620 = tpu.vector_load %arg18[%swap3A_619] {strides = array<i32>} : memref<128xi32, #tpu.memory_space<vmem>>, vector<16xi32>,
      tpu.vector_store %arg18[%swap3A_619], %add3A_618 {strides = array<i32>} : memref<128xi32, #tpu.memory_space<vmem>>, vector<16xi32>,
      %get3A_621 = arith.constant 16 : index
      %get3A_622 = tpu.vector_load %arg16[%get3A_621] {strides = array<i32>} : memref<128xi32, #tpu.memory_space<vmem>>, vector<16xi32>,
      %add3A_623 = arith.constant 16 : i32
      %add3A_624 = arith.addi %add3A_605, %add3A_623 : i32
      %broadcast_in_dim3A_625 = vector.broadcast %add3A_624 : i32 to vector<16xi32>
      %add3A_626 = arith.addi %broadcast_in_dim3A_625, %iota3A : vector<16xi32>
      %rem3A_627 = arith.constant 200 : i32
      %rem3A_628 = vector.broadcast %rem3A_627 : i32 to vector<16xi32>
      %rem3A_629 = arith.remsi %add3A_626, %rem3A_628 : vector<16xi32>
      %mul3A_630 = arith.constant 2 : i32
      %mul3A_631 = vector.broadcast %mul3A_630 : i32 to vector<16xi32>
      %mul3A_632 = arith.muli %mul3A_631, %rem3A_629 : vector<16xi32>
      %add3A_633 = arith.addi %mul3A_632, %get3A_622 : vector<16xi32>
      %swap3A_634 = arith.constant 16 : index
      %swap3A_635 = tpu.vector_load %arg18[%swap3A_634] {strides = array<i32>} : memref<128xi32, #tpu.memory_space<vmem>>, vector<16xi32>,
      tpu.vector_store %arg18[%swap3A_634], %add3A_633 {strides = array<i32>} : memref<128xi32, #tpu.memory_space<vmem>>, vector<16xi32>,
      %get3A_636 = arith.constant 32 : index
      %get3A_637 = tpu.vector_load %arg16[%get3A_636] {strides = array<i32>} : memref<128xi32, #tpu.memory_space<vmem>>, vector<16xi32>,
      %add3A_638 = arith.constant 32 : i32
      %add3A_639 = arith.addi %add3A_605, %add3A_638 : i32
      %broadcast_in_dim3A_640 = vector.broadcast %add3A_639 : i32 to vector<16xi32>
      %add3A_641 = arith.addi %broadcast_in_dim3A_640, %iota3A : vector<16xi32>
      %rem3A_642 = arith.constant 200 : i32
      %rem3A_643 = vector.broadcast %rem3A_642 : i32 to vector<16xi32>
      %rem3A_644 = arith.remsi %add3A_641, %rem3A_643 : vector<16xi32>
      %mul3A_645 = arith.constant 2 : i32
      %mul3A_646 = vector.broadcast %mul3A_645 : i32 to vector<16xi32>
      %mul3A_647 = arith.muli %mul3A_646, %rem3A_644 : vector<16xi32>
      %add3A_648 = arith.addi %mul3A_647, %get3A_637 : vector<16xi32>
      %swap3A_649 = arith.constant 32 : index
      %swap3A_650 = tpu.vector_load %arg18[%swap3A_649] {strides = array<i32>} : memref<128xi32, #tpu.memory_space<vmem>>, vector<16xi32>,
      tpu.vector_store %arg18[%swap3A_649], %add3A_648 {strides = array<i32>} : memref<128xi32, #tpu.memory_space<vmem>>, vector<16xi32>,
      %get3A_651 = arith.constant 48 : index
      %get3A_652 = tpu.vector_load %arg16[%get3A_651] {strides = array<i32>} : memref<128xi32, #tpu.memory_space<vmem>>, vector<16xi32>,
      %add3A_653 = arith.constant 48 : i32
      %add3A_654 = arith.addi %add3A_605, %add3A_653 : i32
      %broadcast_in_dim3A_655 = vector.broadcast %add3A_654 : i32 to vector<16xi32>
      %add3A_656 = arith.addi %broadcast_in_dim3A_655, %iota3A : vector<16xi32>
      %rem3A_657 = arith.constant 200 : i32
      %rem3A_658 = vector.broadcast %rem3A_657 : i32 to vector<16xi32>
      %rem3A_659 = arith.remsi %add3A_656, %rem3A_658 : vector<16xi32>
      %mul3A_660 = arith.constant 2 : i32
      %mul3A_661 = vector.broadcast %mul3A_660 : i32 to vector<16xi32>
      %mul3A_662 = arith.muli %mul3A_661, %rem3A_659 : vector<16xi32>
      %add3A_663 = arith.addi %mul3A_662, %get3A_652 : vector<16xi32>
      %swap3A_664 = arith.constant 48 : index
      %swap3A_665 = tpu.vector_load %arg18[%swap3A_664] {strides = array<i32>} : memref<128xi32, #tpu.memory_space<vmem>>, vector<16xi32>,
      tpu.vector_store %arg18[%swap3A_664], %add3A_663 {strides = array<i32>} : memref<128xi32, #tpu.memory_space<vmem>>, vector<16xi32>,
      %get3A_666 = arith.constant 64 : index
      %get3A_667 = tpu.vector_load %arg16[%get3A_666] {strides = array<i32>} : memref<128xi32, #tpu.memory_space<vmem>>, vector<16xi32>,
      %add3A_668 = arith.constant 64 : i32
      %add3A_669 = arith.addi %add3A_605, %add3A_668 : i32
      %broadcast_in_dim3A_670 = vector.broadcast %add3A_669 : i32 to vector<16xi32>
      %add3A_671 = arith.addi %broadcast_in_dim3A_670, %iota3A : vector<16xi32>
      %rem3A_672 = arith.constant 200 : i32
      %rem3A_673 = vector.broadcast %rem3A_672 : i32 to vector<16xi32>
      %rem3A_674 = arith.remsi %add3A_671, %rem3A_673 : vector<16xi32>
      %mul3A_675 = arith.constant 2 : i32
      %mul3A_676 = vector.broadcast %mul3A_675 : i32 to vector<16xi32>
      %mul3A_677 = arith.muli %mul3A_676, %rem3A_674 : vector<16xi32>
      %add3A_678 = arith.addi %mul3A_677, %get3A_667 : vector<16xi32>
      %swap3A_679 = arith.constant 64 : index
      %swap3A_680 = tpu.vector_load %arg18[%swap3A_679] {strides = array<i32>} : memref<128xi32, #tpu.memory_space<vmem>>, vector<16xi32>,
      tpu.vector_store %arg18[%swap3A_679], %add3A_678 {strides = array<i32>} : memref<128xi32, #tpu.memory_space<vmem>>, vector<16xi32>,
      %get3A_681 = arith.constant 80 : index
      %get3A_682 = tpu.vector_load %arg16[%get3A_681] {strides = array<i32>} : memref<128xi32, #tpu.memory_space<vmem>>, vector<16xi32>,
      %add3A_683 = arith.constant 80 : i32
      %add3A_684 = arith.addi %add3A_605, %add3A_683 : i32
      %broadcast_in_dim3A_685 = vector.broadcast %add3A_684 : i32 to vector<16xi32>
      %add3A_686 = arith.addi %broadcast_in_dim3A_685, %iota3A : vector<16xi32>
      %rem3A_687 = arith.constant 200 : i32
      %rem3A_688 = vector.broadcast %rem3A_687 : i32 to vector<16xi32>
      %rem3A_689 = arith.remsi %add3A_686, %rem3A_688 : vector<16xi32>
      %mul3A_690 = arith.constant 2 : i32
      %mul3A_691 = vector.broadcast %mul3A_690 : i32 to vector<16xi32>
      %mul3A_692 = arith.muli %mul3A_691, %rem3A_689 : vector<16xi32>
      %add3A_693 = arith.addi %mul3A_692, %get3A_682 : vector<16xi32>
      %swap3A_694 = arith.constant 80 : index
      %swap3A_695 = tpu.vector_load %arg18[%swap3A_694] {strides = array<i32>} : memref<128xi32, #tpu.memory_space<vmem>>, vector<16xi32>,
      tpu.vector_store %arg18[%swap3A_694], %add3A_693 {strides = array<i32>} : memref<128xi32, #tpu.memory_space<vmem>>, vector<16xi32>,
      %get3A_696 = arith.constant 96 : index
      %get3A_697 = tpu.vector_load %arg16[%get3A_696] {strides = array<i32>} : memref<128xi32, #tpu.memory_space<vmem>>, vector<16xi32>,
      %add3A_698 = arith.constant 96 : i32
      %add3A_699 = arith.addi %add3A_605, %add3A_698 : i32
      %broadcast_in_dim3A_700 = vector.broadcast %add3A_699 : i32 to vector<16xi32>
      %add3A_701 = arith.addi %broadcast_in_dim3A_700, %iota3A : vector<16xi32>
      %rem3A_702 = arith.constant 200 : i32
      %rem3A_703 = vector.broadcast %rem3A_702 : i32 to vector<16xi32>
      %rem3A_704 = arith.remsi %add3A_701, %rem3A_703 : vector<16xi32>
      %mul3A_705 = arith.constant 2 : i32
      %mul3A_706 = vector.broadcast %mul3A_705 : i32 to vector<16xi32>
      %mul3A_707 = arith.muli %mul3A_706, %rem3A_704 : vector<16xi32>
      %add3A_708 = arith.addi %mul3A_707, %get3A_697 : vector<16xi32>
      %swap3A_709 = arith.constant 96 : index
      %swap3A_710 = tpu.vector_load %arg18[%swap3A_709] {strides = array<i32>} : memref<128xi32, #tpu.memory_space<vmem>>, vector<16xi32>,
      tpu.vector_store %arg18[%swap3A_709], %add3A_708 {strides = array<i32>} : memref<128xi32, #tpu.memory_space<vmem>>, vector<16xi32>,
      %get3A_711 = arith.constant 112 : index
      %get3A_712 = tpu.vector_load %arg16[%get3A_711] {strides = array<i32>} : memref<128xi32, #tpu.memory_space<vmem>>, vector<16xi32>,
      %add3A_713 = arith.constant 112 : i32
      %add3A_714 = arith.addi %add3A_605, %add3A_713 : i32
      %broadcast_in_dim3A_715 = vector.broadcast %add3A_714 : i32 to vector<16xi32>
      %add3A_716 = arith.addi %broadcast_in_dim3A_715, %iota3A : vector<16xi32>
      %rem3A_717 = arith.constant 200 : i32
      %rem3A_718 = vector.broadcast %rem3A_717 : i32 to vector<16xi32>
      %rem3A_719 = arith.remsi %add3A_716, %rem3A_718 : vector<16xi32>
      %mul3A_720 = arith.constant 2 : i32
      %mul3A_721 = vector.broadcast %mul3A_720 : i32 to vector<16xi32>
      %mul3A_722 = arith.muli %mul3A_721, %rem3A_719 : vector<16xi32>
      %add3A_723 = arith.addi %mul3A_722, %get3A_712 : vector<16xi32>
      %swap3A_724 = arith.constant 112 : index
      %swap3A_725 = tpu.vector_load %arg18[%swap3A_724] {strides = array<i32>} : memref<128xi32, #tpu.memory_space<vmem>>, vector<16xi32>,
      tpu.vector_store %arg18[%swap3A_724], %add3A_723 {strides = array<i32>} : memref<128xi32, #tpu.memory_space<vmem>>, vector<16xi32>,
    }
    %scan3A_343 = arith.constant 25 : i32
    %dma_wait3A_344 = arith.constant 0 : i32
    %dma_wait3A_345 = arith.constant 0 : i32
    %dma_wait3A_346 = tpu.memref_slice %arg4[%dma_wait3A_344, %dma_wait3A_345] : memref<100000x128xf32, #tpu.memory_space<hbm>> -> memref<100000x128xf32, #tpu.memory_space<hbm>>
    tpu.wait_indirect_dma semaphore(%arg29 : memref<!tpu.dma_semaphore, #tpu.memory_space<semaphore_mem>>) src(%dma_wait3A_346 : memref<100000x128xf32, #tpu.memory_space<hbm>>) dst(%arg20 : memref<128x128xf32, #tpu.memory_space<vmem>>)
    %dma_wait3A_347 = arith.constant 0 : i32
    %dma_wait3A_348 = arith.constant 0 : i32
    %dma_wait3A_349 = tpu.memref_slice %arg23[%dma_wait3A_347, %dma_wait3A_348] : memref<400x128xf32, #tpu.memory_space<vmem_shared>> -> memref<400x128xf32, #tpu.memory_space<vmem_shared>>
    tpu.wait_indirect_dma semaphore(%arg30 : memref<!tpu.dma_semaphore, #tpu.memory_space<semaphore_mem>>) src(%dma_wait3A_349 : memref<400x128xf32, #tpu.memory_space<vmem_shared>>) dst(%arg19 : memref<128x128xf32, #tpu.memory_space<vmem>>)
    %dma_wait3A_350 = arith.constant 0 : i32
    %dma_wait3A_351 = tpu.memref_slice %arg8[%mul3A_2, %dma_wait3A_350] : memref<204800x128xf32, #tpu.memory_space<hbm>> -> memref<128x128xf32, #tpu.memory_space<hbm>>
    %dma_wait3A_352 = arith.constant 0 : i32
    %dma_wait3A_353 = tpu.memref_slice %arg8[%mul3A_2, %dma_wait3A_352] : memref<204800x128xf32, #tpu.memory_space<hbm>> -> memref<128x128xf32, #tpu.memory_space<hbm>>
    tpu.wait_dma2 semaphore(%arg32 : memref<!tpu.dma_semaphore, #tpu.memory_space<semaphore_mem>>) src(%arg21 : memref<128x128xf32, #tpu.memory_space<vmem>>) dst(%dma_wait3A_353 : memref<128x128xf32, #tpu.memory_space<hbm>>)
    %dma_wait3A_354 = arith.constant 0 : i32
    %dma_wait3A_355 = tpu.memref_slice %arg8[%mul3A_2, %dma_wait3A_354] : memref<204800x128xf32, #tpu.memory_space<hbm>> -> memref<128x128xf32, #tpu.memory_space<hbm>>
    %dma_wait3A_356 = arith.constant 0 : i32
    %dma_wait3A_357 = tpu.memref_slice %arg8[%mul3A_2, %dma_wait3A_356] : memref<204800x128xf32, #tpu.memory_space<hbm>> -> memref<128x128xf32, #tpu.memory_space<hbm>>
    tpu.wait_dma2 semaphore(%arg33 : memref<!tpu.dma_semaphore, #tpu.memory_space<semaphore_mem>>) src(%arg22 : memref<128x128xf32, #tpu.memory_space<vmem>>) dst(%dma_wait3A_357 : memref<128x128xf32, #tpu.memory_space<hbm>>)
    return
  }
}

</mosaic_0001>

<sc_bundles>
// kernel: kernel.3.cloned.1.call-start
scs
__scs_entry_jumppad:
0x0: {  	(pc) =	sbr.rel $0x88, $3  }
0x1: {  	(tag) =	ssettag $0x0;
	lr =	simm.s32 $0x1  }
0x2: {  	[smem:$0x3F9A] =	sst lr;
	_ =	strace $0xD0000000  }
0x3: {  	_ = 	snop  }
0x4: {  	_ = 	snop  }
0x5: {  	_ = 	snop  }
0x6: {  	_ = 	snop  }
0x7: {  	_ = 	snop  }
__scs_overlays_trampoline_lowered:
0x8: {  	[smem:$0x3FA9] =	sst s0  }
0x9: {  	[smem:$0x3FAA] =	sst s1  }
0xa: {  	[smem:$0x3FAB] =	sst s2  }
0xb: {  	[smem:$0x3FAC] =	sst s3  }
0xc: {  	[smem:$0x3FAD] =	sst s4  }
0xd: {  	[smem:$0x3FAE] =	sst s5  }
0xe: {  	[smem:$0x3FAF] =	sst s6  }
0xf: {  	[smem:$0x3FB0] =	sst s7  }
0x10: {  	[smem:$0x3FB1] =	sst s8  }
0x11: {  	[smem:$0x3FB2] =	sst s9;
	s0 =	simm.s32 @!p0 $0x0  }
0x12: {  	s1 =	sld [smem:$0x3F98];
	s0 =	simm.s32 @p0 $0x1  }
0x13: {  	[smem:$0x3FB3] =	sst s0;
	s0 =	simm.s32 @!p1 $0x0  }
0x14: {  	s2 =	sld [smem:$0x3F97];
	s0 =	simm.s32 @p1 $0x1  }
0x15: {  	[smem:$0x3FB4] =	sst s0;
	s0 =	simm.s32 @!p2 $0x0  }
0x16: {  	s3 =	sld [smem:$0x3FDB];
	s0 =	simm.s32 @p2 $0x1  }
0x17: {  	s4 =	simm.s32 $0x1BF5;
	[smem:$0x3FB6] =	sst s0  }
0x18: {  	s0 =	sld [smem:$0x3F99];
	_ =	swait.ge [sflag:s4], $0x0  }
0x19: {  	s7 =	sld [smem:$0x3F9A]  }
0x1a: {  	s8 =	sadd.s32 $0xFFFFE003, lr  }
0x1b: {  	s9 =	sadd.s32 $0xFFFFFEF7, lr;
	s5 =	simm.s32 $0xFFFFFFFF;
	p2 =	slt.u32 s8, $0xFFFFF086  }
0x1c: {  	p1 =	slt.u32 s9, $0xF7A;
	s5 =	simm.s32 @!p2 $0x0  }
0x1d: {  	s5 =	simm.s32 @p1 $0x1;
	p0 =	seq.s32 s7, s2  }
0x1e: {  	s7 =	smul.u32 @!p0 $0xF7A, s2;
	p2 =	seq.s32 @!p0 s5, $0x0  }
0x1f: {  	s9 =	smul.u32 $0xF7A, s1;
	s8 =	simm.s32 @!p0 $0x1BF5;
	p2 =	por !p2, p0  }
0x20: {  	[sflag:s8] =	ssyncset.s32 @!p0 $0xFFFFF086;
	s6 =	sadd.s32 @!p0 s3, s7;
	s7 =	simm.s32 @!p0 $0x108  }
0x21: {  	s3 =	sadd.s32 s3, s9;
	s6 =	sadd.s32 @!p0 $0x88, s6;
	s7 =	simm.s32 @p2 $0x1082  }
0x22: {  	[simem:s7], [sflag:s8] =	dma.local @!p0 [hbm:s6], $0xF7A  }
0x23: {  	s9 =	sor.u32 $0xD0000000, s2;
	s6 =	simm.s32 $0x108;
	_ =	swait.ge @!p0 [sflag:s8], $0x0  }
0x24: {  	s3 =	sadd.s32 $0x88, s3;
	s6 =	simm.s32 @!p1 $0x1082;
	[sflag:s4] =	ssyncset.s32 $0xFFFFF086  }
0x25: {  	[simem:s6], [sflag:s4] =	dma.local [hbm:s3], $0xF7A  }
0x26: {  	[smem:$0x3F9A] =	sst s1;
	(tag) =	ssettag s2;
	_ =	strace s9  }
0x27: {  	s1 =	sld [smem:$0x3FAA]  }
0x28: {  	s2 =	sld [smem:$0x3FAB]  }
0x29: {  	s4 =	sld [smem:$0x3FAD]  }
0x2a: {  	p0 =	seq.s32 s5, $0x0;
	s5 =	sld [smem:$0x3FAE]  }
0x2b: {  	s6 =	sld [smem:$0x3FAF]  }
0x2c: {  	s7 =	sld [smem:$0x3FB0]  }
0x2d: {  	s3 =	simm.s32 $0x108;
	s8 =	sld [smem:$0x3FB1]  }
0x2e: {  	s3 =	simm.s32 @!p0 $0x1082;
	s9 =	sld [smem:$0x3FB2]  }
0x2f: {  	lr =	sadd.s32 s0, s3;
	s0 =	sld [smem:$0x3FA9]  }
0x30: {  	s3 =	sld [smem:$0x3FAC]  }
0x31: {  	[smem:$0x3FB5] =	sst s10  }
0x32: {  	s10 =	sld [smem:$0x3FB3];
	_ =	sdelay $0x3  }
0x33: {  	p0 =	seq.s32 s10, $0x1;
	s10 =	sld [smem:$0x3FB5];
	_ =	sdelay $0x3  }
0x34: {  	[smem:$0x3FB5] =	sst s10  }
0x35: {  	s10 =	sld [smem:$0x3FB4];
	_ =	sdelay $0x3  }
0x36: {  	p1 =	seq.s32 s10, $0x1;
	s10 =	sld [smem:$0x3FB5];
	_ =	sdelay $0x3  }
0x37: {  	[smem:$0x3FB5] =	sst s10  }
0x38: {  	s10 =	sld [smem:$0x3FB6]  }
0x39: {  	_ = 	snop;
	(pc) =	sbr.ind lr, $3  }
0x3a: {  	_ = 	snop  }
0x3b: {  	_ = 	snop  }
0x3c: {  	p2 =	seq.s32 s10, $0x1;
	s10 =	sld [smem:$0x3FB5]  }
0x3d: {  	_ =	shalt  }
0x3e: {  	_ =	shalt  }
0x3f: {  	_ =	shalt  }
0x40: {  	_ =	shalt  }
0x41: {  	_ =	shalt  }
0x42: {  	_ =	shalt  }
0x43: {  	_ =	shalt  }
0x44: {  	_ =	shalt  }
0x45: {  	_ =	shalt  }
0x46: {  	_ =	shalt  }
0x47: {  	_ =	shalt  }
0x48: {  	_ =	shalt  }
0x49: {  	_ =	shalt  }
0x4a: {  	_ =	shalt  }
0x4b: {  	_ =	shalt  }
0x4c: {  	_ =	shalt  }
0x4d: {  	_ =	shalt  }
0x4e: {  	_ =	shalt  }
0x4f: {  	_ =	shalt  }
0x50: {  	_ =	shalt  }
0x51: {  	_ =	shalt  }
0x52: {  	_ =	shalt  }
0x53: {  	_ =	shalt  }
0x54: {  	_ =	shalt  }
0x55: {  	_ =	shalt  }
0x56: {  	_ =	shalt  }
0x57: {  	_ =	shalt  }
0x58: {  	_ =	shalt  }
0x59: {  	_ =	shalt  }
0x5a: {  	_ =	shalt  }
0x5b: {  	_ =	shalt  }
0x5c: {  	_ =	shalt  }
0x5d: {  	_ =	shalt  }
0x5e: {  	_ =	shalt  }
0x5f: {  	_ =	shalt  }
0x60: {  	_ =	shalt  }
0x61: {  	_ =	shalt  }
0x62: {  	_ =	shalt  }
0x63: {  	_ =	shalt  }
0x64: {  	_ =	shalt  }
0x65: {  	_ =	shalt  }
0x66: {  	_ =	shalt  }
0x67: {  	_ =	shalt  }
0x68: {  	_ =	shalt  }
0x69: {  	_ =	shalt  }
0x6a: {  	_ =	shalt  }
0x6b: {  	_ =	shalt  }
0x6c: {  	_ =	shalt  }
0x6d: {  	_ =	shalt  }
0x6e: {  	_ =	shalt  }
0x6f: {  	_ =	shalt  }
0x70: {  	_ =	shalt  }
0x71: {  	_ =	shalt  }
0x72: {  	_ =	shalt  }
0x73: {  	_ =	shalt  }
0x74: {  	_ =	shalt  }
0x75: {  	_ =	shalt  }
0x76: {  	_ =	shalt  }
0x77: {  	_ =	shalt  }
0x78: {  	_ =	shalt  }
0x79: {  	_ =	shalt  }
0x7a: {  	_ =	shalt  }
0x7b: {  	_ =	shalt  }
0x7c: {  	_ =	shalt  }
0x7d: {  	_ =	shalt  }
0x7e: {  	_ =	shalt  }
0x7f: {  	_ =	shalt  }
0x80: {  	_ =	shalt  }
0x81: {  	_ =	shalt  }
0x82: {  	_ =	shalt  }
0x83: {  	_ =	shalt  }
0x84: {  	_ =	shalt  }
0x85: {  	_ =	shalt  }
0x86: {  	_ =	shalt  }
0x87: {  	_ =	shalt  }
.Lfunc_end0:
.L_simem_size_0:
called_computation_lowered:
.L_overlay_start_0:
0x88: {  	s2 =	sld [smem:$0x3FD9]  }
0x89: {  	s3 =	sld [smem:$0x3FFE];
	_ =	sdelay $0x1  }
0x8a: {  	s1 =	srdreg.scid  }
0x8b: {  	s0 =	sand.u32 $0x1, s1  }
0x8c: {  	s17 =	sshll.u32 s0, $0xA;
	s2 =	sadd.s32 s3, s2  }
0x8d: {  	s2 =	sadd.s32 s2, s17  }
0x8e: {  	[smem:$0x3FC1] =	sst s2  }
0x8f: {  	_ = 	snop  }
0x90: {  	s2 =	sld [smem:$0x3FC7]  }
0x91: {  	s18 =	sld [smem:$0x3FC6]  }
0x92: {  	s4 =	sld [smem:$0x3FC5]  }
0x93: {  	s5 =	sld [smem:$0x3FD0];
	(tm) =	ssettm $0x1  }
0x94: {  	s6 =	sld [smem:$0x3FFB];
	_ =	sdelay $0x3  }
0x95: {  	_ =	strace s6  }
0x96: {  	s6 =	sld [smem:$0x3FFC];
	_ =	sdelay $0x3  }
0x97: {  	_ =	strace s6  }
0x98: {  	s6 =	sld [smem:$0x3FFD];
	_ =	sdelay $0x3  }
0x99: {  	_ =	strace s6  }
0x9a: {  	_ =	strace $0x8FFFFFFF  }
0x9b: {  	s19 =	sld [smem:$0x3FDB];
	_ =	sdelay $0x1  }
0x9c: {  	s7 =	simm.s32 $_scs_section_size  }
0x9d: {  	s8 =	simm.s32 $_size__tile_overlayer_lowered;
	s9 =	simm.s32 $_tile_overlayer_lowered  }
0x9e: {  	s22 =	simm.s32 $0x1BFF;
	s21 =	sshll.u32 s9, $0x1;
	s6 =	sadd.s32 s7, s19  }
0x9f: {  	s10 =	simm.s32 $0x0;
	s20 =	sshll.u32 s8, $0x1;
	s8 =	sadd.s32 s21, s6  }
0xa0: {  	[timem:s10], [sflag:s22] =	dma.local [hbm:s8], s20  }
0xa1: {  	_ =	swait.ge [sflag:s22], s20  }
0xa2: {  	s7 =	ssub.s32 $0x0, s20;
	[sflag:s22] =	ssyncset.done $0x0  }
0xa3: {  	[sflag:s22] =	ssyncadd.s32 s7;
	_ =	sdelay $0x1  }
0xa4: {  	s23 =	simm.s32 $0x1B8B  }
0xa5: {  	_ =	swait.ge [sflag:s23], $0x1  }
0xa6: {  	[sflag:s23] =	ssyncset.done $0x0  }
0xa7: {  	s25 =	simm.s32 $0x1B8E;
	s24 =	sld [smem:$0x3FFE];
	[sflag:s23] =	ssyncadd.s32 $0xFFFFFFFF  }
0xa8: {  	s26 =	simm.s32 $execute0_lowered;
	[smem:$0x3FD2] =	sst s25  }
0xa9: {  	s8 =	sshll.u32 s26, $0x1;
	_ =	strace $0x80000046;
	[dreg:$0x1] =	wrdreg $0xFFFFFFFF  }
0xaa: {  	s28 =	simm.s32 $_size_execute0_lowered;
	s6 =	sadd.s32 s6, s8;
	[dreg:$0x0] =	wrdreg $0x0  }
0xab: {  	s8 =	sshll.u32 s28, $0x1;
	[dreg:$0x2] =	wrdreg s6  }
0xac: {  	[dreg:$0x3] =	wrdreg s8  }
0xad: {  	[dreg:$0x4] =	wrdreg $0xC0  }
0xae: {  	_ =	task [dreg:s10], $0x5FFFF  }
0xaf: {  	[dreg:$0x1] =	wrdreg $0xFFFFFFFF  }
0xb0: {  	[dreg:$0x0] =	wrdreg $0x60  }
0xb1: {  	[dreg:$0x2] =	wrdreg s24  }
0xb2: {  	[dreg:$0x3] =	wrdreg s2  }
0xb3: {  	[dreg:$0x4] =	wrdreg s18  }
0xb4: {  	[dreg:$0x5] =	wrdreg s4  }
0xb5: {  	[dreg:$0x6] =	wrdreg s5  }
0xb6: {  	[dreg:$0x7] =	wrdreg $0x11C000  }
0xb7: {  	[dreg:$0x8] =	wrdreg $0x9  }
0xb8: {  	_ =	task.clear_ibuf [dreg:s10], $0x9FFFF;
	_ =	strace $0x90000046  }
0xb9: {  	s29 =	simm.s32 $0x9;
	_ =	strace $0x80000048  }
0xba: {  	_ =	swait.ge [sflag:s29], $0x1  }
0xbb: {  	[sflag:s29] =	ssyncadd.s32 $0xFFFFFFFF  }
0xbc: {  	_ =	strace $0x90000048  }
0xbd: {  	_ =	sfence  }
0xbe: {  	s30 =	sld [smem:$0x0];
	_ =	sdelay $0x2  }
0xbf: {  	s31 =	sshll.u32 s1, $0xD;
	s1 =	sshrl.u32 s1, $0x2  }
0xc0: {  	s3 =	sand.u32 $0x4000, s31;
	s1 =	sadd.s32 s1, s30  }
0xc1: {  	s0 =	sor.u32 s3, s0;
	s1 =	sshll.u32 s1, $0x11  }
0xc2: {  	s0 =	sor.u32 s1, s0  }
0xc3: {  	s0 =	sadd.s32 $0x8F2B, s0  }
0xc4: {  	[sflag:s0] =	ssyncadd.remote.s32 $0x1  }
0xc5: {  	_ =	sfence.sel $0xFFFF  }
0xc6: {  	[dreg:$0x0] =	wrdreg $0xFFFFFFFF;
	(pc) =	sbr.abs _section_cstart, $3  }
0xc7: {  	[dreg:$0x1] =	wrdreg $0xFFFFFFFF  }
0xc8: {  	_ =	task.clear_ibuf [dreg:s10], $0x2FFFF;
	_ =	strace $0x9FFFFFFF  }
0xc9: {  	(tm) =	ssettm $0x7FFFFFFF  }
tec
execute0_lowered:
.L_overlay_start_1:
0x0: {  	(tag) =	ssettag $0x1  }
0x1: {  	s0 =	srdreg.scid;
	s10 =	stileid.u32  }
0x2: {  	s2 =	sand.u32 $0x1, s0;
	s16 =	sshll.u32 s10, $0x1  }
0x3: {  	s1 =	sor.u32 s2, s16  }
0x4: {  	s0 =	smul.u32 $0x1900, s1  }
0x5: {  	v0 =	vlaneseq.u32  }
0x6: {  	v1 =	vor.u32 s0, v0;
	s3 =	sor.u32 $0x10, s0  }
0x7: {  	s17 =	sor.u32 $0x20, s0;
	v2 =	vmulhi.u32 $0x51EB851F, v1;
	v3 =	vor.u32 s3, v0  }
0x8: {  	s18 =	sor.u32 $0x30, s0;
	v5 =	vor.u32 s17, v0;
	v4 =	vmulhi.u32 $0x51EB851F, v3  }
0x9: {  	s4 =	sor.u32 $0x40, s0;
	v7 =	vor.u32 s18, v0;
	v6 =	vmulhi.u32 $0x51EB851F, v5  }
0xa: {  	s20 =	sor.u32 $0x50, s0;
	v53 =	vor.u32 s4, v0;
	v8 =	vmulhi.u32 $0x51EB851F, v7  }
0xb: {  	s22 =	sor.u32 $0x60, s0;
	v9 =	vor.u32 s20, v0;
	v54 =	vmulhi.u32 $0x51EB851F, v53  }
0xc: {  	s23 =	sor.u32 $0x70, s0;
	v10 =	vor.u32 s22, v0;
	v55 =	vmulhi.u32 $0x51EB851F, v9  }
0xd: {  	s24 =	sor.u32 $0x80, s0;
	v11 =	vor.u32 s23, v0;
	v56 =	vmulhi.u32 $0x51EB851F, v10  }
0xe: {  	s11 =	smul.u32 $0x19, s10;
	s8 =	sor.u32 $0x90, s0;
	v13 =	vor.u32 s24, v0;
	v12 =	vmulhi.u32 $0x51EB851F, v11  }
0xf: {  	s12 =	smul.u32 $0x3200, s10;
	s10 =	sor.u32 $0xC0, s0;
	v15 =	vor.u32 s8, v0;
	v14 =	vmulhi.u32 $0x51EB851F, v13  }
0x10: {  	s9 =	sor.u32 $0xA0, s0;
	s16 =	sor.u32 $0xD0, s0;
	v16 =	vor.u32 s10, v0;
	v58 =	vmulhi.u32 $0x51EB851F, v15  }
0x11: {  	v61 =	vor.u32 s9, v0;
	v17 =	vor.u32 s16, v0;
	s18 =	sor.u32 $0xE0, s0;
	v62 =	vmulhi.u32 $0x51EB851F, v16  }
0x12: {  	s20 =	sshrl.u32 s24, $0x3;
	s24 =	sor.u32 $0xF0, s0;
	v18 =	vmulhi.u32 $0x51EB851F, v17;
	v19 =	vor.u32 s18, v0;
	v2 =	vshrl.u32 v2, $0x6  }
0x13: {  	s19 =	rddreg [dreg:$0x0];
	v63 =	vor.u32 s24, v0;
	v20 =	vmulhi.u32 $0x51EB851F, v19;
	v2 =	vmul.u32 $0xC8, v2  }
0x14: {  	s21 =	rddreg [dreg:$0x1];
	s26 =	sor.u32 $0xB0, s0;
	v4 =	vshrl.u32 v4, $0x6;
	v52 =	vshrl.u32 v8, $0x6;
	v8 =	vshrl.u32 v54, $0x6  }
0x15: {  	s5 =	rddreg [dreg:$0x2];
	v12 =	vshrl.u32 v12, $0x6;
	v60 =	vshrl.u32 v14, $0x6;
	v14 =	vor.u32 s26, v0  }
0x16: {  	s13 =	rddreg [dreg:$0x4];
	v18 =	vshrl.u32 v18, $0x6;
	v4 =	vmul.u32 $0xC8, v4;
	v8 =	vmul.u32 $0xC8, v8  }
0x17: {  	s14 =	rddreg [dreg:$0x5];
	s6 =	simm.s32 $0x0;
	v12 =	vmul.u32 $0xC8, v12;
	v18 =	vmul.u32 $0xC8, v18;
	v20 =	vshrl.u32 v20, $0x6  }
0x18: {  	s29 =	simm.s32 $0x1900;
	s31 =	simm.s32 $0x1980;
	s28 =	simm.s32 $0x5;
	v1 =	vsub.s32 v1, v2;
	v2 =	vsub.s32 v3, v4;
	v3 =	vshrl.u32 v6, $0x6  }
0x19: {  	[smem:$0x7FF] =	sst s6;
	s7 =	sadd.s32 $0x400, s19;
	s2 =	ssub.s32 $0x2, s2;
	v4 =	vmul.u32 $0xC8, v52;
	v59 =	vsub.s32 v11, v12;
	v12 =	vmulhi.u32 $0x51EB851F, v61  }
0x1a: {  	_ =	strace $0x80000047;
	s25 =	sshrl.u32 s2, $0x1;
	[dreg:$0x7] =	wrdreg s11;
	v6 =	vsub.s32 v53, v8;
	v1 =	vshll.u32 v1, $0x1;
	v3 =	vmul.u32 $0xC8, v3  }
0x1b: {  	s11 =	sshrl.u32 s11, $0x1;
	s15 =	sshrl.u32 s12, $0x2;
	s2 =	ssub.s32 s2, s25;
	v4 =	vsub.s32 v7, v4;
	v7 =	vshrl.u32 v56, $0x6;
	v12 =	vshrl.u32 v12, $0x6  }
0x1c: {  	s30 =	sshll.u32 s11, $0x4;
	s25 =	sadd.s32 $0x100, s0;
	s8 =	sadd.s32 $0x6800, s19;
	v3 =	vsub.s32 v5, v3;
	v5 =	vshrl.u32 v55, $0x6;
	v7 =	vmul.u32 $0xC8, v7  }
0x1d: {  	s3 =	sadd.s32 $0xCC00, s19;
	s23 =	smov.u32 s14;
	[dreg:$0xf] =	wrdreg s25;
	[tilespmem:$0x1FF50] =	vst v1;
	v2 =	vshll.u32 v2, $0x1;
	v12 =	vmul.u32 $0xC8, v12;
	v5 =	vmul.u32 $0xC8, v5  }
0x1e: {  	s17 =	sshrl.u32 s0, $0x3;
	s0 =	sadd.s32 $0x180, s0;
	[dreg:$0x8] =	wrdreg s3;
	[tilespmem:$0x1FF60] =	vst v2;
	v2 =	vshll.u32 v3, $0x1;
	v7 =	vsub.s32 v10, v7;
	v10 =	vmul.u32 $0xC8, v60  }
0x1f: {  	s22 =	smul.u32 $0x19000, s1;
	s3 =	sadd.s32 s5, s30;
	[dreg:$0x11] =	wrdreg s0;
	v11 =	vsub.s32 v61, v12;
	v12 =	vmul.u32 $0xC8, v20;
	[tilespmem:$0x1FF70] =	vst v2;
	v2 =	vshll.u32 v4, $0x1  }
0x20: {  	s1 =	smul.u32 $0xC8000, s1;
	s19 =	sadd.s32 s7, s17;
	[dreg:$0x9] =	wrdreg s3;
	v57 =	vsub.s32 v9, v5;
	v5 =	vshrl.u32 v58, $0x6;
	[tilespmem:$0x1FF80] =	vst v2;
	v2 =	vshll.u32 v6, $0x1  }
0x21: {  	s25 =	simm.s32 $0x80;
	s4 =	sadd.s32 s7, s20;
	[dreg:$0xb] =	wrdreg s19;
	v3 =	vshll.u32 v7, $0x1;
	v5 =	vmul.u32 $0xC8, v5;
	v10 =	vsub.s32 v13, v10;
	[tilespmem:$0x1FF90] =	vst v2  }
0x22: {  	s16 =	simm.s32 $0x7;
	s9 =	simm.s32 $0x8;
	[dreg:$0xd] =	wrdreg s4;
	v13 =	vmulhi.u32 $0x51EB851F, v14;
	v1 =	vsub.s32 v19, v12;
	[tilespmem:$0x1FFB0] =	vst v3;
	v3 =	vshll.u32 v59, $0x1  }
0x23: {  	s3 =	sadd.s32 s15, s14;
	[dreg:$0x10] =	wrdreg s1;
	s30 =	sadd.s32 s22, s13;
	v12 =	vmulhi.u32 $0x51EB851F, v63;
	v2 =	vshll.u32 v57, $0x1;
	[tilespmem:$0x1FFC0] =	vst v3;
	v3 =	vshll.u32 v10, $0x1  }
0x24: {  	s13 =	simm.s32 $0x2;
	s14 =	simm.s32 $0x4;
	s15 =	simm.s32 $0x5C00;
	v15 =	vsub.s32 v15, v5;
	v13 =	vshrl.u32 v13, $0x6;
	v5 =	vshrl.u32 v62, $0x6  }
0x25: {  	s4 =	simm.s32 $0x0;
	[dreg:$0xa] =	wrdreg s3;
	s3 =	sadd.s32 s8, s17;
	[tilespmem:$0x1FFA0] =	vst v2;
	v2 =	vshrl.u32 v12, $0x6;
	v13 =	vmul.u32 $0xC8, v13;
	v5 =	vmul.u32 $0xC8, v5  }
0x26: {  	s26 =	smax.u32 s2, $0x1;
	s0 =	sadd.s32 $0x800, s30;
	[dreg:$0xc] =	wrdreg s3;
	[tilespmem:$0x1FFD0] =	vst v3;
	v2 =	vmul.u32 $0xC8, v2;
	v3 =	vshll.u32 v15, $0x1;
	v15 =	vshll.u32 v1, $0x1  }
0x27: {  	s2 =	simm.s32 $0x3;
	s17 =	simm.s32 $0x6;
	[dreg:$0x12] =	wrdreg s26;
	[tilespmem:$0x1FFE0] =	vst v3;
	v3 =	vshll.u32 v11, $0x1;
	v13 =	vsub.s32 v14, v13;
	v14 =	vsub.s32 v16, v5  }
0x28: {  	s3 =	sadd.s32 s8, s20;
	[dreg:$0x13] =	wrdreg s0;
	s20 =	simm.s32 $0xB;
	v16 =	vsub.s32 v17, v18;
	v2 =	vsub.s32 v63, v2;
	v12 =	vshll.u32 v13, $0x1  }
0x29: {  	s0 =	simm.s32 $0x1;
	s26 =	simm.s32 $0x1C00;
	[dreg:$0xe] =	wrdreg s3;
	[tilespmem:$0x1FFF0] =	vst v3;
	v13 =	vshll.u32 v14, $0x1;
	v14 =	vshll.u32 v16, $0x1;
	v16 =	vshll.u32 v2, $0x1  }
.LBB2_1:
0x2a: {  	[dreg:$0x14] =	wrdreg s4  }
0x2b: {  	s1 =	rddreg [dreg:$0x9]  }
0x2c: {  	[tilespmem:s6], [sflag:$0xB] =	stream.linear.gather [hbm4b:s1+s6], $0x700, $0x38;
	[tilespmem:$0x12880] =	vst v63  }
0x2d: {  	_ =	swait.ge [sflag:s20], $0x700  }
0x2e: {  	[sflag:s20] =	ssyncset.done $0x0  }
0x2f: {  	[sflag:s20] =	ssyncadd.s32 $0xFFFFF900  }
0x30: {  	s3 =	simm.s32 $0x700;
	s18 =	rddreg [dreg:$0x3]  }
0x31: {  	[tilespmem:s3], [sflag:$0xB] =	stream.linear.gather [hbm4b:s18+s6], $0x100, $0x38;
	[tilespmem:$0x12880] =	vst v63  }
0x32: {  	_ =	swait.ge [sflag:s20], $0x100  }
0x33: {  	[sflag:s20] =	ssyncset.done $0x0  }
0x34: {  	s22 =	simm.s32 $0x800;
	s19 =	rddreg [dreg:$0x8];
	[sflag:s20] =	ssyncadd.s32 $0xFFFFFF00  }
0x35: {  	[tilespmem:s22], [sflag:$0xB] =	stream.linear.gather [hbm4b:s19+s6], $0x100, $0x38;
	[tilespmem:$0x12880] =	vst v63  }
0x36: {  	_ =	swait.ge [sflag:s20], $0x100  }
0x37: {  	[sflag:s20] =	ssyncset.done $0x0  }
0x38: {  	[sflag:s20] =	ssyncadd.s32 $0xFFFFFF00  }
0x39: {  	v17 =	vld [tilespmem:$0x800]  }
0x3a: {  	v18 =	vld [tilespmem:$0x810]  }
0x3b: {  	v19 =	vld [tilespmem:$0x820]  }
0x3c: {  	v20 =	vld [tilespmem:$0x830]  }
0x3d: {  	v21 =	vld [tilespmem:$0x840]  }
0x3e: {  	v22 =	vld [tilespmem:$0x850]  }
0x3f: {  	s24 =	sadd.s32 $0x0, s12;
	v23 =	vld [tilespmem:$0x860]  }
0x40: {  	s30 =	ssub.s32 s11, s11;
	s1 =	sand.u32 $0x200, s24;
	v24 =	vld [tilespmem:$0x870]  }
0x41: {  	s1 =	sshrl.u32 s1, $0x2;
	s3 =	sshll.u32 s30, $0x9;
	v25 =	vld [tilespmem:$0x880]  }
0x42: {  	s5 =	sshra.s32 s3, $0x2;
	v1 =	vld [tilespmem:s1+$0x700]  }
0x43: {  	v2 =	vld [tilespmem:s5+$0x0]  }
0x44: {  	v26 =	vld [tilespmem:$0x890]  }
0x45: {  	v27 =	vld [tilespmem:$0x8A0]  }
0x46: {  	v28 =	vld [tilespmem:$0x8B0]  }
0x47: {  	v29 =	vld [tilespmem:$0x8C0]  }
0x48: {  	v30 =	vld [tilespmem:$0x8D0];
	v1 =	vadd.f32 v1, v2  }
0x49: {  	s3 =	simm.s32 $0x0;
	v31 =	vld [tilespmem:$0x8E0]  }
0x4a: {  	v32 =	vld [tilespmem:$0x8F0];
	[tilespmem:s3+$0x900] =	vst v1  }
0x4b: {  	v1 =	vld [tilespmem:s5+$0x10]  }
0x4c: {  	v2 =	vld [tilespmem:s1+$0x710];
	_ =	sdelay $0x4  }
0x4d: {  	v1 =	vadd.f32 v2, v1;
	_ =	sdelay $0x1  }
0x4e: {  	[tilespmem:s3+$0x910] =	vst v1  }
0x4f: {  	v1 =	vld [tilespmem:s5+$0x20]  }
0x50: {  	v2 =	vld [tilespmem:s1+$0x720];
	_ =	sdelay $0x4  }
0x51: {  	v1 =	vadd.f32 v2, v1;
	_ =	sdelay $0x1  }
0x52: {  	[tilespmem:s3+$0x920] =	vst v1  }
0x53: {  	v1 =	vld [tilespmem:s5+$0x30]  }
0x54: {  	v2 =	vld [tilespmem:s1+$0x730];
	_ =	sdelay $0x4  }
0x55: {  	v1 =	vadd.f32 v2, v1;
	_ =	sdelay $0x1  }
0x56: {  	[tilespmem:s3+$0x930] =	vst v1  }
0x57: {  	v1 =	vld [tilespmem:s5+$0x40]  }
0x58: {  	v2 =	vld [tilespmem:s1+$0x740];
	_ =	sdelay $0x4  }
0x59: {  	v1 =	vadd.f32 v2, v1;
	_ =	sdelay $0x1  }
0x5a: {  	[tilespmem:s3+$0x940] =	vst v1  }
0x5b: {  	v1 =	vld [tilespmem:s5+$0x50]  }
0x5c: {  	v2 =	vld [tilespmem:s1+$0x750];
	_ =	sdelay $0x4  }
0x5d: {  	v1 =	vadd.f32 v2, v1;
	_ =	sdelay $0x1  }
0x5e: {  	[tilespmem:s3+$0x950] =	vst v1  }
0x5f: {  	v1 =	vld [tilespmem:s5+$0x60]  }
0x60: {  	v2 =	vld [tilespmem:s1+$0x760];
	_ =	sdelay $0x4  }
0x61: {  	v1 =	vadd.f32 v2, v1;
	_ =	sdelay $0x1  }
0x62: {  	[tilespmem:s3+$0x960] =	vst v1  }
0x63: {  	s4 =	simm.s32 $0x200;
	v1 =	vld [tilespmem:s5+$0x70];
	s5 =	rddreg [dreg:$0x7]  }
.LBB2_2:
0x64: {  	p0 =	sne.s32 s4, $0x3000  }
0x65: {  	v2 =	vld [tilespmem:s1+$0x770];
	s5 =	sadd.s32 $0x1, s5;
	s18 =	smov.u32 s4;
	s4 =	sadd.s32 $0x200, s4  }
0x66: {  	_ =	sdelay $0x3  }
0x67: {  	s1 =	sshrl.u32 s5, $0x1;
	s10 =	sadd.s32 s18, s12;
	v1 =	vadd.f32 v2, v1  }
0x68: {  	s1 =	ssub.s32 s1, s11;
	s10 =	sand.u32 $0x200, s10  }
0x69: {  	s19 =	sshll.u32 s1, $0x9;
	s1 =	sshrl.u32 s10, $0x2;
	[tilespmem:s3+$0x970] =	vst v1  }
0x6a: {  	s10 =	sshra.s32 s19, $0x2;
	v1 =	vld [tilespmem:s1+$0x700]  }
0x6b: {  	v2 =	vld [tilespmem:s10+$0x0];
	_ =	sdelay $0x4  }
0x6c: {  	v1 =	vadd.f32 v1, v2  }
0x6d: {  	s3 =	sshra.s32 s18, $0x2  }
0x6e: {  	[tilespmem:s3+$0x900] =	vst v1  }
0x6f: {  	v1 =	vld [tilespmem:s10+$0x10]  }
0x70: {  	v2 =	vld [tilespmem:s1+$0x710];
	_ =	sdelay $0x4  }
0x71: {  	v1 =	vadd.f32 v2, v1;
	_ =	sdelay $0x1  }
0x72: {  	[tilespmem:s3+$0x910] =	vst v1  }
0x73: {  	v1 =	vld [tilespmem:s10+$0x20]  }
0x74: {  	v2 =	vld [tilespmem:s1+$0x720];
	_ =	sdelay $0x4  }
0x75: {  	v1 =	vadd.f32 v2, v1;
	_ =	sdelay $0x1  }
0x76: {  	[tilespmem:s3+$0x920] =	vst v1  }
0x77: {  	v1 =	vld [tilespmem:s10+$0x30]  }
0x78: {  	v2 =	vld [tilespmem:s1+$0x730];
	_ =	sdelay $0x4  }
0x79: {  	v1 =	vadd.f32 v2, v1;
	_ =	sdelay $0x1  }
0x7a: {  	[tilespmem:s3+$0x930] =	vst v1  }
0x7b: {  	v1 =	vld [tilespmem:s10+$0x40]  }
0x7c: {  	v2 =	vld [tilespmem:s1+$0x740];
	_ =	sdelay $0x4  }
0x7d: {  	v1 =	vadd.f32 v2, v1;
	_ =	sdelay $0x1  }
0x7e: {  	[tilespmem:s3+$0x940] =	vst v1  }
0x7f: {  	v1 =	vld [tilespmem:s10+$0x50]  }
0x80: {  	v2 =	vld [tilespmem:s1+$0x750];
	_ =	sdelay $0x4  }
0x81: {  	v1 =	vadd.f32 v2, v1;
	_ =	sdelay $0x1  }
0x82: {  	[tilespmem:s3+$0x950] =	vst v1  }
0x83: {  	v1 =	vld [tilespmem:s10+$0x60]  }
0x84: {  	v2 =	vld [tilespmem:s1+$0x760];
	_ =	sdelay $0x3  }
.Ltmp0:
0x85: {  	(pc) =	sbr.rel @p0 .LBB2_2-.Ltmp0, $3  }
0x86: {  	v1 =	vadd.f32 v2, v1;
	_ =	sdelay $0x1  }
0x87: {  	[tilespmem:s3+$0x960] =	vst v1  }
0x88: {  	v1 =	vld [tilespmem:s10+$0x70]  }
0x89: {  	v2 =	vld [tilespmem:s1+$0x770];
	_ =	sdelay $0x4  }
0x8a: {  	v1 =	vadd.f32 v2, v1;
	_ =	sdelay $0x1  }
0x8b: {  	s5 =	rddreg [dreg:$0xa];
	s10 =	simm.s32 $0x900;
	[tilespmem:s3+$0x970] =	vst v1  }
0x8c: {  	[spmem:s5] =	stream.linear.scatter [tilespmem:s10], [sflag:$0xB], $0xC80, $0x38;
	[tilespmem:$0x12880] =	vst v63  }
0x8d: {  	_ =	swait.ge [sflag:s20], $0xC80  }
0x8e: {  	[sflag:s20] =	ssyncset.done $0x0  }
0x8f: {  	[sflag:s20] =	ssyncadd.s32 $0xFFFFF380  }
0x90: {  	[bflag:$0x0] =	sbarrier.arrive $0xFFFF  }
0x91: {  	s3 =	simm.s32 $0x0;
	s18 =	rddreg [dreg:$0xb]  }
0x92: {  	[tilespmem:s29], [sflag:$0x1] =	stream.linear.gather [hbm4b:s18+s3], $0x80, $0x38;
	[tilespmem:$0x12880] =	vst v63  }
0x93: {  	s4 =	simm.s32 $0x1A00;
	s19 =	rddreg [dreg:$0xc]  }
0x94: {  	[tilespmem:s4], [sflag:$0x3] =	stream.linear.gather [hbm4b:s19+s3], $0x80, $0x38;
	[tilespmem:$0x12880] =	vst v63  }
0x95: {  	s20 =	rddreg [dreg:$0xd]  }
0x96: {  	[tilespmem:s31], [sflag:$0x2] =	stream.linear.gather [hbm4b:s20+s3], $0x80, $0x38;
	[tilespmem:$0x12880] =	vst v63  }
0x97: {  	s24 =	simm.s32 $0x1A80;
	s22 =	rddreg [dreg:$0xe]  }
0x98: {  	[tilespmem:s24], [sflag:$0x4] =	stream.linear.gather [hbm4b:s22+s3], $0x80, $0x38;
	[tilespmem:$0x12880] =	vst v63  }
0x99: {  	_ =	swait.ge [sflag:s0], $0x80  }
0x9a: {  	[sflag:s0] =	ssyncset.done $0x0  }
0x9b: {  	[sflag:s0] =	ssyncadd.s32 $0xFFFFFF80  }
0x9c: {  	_ =	swait.ge [sflag:s2], $0x80  }
0x9d: {  	[sflag:s2] =	ssyncset.done $0x0  }
0x9e: {  	[sflag:s2] =	ssyncadd.s32 $0xFFFFFF80  }
0x9f: {  	v3 =	vld [tilespmem:$0x1FF50];
	[tilespmem:s26], [sflag:$0x5] =	stream.indirect.gather [hbm4b:s21+s25], $0x80, s29, s25, $0xb8  }
0xa0: {  	v1 =	vld [tilespmem:$0x1A00];
	_ =	sdelay $0x4  }
0xa1: {  	v2 =	vld [tilespmem:$0x1A10];
	v1 =	vadd.s32 v3, v1  }
0xa2: {  	[tilespmem:$0x1B00] =	vst v1;
	v1 =	vld [tilespmem:$0x1FF60];
	_ =	sdelay $0x4  }
0xa3: {  	v33 =	vld [tilespmem:$0x1A20];
	v1 =	vadd.s32 v1, v2  }
0xa4: {  	[tilespmem:$0x1B10] =	vst v1;
	v1 =	vld [tilespmem:$0x1FF70];
	_ =	sdelay $0x4  }
0xa5: {  	v34 =	vld [tilespmem:$0x1A30];
	v1 =	vadd.s32 v1, v33  }
0xa6: {  	[tilespmem:$0x1B20] =	vst v1;
	v1 =	vld [tilespmem:$0x1FF80];
	_ =	sdelay $0x4  }
0xa7: {  	v35 =	vld [tilespmem:$0x1A40];
	v1 =	vadd.s32 v1, v34  }
0xa8: {  	[tilespmem:$0x1B30] =	vst v1;
	v1 =	vld [tilespmem:$0x1FF90];
	_ =	sdelay $0x4  }
0xa9: {  	v36 =	vld [tilespmem:$0x1A50];
	v1 =	vadd.s32 v1, v35  }
0xaa: {  	[tilespmem:$0x1B40] =	vst v1;
	v1 =	vld [tilespmem:$0x1FFA0];
	_ =	sdelay $0x4  }
0xab: {  	v2 =	vld [tilespmem:$0x1A60];
	v1 =	vadd.s32 v1, v36  }
0xac: {  	[tilespmem:$0x1B50] =	vst v1;
	v1 =	vld [tilespmem:$0x1FFB0];
	_ =	sdelay $0x4  }
0xad: {  	v58 =	vld [tilespmem:$0x1A70];
	v1 =	vadd.s32 v1, v2  }
0xae: {  	[tilespmem:$0x1B60] =	vst v1;
	v1 =	vld [tilespmem:$0x1FFC0];
	_ =	sdelay $0x4  }
0xaf: {  	v1 =	vadd.s32 v1, v58  }
0xb0: {  	[tilespmem:$0x1B70] =	vst v1  }
0xb1: {  	_ =	swait.ge [sflag:s28], $0x4000  }
0xb2: {  	[sflag:s28] =	ssyncset.done $0x0  }
0xb3: {  	s30 =	simm.s32 $0x1B00;
	[sflag:s28] =	ssyncadd.s32 $0xFFFFC000  }
0xb4: {  	[tilespmem:s26], [sflag:$0x7] =	stream.indirect.gather.add.f32 [spmem:s23], $0x80, s30, s25, $0xb8;
	[tilespmem:$0x12880] =	vst v63  }
0xb5: {  	_ =	swait.ge [sflag:s13], $0x80  }
0xb6: {  	[sflag:s13] =	ssyncset.done $0x0  }
0xb7: {  	[sflag:s13] =	ssyncadd.s32 $0xFFFFFF80  }
0xb8: {  	_ =	swait.ge [sflag:s14], $0x80  }
0xb9: {  	[sflag:s14] =	ssyncset.done $0x0  }
0xba: {  	[sflag:s14] =	ssyncadd.s32 $0xFFFFFF80  }
0xbb: {  	v3 =	vld [tilespmem:$0x1FFD0];
	[tilespmem:s15], [sflag:$0x6] =	stream.indirect.gather [hbm4b:s21+s25], $0x80, s31, s25, $0xb8  }
0xbc: {  	v1 =	vld [tilespmem:$0x1A80];
	_ =	sdelay $0x4  }
0xbd: {  	v2 =	vld [tilespmem:$0x1A90];
	v1 =	vadd.s32 v3, v1  }
0xbe: {  	[tilespmem:$0x1B80] =	vst v1;
	v1 =	vld [tilespmem:$0x1FFE0];
	_ =	sdelay $0x4  }
0xbf: {  	v59 =	vld [tilespmem:$0x1AA0];
	v1 =	vadd.s32 v1, v2  }
0xc0: {  	[tilespmem:$0x1B90] =	vst v1;
	v1 =	vld [tilespmem:$0x1FFF0]  }
0xc1: {  	v60 =	vld [tilespmem:$0x1AB0]  }
0xc2: {  	v61 =	vld [tilespmem:$0x1AC0]  }
0xc3: {  	v62 =	vld [tilespmem:$0x1AD0]  }
0xc4: {  	v2 =	vld [tilespmem:$0x1AE0]  }
0xc5: {  	v63 =	vld [tilespmem:$0x1AF0];
	v1 =	vadd.s32 v1, v59  }
0xc6: {  	[tilespmem:$0x1BA0] =	vst v1;
	v1 =	vadd.s32 v12, v60  }
0xc7: {  	[tilespmem:$0x1BB0] =	vst v1;
	v1 =	vadd.s32 v13, v61  }
0xc8: {  	[tilespmem:$0x1BC0] =	vst v1;
	v1 =	vadd.s32 v14, v62  }
0xc9: {  	[tilespmem:$0x1BD0] =	vst v1;
	v1 =	vadd.s32 v15, v2  }
0xca: {  	[tilespmem:$0x1BE0] =	vst v1;
	v1 =	vadd.s32 v16, v63  }
0xcb: {  	[tilespmem:$0x1BF0] =	vst v1  }
.LBB2_4:
0xcc: {  	s18 =	sshll.u32 s3, $0x1  }
0xcd: {  	_ =	swait.ge [sflag:s16], $0x4000;
	s1 =	smin.u32 s18, $0x2F  }
0xce: {  	s4 =	rddreg [dreg:$0xf];
	s1 =	sshll.u32 s1, $0x7  }
0xcf: {  	s22 =	sadd.s32 s1, s4  }
0xd0: {  	[sflag:s16] =	ssyncset.done $0x0;
	s1 =	sshrl.u32 s22, $0x3  }
0xd1: {  	[sflag:s16] =	ssyncadd.s32 $0xFFFFC000;
	s5 =	sadd.s32 s7, s1  }
0xd2: {  	[tilespmem:s29], [sflag:$0x1] =	stream.linear.gather [hbm4b:s5+s6], $0x80, $0x38;
	[tilespmem:$0x12880] =	vst v63  }
0xd3: {  	s10 =	simm.s32 $0x1A00;
	p0 =	seq.s32 s3, $0x0;
	s1 =	sadd.s32 s8, s1  }
0xd4: {  	[tilespmem:s10], [sflag:$0x3] =	stream.linear.gather [hbm4b:s1+s6], $0x80, $0x38;
	[tilespmem:$0x12880] =	vst v63  }
0xd5: {  	s1 =	simm.s32 @!p0 $0x9  }
0xd6: {  	_ =	swait.ge @!p0 [sflag:s1], $0x4000  }
0xd7: {  	[sflag:s1] =	ssyncset.done @!p0 $0x0  }
0xd8: {  	s24 =	simm.s32 $0x0;
	[sflag:s1] =	ssyncadd.s32 @!p0 $0xFFFFC000  }
0xd9: {  	v1 =	vld [tilespmem:s24+$0x1C00]  }
0xda: {  	v2 =	vld [tilespmem:s24+$0x1C10]  }
0xdb: {  	v50 =	vld [tilespmem:s24+$0x1C20]  }
0xdc: {  	v51 =	vld [tilespmem:s24+$0x1C30]  }
0xdd: {  	v57 =	vld [tilespmem:s24+$0x1C40]  }
0xde: {  	v55 =	vld [tilespmem:s24+$0x1C50]  }
0xdf: {  	v56 =	vld [tilespmem:s24+$0x1C60]  }
0xe0: {  	v37 =	vld [tilespmem:s24+$0x1C70];
	_ =	sdelay $0x2  }
0xe1: {  	v33 =	vadd.f32 v2, v1;
	v34 =	vadd.f32 v51, v50;
	v36 =	vmul.f32 v1, v1  }
0xe2: {  	v35 =	vadd.f32 v55, v57;
	v38 =	vmul.f32 v2, v2;
	v39 =	vmul.f32 v50, v50  }
0xe3: {  	v40 =	vmul.f32 v51, v51;
	v41 =	vadd.f32 v37, v56;
	v42 =	vmul.f32 v57, v57  }
0xe4: {  	v43 =	vmul.f32 v55, v55;
	v4 =	vmul.f32 v56, v56  }
0xe5: {  	v44 =	vmul.f32 v37, v37;
	v33 =	vadd.f32 v34, v33;
	v35 =	vadd.f32 v41, v35  }
0xe6: {  	v36 =	vadd.f32 v38, v36;
	v5 =	vadd.f32 v40, v39  }
0xe7: {  	v6 =	vadd.f32 v43, v42;
	v34 =	vadd.f32 v44, v4  }
0xe8: {  	v33 =	vadd.f32 v35, v33  }
0xe9: {  	v7 =	vadd.f32 v5, v36;
	v34 =	vadd.f32 v34, v6  }
0xea: {  	(xrf2) =	vadd.scan.msk.f32 $0xffff, v33  }
0xeb: {  	v8 =	vadd.f32 v34, v7;
	_ =	sdelay $0x1  }
0xec: {  	s30 =	simm.s32 $0x80;
	(xrf2) =	vadd.scan.msk.f32 $0xffff, v8  }
0xed: {  	v48 =	vld [tilespmem:s30+$0x1C00]  }
0xee: {  	v49 =	vld [tilespmem:s30+$0x1C10]  }
0xef: {  	v53 =	vld [tilespmem:s30+$0x1C20]  }
0xf0: {  	v47 =	vld [tilespmem:s30+$0x1C70]  }
0xf1: {  	v41 =	vld [tilespmem:s30+$0x1C30]  }
0xf2: {  	v42 =	vld [tilespmem:s30+$0x1C40]  }
0xf3: {  	v38 =	vld [tilespmem:s30+$0x1C50];
	v9, _, _ =	vpop (xrf2)  }
0xf4: {  	v40 =	vld [tilespmem:s30+$0x1C60];
	(v2sf) =	vpush v9, $0xF  }
0xf5: {  	v60 =	vmul.f32 v48, v48;
	v61 =	vmul.f32 v49, v49  }
0xf6: {  	v11 =	vadd.f32 v49, v48;
	v10, _, _ =	vpop (xrf2)  }
0xf7: {  	v62 =	vmul.f32 v53, v53;
	v36 =	vadd.f32 v61, v60;
	(v2sf) =	vpush v10, $0xF  }
0xf8: {  	v54 =	vmul.f32 v47, v47;
	v58 =	vadd.f32 v41, v53;
	v59 =	vadd.f32 v38, v42  }
0xf9: {  	v63 =	vmul.f32 v41, v41;
	v45 =	vadd.f32 v47, v40;
	v46 =	vmul.f32 v42, v42  }
0xfa: {  	v52 =	vmul.f32 v38, v38;
	v4 =	vmul.f32 v40, v40;
	v33 =	vadd.f32 v58, v11  }
0xfb: {  	v35 =	vadd.f32 v45, v59;
	v5 =	vadd.f32 v63, v62  }
0xfc: {  	v6 =	vadd.f32 v52, v46;
	v34 =	vadd.f32 v54, v4  }
0xfd: {  	v33 =	vadd.f32 v35, v33  }
0xfe: {  	v7 =	vadd.f32 v5, v36;
	v34 =	vadd.f32 v34, v6  }
0xff: {  	(xrf2) =	vadd.scan.msk.f32 $0xffff, v33  }
0x100: {  	v8 =	vadd.f32 v34, v7  }
0x101: {  	s4 =	simm.s32 $0x100  }
0x102: {  	v44 =	vld [tilespmem:s4+$0x1C00];
	(xrf2) =	vadd.scan.msk.f32 $0xffff, v8  }
0x103: {  	v39 =	vld [tilespmem:s4+$0x1C20];
	s19 =	spop (v2sf)  }
0x104: {  	v45 =	vld [tilespmem:s4+$0x1C10];
	s1 =	smul.f32 $7.812500000e-03, s19  }
0x105: {  	v36 =	vld [tilespmem:s4+$0x1C40]  }
0x106: {  	v35 =	vld [tilespmem:s4+$0x1C50];
	s10 =	spop (v2sf);
	s5 =	smul.f32 s1, s1  }
0x107: {  	v34 =	vld [tilespmem:s4+$0x1C30];
	s10 =	smul.f32 $7.812500000e-03, s10  }
0x108: {  	v46 =	vld [tilespmem:s4+$0x1C70]  }
0x109: {  	v33 =	vld [tilespmem:s4+$0x1C60];
	v9, _, _ =	vpop (xrf2);
	s5 =	ssub.f32 s10, s5  }
0x10a: {  	v58 =	vmul.f32 v44, v44;
	(v2sf) =	vpush v9, $0xF  }
0x10b: {  	v63 =	vmul.f32 v39, v39;
	v4 =	vmul.f32 v36, v36;
	s5 =	sadd.f32 $9.999999960e-13, s5  }
0x10c: {  	v5 =	vmul.f32 v35, v35;
	v11 =	vadd.f32 v34, v39;
	v8 =	vadd.f32 v35, v36;
	v61, _, _ =	vpop (xrf2)  }
0x10d: {  	v10 =	vadd.f32 v45, v44;
	(v2sf) =	vpush v61, $0xF;
	v59 =	vmov s5  }
0x10e: {  	v3 =	vadd.f32 v46, v33;
	v62 =	vshrl.u32 v59, $0x1;
	v59 =	vmul.f32 $-5.000000000e-01, v59  }
0x10f: {  	v43 =	vadd.f32 v11, v10;
	v52 =	vmul.f32 v33, v33;
	v61 =	vsub.s32 $0x5F3759DF, v62  }
0x110: {  	v11 =	vmul.f32 v46, v46;
	v3 =	vadd.f32 v3, v8;
	v59 =	vmul.f32 v61, v59  }
0x111: {  	v60 =	vmul.f32 v45, v45;
	v4 =	vadd.f32 v5, v4;
	v9 =	vmul.f32 v34, v34  }
0x112: {  	v52 =	vadd.f32 v11, v52;
	v3 =	vadd.f32 v3, v43;
	v10 =	vmul.f32 v61, v59  }
0x113: {  	v58 =	vadd.f32 v60, v58;
	v8 =	vadd.f32 v9, v63  }
0x114: {  	v4 =	vadd.f32 v52, v4;
	(xrf2) =	vadd.scan.msk.f32 $0xffff, v3;
	v3 =	vmov s1;
	s10 =	simm.s32 $0x180;
	v9 =	vadd.f32 $1.500000000e+00, v10  }
0x115: {  	v7 =	vsub.f32 v51, v3;
	v51 =	vld [tilespmem:s10+$0x1C50];
	v10 =	vadd.f32 v8, v58  }
0x116: {  	v62 =	vsub.f32 v50, v3;
	v50 =	vld [tilespmem:s10+$0x1C40];
	v5 =	vmul.f32 v61, v9  }
0x117: {  	v4 =	vadd.f32 v4, v10  }
0x118: {  	v11 =	vsub.f32 v37, v3;
	v1 =	vsub.f32 v1, v3;
	v9 =	vmul.f32 v5, v17  }
0x119: {  	v2 =	vsub.f32 v2, v3;
	v43 =	vld [tilespmem:s10+$0x1C00];
	s20 =	spop (v2sf);
	v8 =	vmul.f32 v5, v24;
	v10 =	vmul.f32 v5, v18;
	(xrf2) =	vadd.scan.msk.f32 $0xffff, v4  }
0x11a: {  	v57 =	vsub.f32 v57, v3;
	v37 =	vld [tilespmem:s10+$0x1C10];
	s5 =	smul.f32 $7.812500000e-03, s20;
	v61 =	vmul.f32 v5, v19;
	v1 =	vmul.f32 v9, v1  }
0x11b: {  	v63 =	vadd.f32 v51, v50;
	v6 =	vmul.f32 v5, v21;
	v58 =	vmul.f32 v8, v11  }
0x11c: {  	v54 =	vld [tilespmem:s10+$0x1C20];
	s19 =	spop (v2sf);
	s1 =	smul.f32 s5, s5;
	v11 =	vmul.f32 v5, v20;
	v9 =	vmul.f32 v5, v22;
	v1 =	vadd.f32 v1, v25  }
0x11d: {  	v52 =	vld [tilespmem:s10+$0x1C30];
	s19 =	smul.f32 $7.812500000e-03, s19;
	v2 =	vmul.f32 v10, v2;
	v5 =	vmul.f32 v5, v23;
	v58 =	vadd.f32 v58, v32  }
0x11e: {  	v10 =	vsub.f32 v55, v3;
	v61 =	vmul.f32 v61, v62;
	v3 =	vsub.f32 v56, v3  }
0x11f: {  	s1 =	ssub.f32 s19, s1;
	v62 =	vadd.f32 v37, v43;
	v7 =	vmul.f32 v11, v7;
	v2 =	vadd.f32 v2, v26;
	[tilespmem:s24+$0x9C70] =	vst v58  }
0x120: {  	v11 =	vadd.f32 v61, v27;
	v59 =	vmul.f32 v5, v3;
	v58 =	vmul.f32 v6, v57;
	v55 =	vld [tilespmem:s10+$0x1C60];
	[tilespmem:s24+$0x9C00] =	vst v1;
	v1, _, _ =	vpop (xrf2)  }
0x121: {  	s19 =	sadd.f32 $9.999999960e-13, s1;
	v57 =	vmul.f32 v9, v10;
	v60 =	vadd.f32 v7, v28;
	v56 =	vld [tilespmem:s10+$0x1C70];
	[tilespmem:s24+$0x9C10] =	vst v2;
	(v2sf) =	vpush v1, $0xF  }
0x122: {  	s1 =	simm.s32 $0x800;
	v61 =	vmov v37;
	v2 =	vadd.f32 v52, v54;
	[tilespmem:s24+$0x9C20] =	vst v11;
	v1 =	vmul.f32 v43, v43  }
.LBB2_5:
0x123: {  	p1 =	sne.s32 s1, $0xCE00;
	v3 =	vmul.f32 v61, v37;
	v4 =	vmul.f32 v54, v54;
	v5, _, _ =	vpop (xrf2);
	v6 =	vmov s19;
	[tilespmem:s24+$0x9C30] =	vst v60  }
0x124: {  	v7 =	vmovc v39;
	v39 =	vmovc v54;
	(v2sf) =	vpush v5, $0xF;
	v5 =	vshrl.u32 v6, $0x1;
	v6 =	vmul.f32 $-5.000000000e-01, v6  }
0x125: {  	v54 =	vmul.f32 v52, v52;
	v60 =	vmul.f32 v50, v50;
	v8 =	vmovc v41;
	v41 =	vmovc v34;
	v5 =	vsub.s32 $0x5F3759DF, v5  }
0x126: {  	v11 =	vmul.f32 v51, v51;
	v34 =	vmovc v52;
	v61 =	vadd.f32 v56, v55;
	v6 =	vmul.f32 v5, v6  }
0x127: {  	v10 =	vmovc v42;
	v2 =	vadd.f32 v2, v62;
	v52 =	vmul.f32 v55, v55;
	v62 =	vmul.f32 v56, v56  }
0x128: {  	v42 =	vmovc v36;
	v1 =	vadd.f32 v3, v1;
	v61 =	vadd.f32 v61, v63;
	v3 =	vmul.f32 v5, v6  }
0x129: {  	v36 =	vmovc v50;
	v9 =	vmovc v38;
	v38 =	vmov v35;
	v4 =	vadd.f32 v54, v4;
	v6 =	vadd.f32 v11, v60  }
0x12a: {  	v35 =	vmovc v51;
	v50 =	vadd.f32 v62, v52;
	v60 =	vmovc v40;
	v40 =	vmov v33;
	v3 =	vadd.f32 $1.500000000e+00, v3  }
0x12b: {  	v51 =	vadd.f32 v58, v29;
	v33 =	vmovc v55;
	v52 =	vmovc v47;
	v47 =	vmov v46;
	v2 =	vadd.f32 v61, v2  }
0x12c: {  	v1 =	vadd.f32 v4, v1;
	v46 =	vmovc v56;
	v4 =	vadd.f32 v50, v6;
	v3 =	vmul.f32 v5, v3  }
0x12d: {  	v6 =	vadd.f32 v59, v31;
	v5 =	vadd.f32 v57, v30;
	(xrf2) =	vadd.scan.msk.f32 $0xffff, v2;
	v2 =	vmov s5  }
0x12e: {  	s19 =	sshra.s32 s1, $0x2;
	v1 =	vadd.f32 v4, v1;
	v4 =	vsub.f32 v52, v2;
	v50 =	vmul.f32 v3, v24;
	[tilespmem:s24+$0x9C40] =	vst v51  }
0x12f: {  	v51 =	vsub.f32 v48, v2;
	v55 =	vmul.f32 v3, v17;
	v56 =	vmul.f32 v3, v18;
	v11 =	vld [tilespmem:s19+$0x1C00];
	[tilespmem:s24+$0x9C50] =	vst v5  }
0x130: {  	v5 =	vmul.f32 v3, v19;
	v61 =	vld [tilespmem:s19+$0x1C10];
	(xrf2) =	vadd.scan.msk.f32 $0xffff, v1;
	s5 =	spop (v2sf);
	v1 =	vsub.f32 v49, v2;
	v4 =	vmul.f32 v50, v4  }
0x131: {  	v57 =	vmul.f32 v3, v21;
	v49 =	vsub.f32 v53, v2;
	v53 =	vmul.f32 v3, v20;
	v54 =	vld [tilespmem:s19+$0x1C20];
	s5 =	smul.f32 $7.812500000e-03, s5;
	[tilespmem:s24+$0x9C60] =	vst v6;
	s24 =	smov.u32 s30;
	s30 =	smov.u32 s4  }
0x132: {  	v48 =	vmovc v44;
	v6 =	vmul.f32 v3, v22;
	v3 =	vmul.f32 v3, v23;
	s4 =	smov.u32 s10;
	s10 =	smov.u32 s19;
	v52 =	vld [tilespmem:s19+$0x1C30];
	v4 =	vadd.f32 v4, v32  }
0x133: {  	v8 =	vsub.f32 v8, v2;
	v10 =	vsub.f32 v10, v2;
	v44 =	vmovc v43;
	v55 =	vmul.f32 v55, v51;
	v50 =	vld [tilespmem:s10+$0x1C40];
	s19 =	smul.f32 s5, s5;
	s20 =	spop (v2sf)  }
0x134: {  	v9 =	vsub.f32 v9, v2;
	v2 =	vsub.f32 v60, v2;
	v1 =	vmul.f32 v56, v1;
	v51 =	vld [tilespmem:s10+$0x1C50];
	s20 =	smul.f32 $7.812500000e-03, s20;
	[tilespmem:s24+$0x9C70] =	vst v4  }
.Ltmp1:
0x135: {  	v5 =	vmul.f32 v5, v49;
	v8 =	vmul.f32 v53, v8;
	v4 =	vadd.f32 v55, v25;
	v43 =	vmovc v11;
	(pc) =	sbr.rel @p1 .LBB2_5-.Ltmp1, $4  }
0x136: {  	v58 =	vmul.f32 v57, v10;
	v57 =	vmul.f32 v6, v9;
	v1 =	vadd.f32 v1, v26;
	v49 =	vmovc v45;
	s19 =	ssub.f32 s20, s19  }
0x137: {  	v59 =	vmul.f32 v3, v2;
	v60 =	vadd.f32 v8, v28;
	v55 =	vld [tilespmem:s10+$0x1C60];
	v6, _, _ =	vpop (xrf2);
	[tilespmem:s24+$0x9C00] =	vst v4;
	v4 =	vadd.f32 v5, v27  }
0x138: {  	v45 =	vmovc v37;
	v53 =	vmovc v7;
	v62 =	vadd.f32 v61, v43;
	v37 =	vmov v61;
	v56 =	vld [tilespmem:s10+$0x1C70];
	(v2sf) =	vpush v6, $0xF;
	s19 =	sadd.f32 $9.999999960e-13, s19;
	[tilespmem:s24+$0x9C10] =	vst v1  }
0x139: {  	s1 =	sadd.s32 $0x200, s1;
	v2 =	vadd.f32 v52, v54;
	v1 =	vmul.f32 v11, v43;
	v63 =	vadd.f32 v51, v50;
	[tilespmem:s24+$0x9C20] =	vst v4  }
0x13a: {  	_ = 	snop  }
0x13b: {  	v3 =	vmul.f32 v61, v37;
	v4 =	vmul.f32 v54, v54  }
0x13c: {  	v5 =	vmul.f32 v52, v52;
	v7 =	vmul.f32 v50, v50  }
0x13d: {  	v8 =	vmul.f32 v51, v51;
	v2 =	vadd.f32 v2, v62;
	v6 =	vadd.f32 v56, v55  }
0x13e: {  	v9 =	vmul.f32 v55, v55;
	v1 =	vadd.f32 v3, v1;
	v10 =	vmul.f32 v56, v56  }
0x13f: {  	v3 =	vadd.f32 v5, v4;
	v6 =	vadd.f32 v6, v63  }
0x140: {  	v8 =	vadd.f32 v8, v7;
	v10 =	vadd.f32 v10, v9  }
0x141: {  	v2 =	vadd.f32 v6, v2  }
0x142: {  	v11, _, _ =	vpop (xrf2);
	v1 =	vadd.f32 v3, v1;
	v3 =	vadd.f32 v10, v8  }
0x143: {  	(v2sf) =	vpush v11, $0xF;
	(xrf2) =	vadd.scan.msk.f32 $0xffff, v2  }
0x144: {  	v1 =	vadd.f32 v3, v1;
	_ =	sdelay $0x1  }
0x145: {  	(xrf2) =	vadd.scan.msk.f32 $0xffff, v1;
	_ =	sdelay $0x3  }
0x146: {  	v1 =	vmov s19  }
0x147: {  	v2 =	vshrl.u32 v1, $0x1;
	v1 =	vmul.f32 $-5.000000000e-01, v1  }
0x148: {  	v2 =	vsub.s32 $0x5F3759DF, v2  }
0x149: {  	v1 =	vmul.f32 v2, v1;
	v3, _, _ =	vpop (xrf2)  }
0x14a: {  	(v2sf) =	vpush v3, $0xF  }
0x14b: {  	s1 =	spop (v2sf);
	v1 =	vmul.f32 v2, v1  }
0x14c: {  	s19 =	smul.f32 $7.812500000e-03, s1;
	v3, _, _ =	vpop (xrf2)  }
0x14d: {  	v1 =	vadd.f32 $1.500000000e+00, v1;
	(v2sf) =	vpush v3, $0xF  }
0x14e: {  	s1 =	spop (v2sf);
	s20 =	smul.f32 s19, s19  }
0x14f: {  	v4 =	vadd.f32 v58, v29;
	s1 =	smul.f32 $7.812500000e-03, s1;
	v1 =	vmul.f32 v2, v1  }
0x150: {  	v5 =	vadd.f32 v59, v31;
	v2 =	vadd.f32 v57, v30  }
0x151: {  	s1 =	ssub.f32 s1, s20;
	v3 =	vmov s5;
	v59 =	vmul.f32 v1, v24;
	v61 =	vmul.f32 v1, v17  }
0x152: {  	v10 =	vmul.f32 v1, v18;
	v58 =	vsub.f32 v47, v3;
	v8 =	vsub.f32 v48, v3  }
0x153: {  	s1 =	sadd.f32 $9.999999960e-13, s1;
	v11 =	vsub.f32 v49, v3;
	v47 =	vmul.f32 v1, v19;
	v48 =	vmul.f32 v1, v20  }
0x154: {  	v7 =	vsub.f32 v53, v3;
	v49 =	vmul.f32 v1, v21;
	v53 =	vmul.f32 v1, v22  }
0x155: {  	v62 =	vmov s1;
	v1 =	vmul.f32 v1, v23;
	v41 =	vsub.f32 v41, v3  }
0x156: {  	v42 =	vsub.f32 v42, v3;
	v63 =	vshrl.u32 v62, $0x1;
	v57 =	vmul.f32 $-5.000000000e-01, v62  }
0x157: {  	v62 =	vsub.f32 v38, v3;
	v8 =	vmul.f32 v61, v8;
	v61 =	vsub.s32 $0x5F3759DF, v63  }
0x158: {  	v3 =	vsub.f32 v40, v3;
	v10 =	vmul.f32 v10, v11;
	v57 =	vmul.f32 v61, v57  }
0x159: {  	v7 =	vmul.f32 v47, v7;
	v47 =	vmul.f32 v48, v41;
	v41 =	vmov s19;
	s5 =	spop (v2sf)  }
0x15a: {  	v48 =	vsub.f32 v46, v41;
	v44 =	vsub.f32 v44, v41;
	v63 =	vmul.f32 v61, v57;
	s1 =	smul.f32 $7.812500000e-03, s5  }
0x15b: {  	v11 =	vmul.f32 v53, v62;
	v45 =	vsub.f32 v45, v41;
	v53 =	vsub.f32 v39, v41  }
0x15c: {  	v6 =	vmul.f32 v59, v58;
	v34 =	vsub.f32 v34, v41;
	v38 =	vadd.f32 $1.500000000e+00, v63;
	s20 =	spop (v2sf);
	s5 =	smul.f32 s1, s1  }
0x15d: {  	v42 =	vmul.f32 v49, v42;
	v36 =	vsub.f32 v36, v41;
	v33 =	vsub.f32 v33, v41;
	s19 =	smul.f32 $7.812500000e-03, s20  }
0x15e: {  	v6 =	vadd.f32 v6, v32;
	v8 =	vadd.f32 v8, v25;
	v9 =	vmul.f32 v61, v38  }
0x15f: {  	[tilespmem:s24+$0x9C30] =	vst v60;
	v1 =	vmul.f32 v1, v3;
	v10 =	vadd.f32 v10, v26;
	v7 =	vadd.f32 v7, v27;
	s5 =	ssub.f32 s19, s5  }
0x160: {  	[tilespmem:s24+$0x9C40] =	vst v4;
	v40 =	vadd.f32 v47, v28;
	v49 =	vmul.f32 v9, v24;
	v46 =	vmul.f32 v9, v17  }
0x161: {  	[tilespmem:s24+$0x9C60] =	vst v5;
	v3 =	vadd.f32 v42, v29;
	v4 =	vmul.f32 v9, v18;
	v47 =	vmul.f32 v9, v19;
	s5 =	sadd.f32 $9.999999960e-13, s5  }
0x162: {  	[tilespmem:s24+$0x9C50] =	vst v2;
	v11 =	vadd.f32 v11, v30;
	v58 =	vmul.f32 v9, v20;
	v60 =	vmul.f32 v9, v21  }
0x163: {  	[tilespmem:s30+$0x9C70] =	vst v6;
	v61 =	vmul.f32 v9, v22;
	v62 =	vmul.f32 v9, v23;
	v57 =	vmov s5  }
0x164: {  	[tilespmem:s30+$0x9C00] =	vst v8;
	v2 =	vmul.f32 v49, v48;
	v59 =	vshrl.u32 v57, $0x1;
	v39 =	vmul.f32 $-5.000000000e-01, v57  }
0x165: {  	[tilespmem:s30+$0x9C10] =	vst v10;
	v44 =	vmul.f32 v46, v44;
	v4 =	vmul.f32 v4, v45;
	v42 =	vsub.s32 $0x5F3759DF, v59  }
0x166: {  	v1 =	vadd.f32 v1, v31;
	[tilespmem:s30+$0x9C20] =	vst v7;
	v47 =	vmul.f32 v47, v53;
	v63 =	vmul.f32 v42, v39  }
0x167: {  	[tilespmem:s30+$0x9C40] =	vst v3;
	v46 =	vsub.f32 v35, v41;
	v3 =	vmul.f32 v58, v34;
	v6 =	vmul.f32 v60, v36  }
0x168: {  	[tilespmem:s30+$0x9C30] =	vst v40;
	v2 =	vadd.f32 v2, v32;
	v10 =	vadd.f32 v44, v25;
	v9 =	vmul.f32 v42, v63  }
0x169: {  	[tilespmem:s30+$0x9C50] =	vst v11;
	v4 =	vadd.f32 v4, v26;
	v7 =	vmul.f32 v61, v46;
	v53 =	vadd.f32 v47, v27  }
0x16a: {  	[tilespmem:s30+$0x9C60] =	vst v1;
	v1 =	vadd.f32 v3, v28;
	v3 =	vmul.f32 v62, v33;
	v49 =	vadd.f32 $1.500000000e+00, v9  }
0x16b: {  	[tilespmem:s4+$0x9C70] =	vst v2;
	v2 =	vadd.f32 v6, v29;
	v7 =	vadd.f32 v7, v30  }
0x16c: {  	v3 =	vadd.f32 v3, v31;
	v57 =	vmov s1;
	v5 =	vmul.f32 v42, v49  }
0x16d: {  	[tilespmem:s4+$0x9C30] =	vst v1;
	v58 =	vsub.f32 v56, v57;
	v1 =	vsub.f32 v37, v57  }
0x16e: {  	[tilespmem:s4+$0x9C40] =	vst v2;
	v2 =	vsub.f32 v54, v57;
	v41 =	vsub.f32 v52, v57;
	v59 =	vmul.f32 v5, v24  }
0x16f: {  	[tilespmem:s4+$0x9C60] =	vst v3;
	v3 =	vsub.f32 v50, v57;
	v63 =	vsub.f32 v43, v57;
	v60 =	vmul.f32 v5, v17  }
0x170: {  	[tilespmem:s4+$0x9C00] =	vst v10;
	v6 =	vsub.f32 v55, v57;
	v61 =	vmul.f32 v5, v18;
	v8 =	vmul.f32 v59, v58  }
0x171: {  	[tilespmem:s4+$0x9C10] =	vst v4;
	v43 =	vsub.f32 v51, v57;
	v62 =	vmul.f32 v5, v19;
	v9 =	vmul.f32 v60, v63  }
0x172: {  	[tilespmem:s4+$0x9C20] =	vst v53;
	v36 =	vmul.f32 v5, v20;
	v1 =	vmul.f32 v61, v1;
	v40 =	vadd.f32 v8, v32  }
0x173: {  	[tilespmem:s4+$0x9C50] =	vst v7;
	v38 =	vmul.f32 v5, v21;
	v2 =	vmul.f32 v62, v2;
	v42 =	vadd.f32 v9, v25  }
0x174: {  	v39 =	vmul.f32 v5, v22;
	v44 =	vmul.f32 v36, v41;
	v1 =	vadd.f32 v1, v26;
	[tilespmem:s10+$0x9C70] =	vst v40  }
0x175: {  	v5 =	vmul.f32 v5, v23;
	v3 =	vmul.f32 v38, v3;
	v2 =	vadd.f32 v2, v27;
	[tilespmem:s10+$0x9C00] =	vst v42  }
0x176: {  	v45 =	vmul.f32 v39, v43;
	v7 =	vadd.f32 v44, v28;
	[tilespmem:s10+$0x9C10] =	vst v1  }
0x177: {  	v1 =	vmul.f32 v5, v6;
	[tilespmem:s10+$0x9C20] =	vst v2;
	v2 =	vadd.f32 v3, v29  }
0x178: {  	[tilespmem:s10+$0x9C30] =	vst v7;
	v3 =	vadd.f32 v45, v30  }
0x179: {  	v1 =	vadd.f32 v1, v31;
	[tilespmem:s10+$0x9C40] =	vst v2  }
0x17a: {  	[tilespmem:s10+$0x9C50] =	vst v3  }
0x17b: {  	[tilespmem:s10+$0x9C60] =	vst v1  }
0x17c: {  	_ =	swait.ge [sflag:s17], $0x4000  }
0x17d: {  	[sflag:s17] =	ssyncset.done $0x0  }
0x17e: {  	s24 =	simm.s32 $0x0;
	s5 =	simm.s32 $0x1B80;
	[sflag:s17] =	ssyncadd.s32 $0xFFFFC000  }
0x17f: {  	[tilespmem:s15], [sflag:$0x8] =	stream.indirect.gather.add.f32 [spmem:s23], $0x80, s5, s25, $0xb8;
	[tilespmem:$0x12880] =	vst v63  }
0x180: {  	v1 =	vld [tilespmem:s24+$0x5000]  }
0x181: {  	v2 =	vld [tilespmem:s24+$0x5010]  }
0x182: {  	v50 =	vld [tilespmem:s24+$0x5020]  }
0x183: {  	v51 =	vld [tilespmem:s24+$0x5030]  }
0x184: {  	v57 =	vld [tilespmem:s24+$0x5040]  }
0x185: {  	v55 =	vld [tilespmem:s24+$0x5050]  }
0x186: {  	v56 =	vld [tilespmem:s24+$0x5060]  }
0x187: {  	v3 =	vld [tilespmem:s24+$0x5070];
	_ =	sdelay $0x2  }
0x188: {  	v46 =	vadd.f32 v2, v1;
	v47 =	vadd.f32 v51, v50;
	v49 =	vmul.f32 v1, v1  }
0x189: {  	v48 =	vadd.f32 v55, v57;
	v52 =	vmul.f32 v2, v2;
	v53 =	vmul.f32 v50, v50  }
0x18a: {  	v54 =	vmul.f32 v51, v51;
	v58 =	vadd.f32 v3, v56;
	v59 =	vmul.f32 v57, v57  }
0x18b: {  	v60 =	vmul.f32 v55, v55;
	v61 =	vmul.f32 v56, v56  }
0x18c: {  	v62 =	vmul.f32 v3, v3;
	v4 =	vadd.f32 v47, v46;
	v6 =	vadd.f32 v58, v48  }
0x18d: {  	v7 =	vadd.f32 v52, v49;
	v63 =	vadd.f32 v54, v53  }
0x18e: {  	v33 =	vadd.f32 v60, v59;
	v5 =	vadd.f32 v62, v61  }
0x18f: {  	v4 =	vadd.f32 v6, v4  }
0x190: {  	v34 =	vadd.f32 v63, v7;
	v5 =	vadd.f32 v5, v33  }
0x191: {  	(xrf2) =	vadd.scan.msk.f32 $0xffff, v4  }
0x192: {  	v35 =	vadd.f32 v5, v34;
	_ =	sdelay $0x1  }
0x193: {  	s30 =	simm.s32 $0x80;
	(xrf2) =	vadd.scan.msk.f32 $0xffff, v35  }
0x194: {  	v41 =	vld [tilespmem:s30+$0x5030]  }
0x195: {  	v42 =	vld [tilespmem:s30+$0x5040]  }
0x196: {  	v38 =	vld [tilespmem:s30+$0x5050]  }
0x197: {  	v40 =	vld [tilespmem:s30+$0x5060]  }
0x198: {  	v48 =	vld [tilespmem:s30+$0x5000]  }
0x199: {  	v49 =	vld [tilespmem:s30+$0x5010]  }
0x19a: {  	v53 =	vld [tilespmem:s30+$0x5020];
	v36, _, _ =	vpop (xrf2)  }
0x19b: {  	v47 =	vld [tilespmem:s30+$0x5070];
	(v2sf) =	vpush v36, $0xF;
	_ =	sdelay $0x1  }
0x19c: {  	v44 =	vadd.f32 v38, v42;
	v37, _, _ =	vpop (xrf2)  }
0x19d: {  	v54 =	vmul.f32 v41, v41;
	v59 =	vmul.f32 v42, v42;
	(v2sf) =	vpush v37, $0xF  }
0x19e: {  	v60 =	vmul.f32 v38, v38;
	v61 =	vmul.f32 v40, v40;
	v39 =	vadd.f32 v49, v48  }
0x19f: {  	v43 =	vadd.f32 v41, v53;
	v45 =	vmul.f32 v48, v48;
	v58 =	vadd.f32 v47, v40  }
0x1a0: {  	v46 =	vmul.f32 v49, v49;
	v52 =	vmul.f32 v53, v53  }
0x1a1: {  	v62 =	vmul.f32 v47, v47;
	v4 =	vadd.f32 v43, v39;
	v6 =	vadd.f32 v58, v44  }
0x1a2: {  	v7 =	vadd.f32 v46, v45;
	v63 =	vadd.f32 v54, v52  }
0x1a3: {  	v5 =	vadd.f32 v62, v61;
	v36 =	vadd.f32 v60, v59  }
0x1a4: {  	v4 =	vadd.f32 v6, v4  }
0x1a5: {  	v37 =	vadd.f32 v63, v7;
	v5 =	vadd.f32 v5, v36  }
0x1a6: {  	(xrf2) =	vadd.scan.msk.f32 $0xffff, v4  }
0x1a7: {  	s4 =	simm.s32 $0x100;
	v39 =	vadd.f32 v5, v37  }
0x1a8: {  	v33 =	vld [tilespmem:s4+$0x5060]  }
0x1a9: {  	v34 =	vld [tilespmem:s4+$0x5030];
	(xrf2) =	vadd.scan.msk.f32 $0xffff, v39;
	s10 =	spop (v2sf)  }
0x1aa: {  	v35 =	vld [tilespmem:s4+$0x5050];
	s1 =	smul.f32 $7.812500000e-03, s10  }
0x1ab: {  	v44 =	vld [tilespmem:s4+$0x5000]  }
0x1ac: {  	v45 =	vld [tilespmem:s4+$0x5010];
	s20 =	spop (v2sf);
	s19 =	smul.f32 s1, s1  }
0x1ad: {  	v46 =	vld [tilespmem:s4+$0x5070];
	s10 =	smul.f32 $7.812500000e-03, s20  }
0x1ae: {  	v36 =	vld [tilespmem:s4+$0x5040]  }
0x1af: {  	s5 =	ssub.f32 s10, s19  }
0x1b0: {  	v52, _, _ =	vpop (xrf2)  }
0x1b1: {  	v9 =	vmul.f32 v45, v45;
	(v2sf) =	vpush v52, $0xF;
	s5 =	sadd.f32 $9.999999960e-13, s5  }
0x1b2: {  	v61 =	vadd.f32 v46, v33;
	v60 =	vmul.f32 v34, v34;
	v7 =	vmul.f32 v44, v44;
	v39 =	vld [tilespmem:s4+$0x5020]  }
0x1b3: {  	v63 =	vmul.f32 v35, v35;
	v6 =	vadd.f32 v35, v36;
	v58, _, _ =	vpop (xrf2);
	v54 =	vmov s5  }
0x1b4: {  	(v2sf) =	vpush v58, $0xF;
	v59 =	vshrl.u32 v54, $0x1;
	v8 =	vmul.f32 $-5.000000000e-01, v54  }
0x1b5: {  	v5 =	vadd.f32 v45, v44;
	v7 =	vadd.f32 v9, v7;
	v10 =	vsub.s32 $0x5F3759DF, v59  }
0x1b6: {  	v62 =	vmul.f32 v36, v36;
	v6 =	vadd.f32 v61, v6;
	v8 =	vmul.f32 v10, v8  }
0x1b7: {  	v4 =	vadd.f32 v34, v39;
	v37 =	vmul.f32 v39, v39;
	v58 =	vmul.f32 v33, v33  }
0x1b8: {  	v61 =	vadd.f32 v63, v62;
	v59 =	vmul.f32 v46, v46;
	v8 =	vmul.f32 v10, v8  }
0x1b9: {  	v4 =	vadd.f32 v4, v5;
	v60 =	vadd.f32 v60, v37  }
0x1ba: {  	v5 =	vadd.f32 v59, v58;
	v8 =	vadd.f32 $1.500000000e+00, v8  }
0x1bb: {  	v4 =	vadd.f32 v6, v4  }
0x1bc: {  	v7 =	vadd.f32 v60, v7;
	v5 =	vadd.f32 v5, v61;
	v6 =	vmul.f32 v10, v8  }
0x1bd: {  	(xrf2) =	vadd.scan.msk.f32 $0xffff, v4;
	v4 =	vmov s1  }
0x1be: {  	v3 =	vsub.f32 v3, v4;
	s10 =	simm.s32 $0x180;
	v5 =	vadd.f32 v5, v7;
	v8 =	vmul.f32 v6, v24  }
0x1bf: {  	v1 =	vsub.f32 v1, v4;
	v43 =	vld [tilespmem:s10+$0x5000];
	v62 =	vmul.f32 v6, v17;
	v9 =	vmul.f32 v6, v18  }
0x1c0: {  	v2 =	vsub.f32 v2, v4;
	v37 =	vld [tilespmem:s10+$0x5010];
	s19 =	spop (v2sf);
	(xrf2) =	vadd.scan.msk.f32 $0xffff, v5;
	v63 =	vmul.f32 v6, v20;
	v60 =	vmul.f32 v6, v21  }
0x1c1: {  	v52 =	vld [tilespmem:s10+$0x5030];
	s5 =	smul.f32 $7.812500000e-03, s19;
	v10 =	vsub.f32 v50, v4;
	v3 =	vmul.f32 v8, v3;
	v1 =	vmul.f32 v62, v1  }
0x1c2: {  	v54 =	vld [tilespmem:s10+$0x5020];
	v61 =	vmul.f32 v6, v22;
	v8 =	vmul.f32 v6, v19;
	v62 =	vsub.f32 v51, v4  }
0x1c3: {  	s20 =	spop (v2sf);
	v50 =	vld [tilespmem:s10+$0x5040];
	s1 =	smul.f32 s5, s5;
	v2 =	vmul.f32 v9, v2;
	v3 =	vadd.f32 v3, v32;
	v1 =	vadd.f32 v1, v25  }
0x1c4: {  	v57 =	vsub.f32 v57, v4;
	s19 =	smul.f32 $7.812500000e-03, s20;
	v6 =	vmul.f32 v6, v23;
	v51 =	vld [tilespmem:s10+$0x5050];
	v8 =	vmul.f32 v8, v10  }
0x1c5: {  	v63 =	vmul.f32 v63, v62;
	v2 =	vadd.f32 v2, v26;
	[tilespmem:s24+$0xD070] =	vst v3;
	v3 =	vsub.f32 v55, v4  }
0x1c6: {  	s1 =	ssub.f32 s19, s1;
	v58 =	vmul.f32 v60, v57;
	v62 =	vadd.f32 v37, v43;
	v4 =	vsub.f32 v56, v4  }
0x1c7: {  	v60 =	vadd.f32 v63, v28;
	v55 =	vld [tilespmem:s10+$0x5060];
	[tilespmem:s24+$0xD000] =	vst v1;
	v57 =	vmul.f32 v61, v3;
	v1, _, _ =	vpop (xrf2);
	v3 =	vadd.f32 v8, v27  }
0x1c8: {  	s19 =	sadd.f32 $9.999999960e-13, s1;
	v63 =	vmul.f32 v43, v43;
	v56 =	vld [tilespmem:s10+$0x5070];
	v59 =	vmul.f32 v6, v4;
	[tilespmem:s24+$0xD010] =	vst v2;
	(v2sf) =	vpush v1, $0xF  }
0x1c9: {  	s1 =	simm.s32 $0x800;
	v2 =	vadd.f32 v52, v54;
	v61 =	vmov v37;
	v1 =	vadd.f32 v51, v50;
	[tilespmem:s24+$0xD020] =	vst v3  }
.LBB2_7:
0x1ca: {  	p1 =	sne.s32 s1, $0x2E00;
	v3 =	vmul.f32 v61, v37;
	v4 =	vmul.f32 v54, v54;
	v5, _, _ =	vpop (xrf2);
	v6 =	vmov s19;
	[tilespmem:s24+$0xD030] =	vst v60  }
0x1cb: {  	v7 =	vmovc v39;
	v39 =	vmovc v54;
	(v2sf) =	vpush v5, $0xF;
	v5 =	vshrl.u32 v6, $0x1;
	v6 =	vmul.f32 $-5.000000000e-01, v6  }
0x1cc: {  	v8 =	vmul.f32 v52, v52;
	v9 =	vmul.f32 v50, v50;
	v10 =	vmovc v41;
	v41 =	vmovc v34;
	v5 =	vsub.s32 $0x5F3759DF, v5  }
0x1cd: {  	v54 =	vmul.f32 v51, v51;
	v34 =	vmovc v52;
	v11 =	vadd.f32 v56, v55;
	v6 =	vmul.f32 v5, v6  }
0x1ce: {  	v2 =	vadd.f32 v2, v62;
	v62 =	vmovc v42;
	v52 =	vmul.f32 v55, v55;
	v61 =	vmul.f32 v56, v56  }
0x1cf: {  	v42 =	vmovc v36;
	v3 =	vadd.f32 v3, v63;
	v1 =	vadd.f32 v11, v1;
	v6 =	vmul.f32 v5, v6  }
0x1d0: {  	v36 =	vmovc v50;
	v4 =	vadd.f32 v8, v4;
	v8 =	vadd.f32 v54, v9;
	v9 =	vmovc v38;
	v38 =	vmov v35  }
0x1d1: {  	v60 =	vmovc v40;
	v40 =	vmovc v33;
	v35 =	vmov v51;
	v11 =	vadd.f32 v61, v52;
	v6 =	vadd.f32 $1.500000000e+00, v6  }
0x1d2: {  	v50 =	vmovc v47;
	v47 =	vmovc v46;
	v33 =	vmov v55;
	v1 =	vadd.f32 v1, v2;
	v2 =	vadd.f32 v58, v29  }
0x1d3: {  	v46 =	vmovc v56;
	v3 =	vadd.f32 v4, v3;
	v4 =	vadd.f32 v11, v8;
	v5 =	vmul.f32 v5, v6  }
0x1d4: {  	v8 =	vadd.f32 v59, v31;
	v6 =	vadd.f32 v57, v30;
	(xrf2) =	vadd.scan.msk.f32 $0xffff, v1;
	v1 =	vmov s5  }
0x1d5: {  	s19 =	sshra.s32 s1, $0x2;
	v3 =	vadd.f32 v4, v3;
	v4 =	vsub.f32 v50, v1;
	v11 =	vmul.f32 v5, v24;
	[tilespmem:s24+$0xD040] =	vst v2  }
0x1d6: {  	v2 =	vsub.f32 v48, v1;
	v51 =	vmul.f32 v5, v17;
	v55 =	vmul.f32 v5, v18;
	v63 =	vld [tilespmem:s19+$0x5000];
	[tilespmem:s24+$0xD050] =	vst v6  }
0x1d7: {  	v6 =	vmul.f32 v5, v19;
	v61 =	vld [tilespmem:s19+$0x5010];
	(xrf2) =	vadd.scan.msk.f32 $0xffff, v3;
	s5 =	spop (v2sf);
	v3 =	vsub.f32 v49, v1;
	v4 =	vmul.f32 v11, v4  }
0x1d8: {  	v11 =	vsub.f32 v53, v1;
	v49 =	vmul.f32 v5, v20;
	v53 =	vmul.f32 v5, v21;
	v54 =	vld [tilespmem:s19+$0x5020];
	s5 =	smul.f32 $7.812500000e-03, s5;
	[tilespmem:s24+$0xD060] =	vst v8;
	s24 =	smov.u32 s30;
	s30 =	smov.u32 s4  }
0x1d9: {  	v48 =	vmovc v44;
	v8 =	vmul.f32 v5, v22;
	v5 =	vmul.f32 v5, v23;
	s4 =	smov.u32 s10;
	s10 =	smov.u32 s19;
	v52 =	vld [tilespmem:s19+$0x5030];
	v4 =	vadd.f32 v4, v32  }
0x1da: {  	v10 =	vsub.f32 v10, v1;
	v56 =	vsub.f32 v62, v1;
	v44 =	vmovc v43;
	v2 =	vmul.f32 v51, v2;
	v50 =	vld [tilespmem:s10+$0x5040];
	s19 =	smul.f32 s5, s5;
	s20 =	spop (v2sf)  }
0x1db: {  	v9 =	vsub.f32 v9, v1;
	v1 =	vsub.f32 v60, v1;
	v3 =	vmul.f32 v55, v3;
	v51 =	vld [tilespmem:s10+$0x5050];
	s20 =	smul.f32 $7.812500000e-03, s20;
	[tilespmem:s24+$0xD070] =	vst v4  }
.Ltmp2:
0x1dc: {  	v2 =	vadd.f32 v2, v25;
	v4 =	vmul.f32 v6, v11;
	v6 =	vmul.f32 v49, v10;
	v43 =	vmovc v63;
	(pc) =	sbr.rel @p1 .LBB2_7-.Ltmp2, $4  }
0x1dd: {  	v58 =	vmul.f32 v53, v56;
	v57 =	vmul.f32 v8, v9;
	v3 =	vadd.f32 v3, v26;
	v49 =	vmovc v45;
	s19 =	ssub.f32 s20, s19  }
0x1de: {  	v59 =	vmul.f32 v5, v1;
	v4 =	vadd.f32 v4, v27;
	v60 =	vadd.f32 v6, v28;
	v55 =	vld [tilespmem:s10+$0x5060];
	v8, _, _ =	vpop (xrf2);
	[tilespmem:s24+$0xD000] =	vst v2  }
0x1df: {  	v45 =	vmovc v37;
	v53 =	vmovc v7;
	v62 =	vadd.f32 v61, v43;
	v37 =	vmov v61;
	v56 =	vld [tilespmem:s10+$0x5070];
	(v2sf) =	vpush v8, $0xF;
	s19 =	sadd.f32 $9.999999960e-13, s19;
	[tilespmem:s24+$0xD010] =	vst v3  }
0x1e0: {  	s1 =	sadd.s32 $0x200, s1;
	v63 =	vmul.f32 v63, v43;
	v2 =	vadd.f32 v52, v54;
	v1 =	vadd.f32 v51, v50;
	[tilespmem:s24+$0xD020] =	vst v4  }
0x1e1: {  	_ = 	snop  }
0x1e2: {  	v3 =	vmul.f32 v61, v37;
	v4 =	vmul.f32 v54, v54  }
0x1e3: {  	v5 =	vmul.f32 v52, v52;
	v7 =	vmul.f32 v50, v50  }
0x1e4: {  	v8 =	vmul.f32 v51, v51;
	v2 =	vadd.f32 v2, v62;
	v6 =	vadd.f32 v56, v55  }
0x1e5: {  	v9 =	vmul.f32 v55, v55;
	v3 =	vadd.f32 v3, v63;
	v10 =	vmul.f32 v56, v56  }
0x1e6: {  	v4 =	vadd.f32 v5, v4;
	v1 =	vadd.f32 v6, v1  }
0x1e7: {  	v63 =	vadd.f32 v8, v7;
	v10 =	vadd.f32 v10, v9  }
0x1e8: {  	v1 =	vadd.f32 v1, v2  }
0x1e9: {  	v11, _, _ =	vpop (xrf2);
	v2 =	vadd.f32 v4, v3;
	v3 =	vadd.f32 v10, v63  }
0x1ea: {  	(v2sf) =	vpush v11, $0xF;
	(xrf2) =	vadd.scan.msk.f32 $0xffff, v1  }
0x1eb: {  	v1 =	vadd.f32 v3, v2;
	_ =	sdelay $0x1  }
0x1ec: {  	(xrf2) =	vadd.scan.msk.f32 $0xffff, v1;
	_ =	sdelay $0x3  }
0x1ed: {  	v1 =	vmov s19  }
0x1ee: {  	v2 =	vshrl.u32 v1, $0x1;
	v1 =	vmul.f32 $-5.000000000e-01, v1  }
0x1ef: {  	v2 =	vsub.s32 $0x5F3759DF, v2  }
0x1f0: {  	v1 =	vmul.f32 v2, v1;
	v3, _, _ =	vpop (xrf2)  }
0x1f1: {  	(v2sf) =	vpush v3, $0xF  }
0x1f2: {  	s1 =	spop (v2sf);
	v1 =	vmul.f32 v2, v1  }
0x1f3: {  	s19 =	smul.f32 $7.812500000e-03, s1;
	v3, _, _ =	vpop (xrf2)  }
0x1f4: {  	v1 =	vadd.f32 $1.500000000e+00, v1;
	(v2sf) =	vpush v3, $0xF  }
0x1f5: {  	s1 =	spop (v2sf);
	s20 =	smul.f32 s19, s19  }
0x1f6: {  	s1 =	smul.f32 $7.812500000e-03, s1;
	v1 =	vmul.f32 v2, v1  }
0x1f7: {  	v5 =	vadd.f32 v59, v31;
	v4 =	vadd.f32 v58, v29  }
0x1f8: {  	s1 =	ssub.f32 s1, s20;
	v2 =	vadd.f32 v57, v30;
	v3 =	vmov s5;
	v59 =	vmul.f32 v1, v24  }
0x1f9: {  	v61 =	vmul.f32 v1, v17;
	v10 =	vmul.f32 v1, v18;
	v58 =	vsub.f32 v47, v3  }
0x1fa: {  	s1 =	sadd.f32 $9.999999960e-13, s1;
	v8 =	vsub.f32 v48, v3;
	v11 =	vsub.f32 v49, v3;
	v47 =	vmul.f32 v1, v19  }
0x1fb: {  	v7 =	vsub.f32 v53, v3;
	v48 =	vmul.f32 v1, v20;
	v49 =	vmul.f32 v1, v21  }
0x1fc: {  	v53 =	vmul.f32 v1, v22;
	v62 =	vmov s1;
	v1 =	vmul.f32 v1, v23  }
0x1fd: {  	v41 =	vsub.f32 v41, v3;
	v63 =	vshrl.u32 v62, $0x1;
	v57 =	vmul.f32 $-5.000000000e-01, v62  }
0x1fe: {  	v42 =	vsub.f32 v42, v3;
	v8 =	vmul.f32 v61, v8;
	v61 =	vsub.s32 $0x5F3759DF, v63  }
0x1ff: {  	v62 =	vsub.f32 v38, v3;
	v3 =	vsub.f32 v40, v3;
	v57 =	vmul.f32 v61, v57  }
0x200: {  	v7 =	vmul.f32 v47, v7;
	v47 =	vmul.f32 v48, v41;
	v41 =	vmov s19;
	s5 =	spop (v2sf)  }
0x201: {  	v6 =	vmul.f32 v59, v58;
	v48 =	vsub.f32 v46, v41;
	v63 =	vmul.f32 v61, v57;
	s1 =	smul.f32 $7.812500000e-03, s5  }
0x202: {  	v10 =	vmul.f32 v10, v11;
	v44 =	vsub.f32 v44, v41;
	v45 =	vsub.f32 v45, v41  }
0x203: {  	v11 =	vmul.f32 v53, v62;
	v53 =	vsub.f32 v39, v41;
	v38 =	vadd.f32 $1.500000000e+00, v63;
	s20 =	spop (v2sf);
	s5 =	smul.f32 s1, s1  }
0x204: {  	v42 =	vmul.f32 v49, v42;
	v34 =	vsub.f32 v34, v41;
	v36 =	vsub.f32 v36, v41;
	s19 =	smul.f32 $7.812500000e-03, s20  }
0x205: {  	v33 =	vsub.f32 v33, v41;
	v6 =	vadd.f32 v6, v32;
	v9 =	vmul.f32 v61, v38  }
0x206: {  	v1 =	vmul.f32 v1, v3;
	v8 =	vadd.f32 v8, v25;
	v10 =	vadd.f32 v10, v26;
	s5 =	ssub.f32 s19, s5  }
0x207: {  	[tilespmem:s24+$0xD030] =	vst v60;
	v7 =	vadd.f32 v7, v27;
	v40 =	vadd.f32 v47, v28;
	v49 =	vmul.f32 v9, v24  }
0x208: {  	[tilespmem:s24+$0xD040] =	vst v4;
	v3 =	vadd.f32 v42, v29;
	v46 =	vmul.f32 v9, v17;
	v4 =	vmul.f32 v9, v18;
	s5 =	sadd.f32 $9.999999960e-13, s5  }
0x209: {  	[tilespmem:s24+$0xD060] =	vst v5;
	v11 =	vadd.f32 v11, v30;
	v47 =	vmul.f32 v9, v19;
	v58 =	vmul.f32 v9, v20  }
0x20a: {  	[tilespmem:s24+$0xD050] =	vst v2;
	v60 =	vmul.f32 v9, v21;
	v61 =	vmul.f32 v9, v22;
	v57 =	vmov s5  }
0x20b: {  	[tilespmem:s30+$0xD070] =	vst v6;
	v62 =	vmul.f32 v9, v23;
	v59 =	vshrl.u32 v57, $0x1;
	v39 =	vmul.f32 $-5.000000000e-01, v57  }
0x20c: {  	[tilespmem:s30+$0xD000] =	vst v8;
	v2 =	vmul.f32 v49, v48;
	v44 =	vmul.f32 v46, v44;
	v42 =	vsub.s32 $0x5F3759DF, v59  }
0x20d: {  	v1 =	vadd.f32 v1, v31;
	[tilespmem:s30+$0xD010] =	vst v10;
	v4 =	vmul.f32 v4, v45;
	v63 =	vmul.f32 v42, v39  }
0x20e: {  	[tilespmem:s30+$0xD040] =	vst v3;
	v45 =	vsub.f32 v35, v41;
	v46 =	vmul.f32 v47, v53;
	v3 =	vmul.f32 v58, v34  }
0x20f: {  	[tilespmem:s30+$0xD020] =	vst v7;
	v6 =	vmul.f32 v60, v36;
	v2 =	vadd.f32 v2, v32;
	v9 =	vmul.f32 v42, v63  }
0x210: {  	[tilespmem:s30+$0xD030] =	vst v40;
	v10 =	vadd.f32 v44, v25;
	v4 =	vadd.f32 v4, v26;
	v7 =	vmul.f32 v61, v45  }
0x211: {  	[tilespmem:s30+$0xD050] =	vst v11;
	v49 =	vadd.f32 v46, v27;
	v53 =	vmov s1;
	v47 =	vadd.f32 $1.500000000e+00, v9  }
0x212: {  	[tilespmem:s30+$0xD060] =	vst v1;
	v1 =	vadd.f32 v3, v28;
	v3 =	vmul.f32 v62, v33;
	v62 =	vsub.f32 v43, v53  }
0x213: {  	v41 =	vsub.f32 v51, v53;
	[tilespmem:s4+$0xD070] =	vst v2;
	v2 =	vadd.f32 v6, v29;
	v5 =	vmul.f32 v42, v47  }
0x214: {  	v7 =	vadd.f32 v7, v30;
	[tilespmem:s4+$0xD000] =	vst v10;
	v3 =	vadd.f32 v3, v31  }
0x215: {  	[tilespmem:s4+$0xD030] =	vst v1;
	v1 =	vsub.f32 v37, v53;
	v57 =	vsub.f32 v56, v53;
	v58 =	vmul.f32 v5, v24  }
0x216: {  	v6 =	vsub.f32 v55, v53;
	[tilespmem:s4+$0xD040] =	vst v2;
	v2 =	vsub.f32 v54, v53;
	v59 =	vmul.f32 v5, v17  }
0x217: {  	[tilespmem:s4+$0xD060] =	vst v3;
	v3 =	vsub.f32 v50, v53;
	v60 =	vmul.f32 v5, v18;
	v8 =	vmul.f32 v58, v57  }
0x218: {  	[tilespmem:s4+$0xD010] =	vst v4;
	v39 =	vsub.f32 v52, v53;
	v61 =	vmul.f32 v5, v19;
	v9 =	vmul.f32 v59, v62  }
0x219: {  	[tilespmem:s4+$0xD020] =	vst v49;
	v63 =	vmul.f32 v5, v20;
	v1 =	vmul.f32 v60, v1;
	v38 =	vadd.f32 v8, v32  }
0x21a: {  	[tilespmem:s4+$0xD050] =	vst v7;
	v36 =	vmul.f32 v5, v21;
	v2 =	vmul.f32 v61, v2;
	v40 =	vadd.f32 v9, v25  }
0x21b: {  	v37 =	vmul.f32 v5, v22;
	v42 =	vmul.f32 v63, v39;
	v1 =	vadd.f32 v1, v26;
	[tilespmem:s10+$0xD070] =	vst v38  }
0x21c: {  	v5 =	vmul.f32 v5, v23;
	v3 =	vmul.f32 v36, v3;
	v2 =	vadd.f32 v2, v27;
	[tilespmem:s10+$0xD000] =	vst v40  }
0x21d: {  	v43 =	vmul.f32 v37, v41;
	v7 =	vadd.f32 v42, v28;
	[tilespmem:s10+$0xD010] =	vst v1  }
0x21e: {  	v1 =	vmul.f32 v5, v6;
	[tilespmem:s10+$0xD020] =	vst v2;
	v2 =	vadd.f32 v3, v29  }
0x21f: {  	s20 =	rddreg [dreg:$0x10];
	s19 =	sshll.u32 s3, $0xF;
	[tilespmem:s10+$0xD030] =	vst v7;
	v3 =	vadd.f32 v43, v30  }
0x220: {  	s1 =	sadd.s32 s20, s19;
	v1 =	vadd.f32 v1, v31;
	[tilespmem:s10+$0xD040] =	vst v2  }
0x221: {  	s24 =	rddreg [dreg:$0x4];
	s1 =	sshrl.u32 s1, $0x3;
	[tilespmem:s10+$0xD050] =	vst v3  }
0x222: {  	s30 =	simm.s32 $0x9C00;
	s1 =	sadd.s32 s24, s1;
	[tilespmem:s10+$0xD060] =	vst v1  }
0x223: {  	[hbm4b:s1+s6] =	stream.linear.scatter [tilespmem:s30], [sflag:$0x9], $0x4000, $0x38;
	[tilespmem:$0x12880] =	vst v63  }
0x224: {  	_ =	swait.ge [sflag:s0], $0x80  }
0x225: {  	s5 =	sor.u32 $0x20, s22;
	[sflag:s0] =	ssyncset.done $0x0  }
0x226: {  	v47 =	vor.u32 s5, v0;
	[sflag:s0] =	ssyncadd.s32 $0xFFFFFF80  }
0x227: {  	s19 =	sor.u32 $0x40, s22;
	v48 =	vmulhi.u32 $0x147AE15, v47;
	v1 =	vor.u32 s22, v0;
	_ =	swait.ge [sflag:s2], $0x80  }
0x228: {  	s20 =	sor.u32 $0x50, s22;
	v55 =	vor.u32 s19, v0;
	v2 =	vmulhi.u32 $0x147AE15, v1;
	[sflag:s2] =	ssyncset.done $0x0  }
0x229: {  	s4 =	sor.u32 $0x10, s22;
	s24 =	sor.u32 $0x60, s22;
	v56 =	vmulhi.u32 $0x147AE15, v55;
	[sflag:s2] =	ssyncadd.s32 $0xFFFFFF80  }
0x22a: {  	v49 =	vmul.u32 $0xC8, v48;
	v3 =	vor.u32 s4, v0;
	v2 =	vmul.u32 $0xC8, v2;
	[tilespmem:s26], [sflag:$0x5] =	stream.indirect.gather [hbm4b:s21+s25], $0x80, s29, s25, $0xb8;
	[tilespmem:$0x12880] =	vst v63  }
0x22b: {  	v57 =	vor.u32 s20, v0;
	v60 =	vor.u32 s24, v0;
	v45 =	vmulhi.u32 $0x147AE15, v3;
	v44 =	vld [tilespmem:$0x1A00]  }
0x22c: {  	v52 =	vsub.s32 v47, v49;
	v59 =	vmulhi.u32 $0x147AE15, v57;
	s10 =	sor.u32 $0x30, s22;
	v1 =	vsub.s32 v1, v2;
	v2 =	vld [tilespmem:$0x1A20]  }
0x22d: {  	v62 =	vmulhi.u32 $0x147AE15, v60;
	v5 =	vmul.u32 $0xC8, v45;
	v50 =	vor.u32 s10, v0;
	s30 =	sor.u32 $0x70, s22;
	v46 =	vld [tilespmem:$0x1A10]  }
0x22e: {  	v4 =	vshll.u32 v52, $0x1;
	v51 =	vmulhi.u32 $0x147AE15, v50;
	v63 =	vor.u32 s30, v0  }
0x22f: {  	v40 =	vmul.u32 $0xC8, v59;
	v3 =	vsub.s32 v3, v5;
	v42 =	vmulhi.u32 $0x147AE15, v63;
	v53 =	vld [tilespmem:$0x1A30]  }
0x230: {  	v3 =	vshll.u32 v3, $0x1;
	v54 =	vmul.u32 $0xC8, v51;
	v1 =	vshll.u32 v1, $0x1;
	v58 =	vld [tilespmem:$0x1A40]  }
0x231: {  	v61 =	vld [tilespmem:$0x1A50];
	v1 =	vadd.s32 v1, v44;
	v2 =	vadd.s32 v4, v2;
	v4 =	vmul.u32 $0xC8, v56  }
0x232: {  	v43 =	vmul.u32 $0xC8, v62;
	v6 =	vsub.s32 v50, v54;
	v41 =	vld [tilespmem:$0x1A60];
	v3 =	vadd.s32 v3, v46;
	[tilespmem:$0x1B00] =	vst v1  }
0x233: {  	v45 =	vmul.u32 $0xC8, v42;
	v44 =	vld [tilespmem:$0x1A70];
	v1 =	vshll.u32 v6, $0x1;
	[tilespmem:$0x1B10] =	vst v3;
	v3 =	vsub.s32 v55, v4  }
0x234: {  	[tilespmem:$0x1B20] =	vst v2;
	v1 =	vadd.s32 v1, v53;
	v2 =	vshll.u32 v3, $0x1;
	v3 =	vsub.s32 v57, v40  }
0x235: {  	[tilespmem:$0x1B30] =	vst v1;
	v1 =	vadd.s32 v2, v58;
	v2 =	vshll.u32 v3, $0x1;
	v3 =	vsub.s32 v60, v43  }
0x236: {  	[tilespmem:$0x1B40] =	vst v1;
	v1 =	vadd.s32 v2, v61;
	v2 =	vshll.u32 v3, $0x1;
	v3 =	vsub.s32 v63, v45  }
0x237: {  	[tilespmem:$0x1B50] =	vst v1;
	v1 =	vadd.s32 v2, v41;
	v2 =	vshll.u32 v3, $0x1  }
0x238: {  	[tilespmem:$0x1B60] =	vst v1;
	v1 =	vadd.s32 v2, v44  }
0x239: {  	[tilespmem:$0x1B70] =	vst v1  }
0x23a: {  	s4 =	smin.u32 s18, $0x2E;
	_ =	swait.ge [sflag:s9], $0x4000  }
0x23b: {  	s1 =	sshll.u32 s4, $0x7;
	s5 =	rddreg [dreg:$0x11]  }
0x23c: {  	s18 =	sadd.s32 s1, s5  }
0x23d: {  	[sflag:s9] =	ssyncset.done $0x0;
	s1 =	sshrl.u32 s18, $0x3  }
0x23e: {  	[sflag:s9] =	ssyncadd.s32 $0xFFFFC000;
	s10 =	sadd.s32 s7, s1  }
0x23f: {  	[tilespmem:s31], [sflag:$0x2] =	stream.linear.gather [hbm4b:s10+s6], $0x80, $0x38;
	[tilespmem:$0x12880] =	vst v63  }
0x240: {  	s19 =	simm.s32 $0x1A80;
	s1 =	sadd.s32 s8, s1  }
0x241: {  	[tilespmem:s19], [sflag:$0x4] =	stream.linear.gather [hbm4b:s1+s6], $0x80, $0x38;
	[tilespmem:$0x12880] =	vst v63  }
0x242: {  	s1 =	simm.s32 @!p0 $0xA  }
0x243: {  	_ =	swait.ge @!p0 [sflag:s1], $0x4000  }
0x244: {  	[sflag:s1] =	ssyncset.done @!p0 $0x0  }
0x245: {  	s22 =	simm.s32 $0x0;
	[sflag:s1] =	ssyncadd.s32 @!p0 $0xFFFFC000  }
0x246: {  	v1 =	vld [tilespmem:s22+$0x5C00]  }
0x247: {  	v2 =	vld [tilespmem:s22+$0x5C10]  }
0x248: {  	v50 =	vld [tilespmem:s22+$0x5C20]  }
0x249: {  	v51 =	vld [tilespmem:s22+$0x5C30]  }
0x24a: {  	v57 =	vld [tilespmem:s22+$0x5C40]  }
0x24b: {  	v55 =	vld [tilespmem:s22+$0x5C50]  }
0x24c: {  	v56 =	vld [tilespmem:s22+$0x5C60]  }
0x24d: {  	v3 =	vld [tilespmem:s22+$0x5C70];
	_ =	sdelay $0x2  }
0x24e: {  	v46 =	vadd.f32 v2, v1;
	v47 =	vadd.f32 v51, v50;
	v49 =	vmul.f32 v1, v1  }
0x24f: {  	v48 =	vadd.f32 v55, v57;
	v52 =	vmul.f32 v2, v2;
	v53 =	vmul.f32 v50, v50  }
0x250: {  	v54 =	vmul.f32 v51, v51;
	v58 =	vadd.f32 v3, v56;
	v59 =	vmul.f32 v57, v57  }
0x251: {  	v60 =	vmul.f32 v55, v55;
	v61 =	vmul.f32 v56, v56  }
0x252: {  	v62 =	vmul.f32 v3, v3;
	v4 =	vadd.f32 v47, v46;
	v6 =	vadd.f32 v58, v48  }
0x253: {  	v7 =	vadd.f32 v52, v49;
	v63 =	vadd.f32 v54, v53  }
0x254: {  	v33 =	vadd.f32 v60, v59;
	v5 =	vadd.f32 v62, v61  }
0x255: {  	v4 =	vadd.f32 v6, v4  }
0x256: {  	v34 =	vadd.f32 v63, v7;
	v5 =	vadd.f32 v5, v33  }
0x257: {  	(xrf2) =	vadd.scan.msk.f32 $0xffff, v4  }
0x258: {  	v35 =	vadd.f32 v5, v34;
	_ =	sdelay $0x1  }
0x259: {  	s24 =	simm.s32 $0x80;
	(xrf2) =	vadd.scan.msk.f32 $0xffff, v35  }
0x25a: {  	v41 =	vld [tilespmem:s24+$0x5C30]  }
0x25b: {  	v42 =	vld [tilespmem:s24+$0x5C40]  }
0x25c: {  	v38 =	vld [tilespmem:s24+$0x5C50]  }
0x25d: {  	v40 =	vld [tilespmem:s24+$0x5C60]  }
0x25e: {  	v48 =	vld [tilespmem:s24+$0x5C00]  }
0x25f: {  	v49 =	vld [tilespmem:s24+$0x5C10]  }
0x260: {  	v53 =	vld [tilespmem:s24+$0x5C20];
	v36, _, _ =	vpop (xrf2)  }
0x261: {  	v47 =	vld [tilespmem:s24+$0x5C70];
	(v2sf) =	vpush v36, $0xF;
	_ =	sdelay $0x1  }
0x262: {  	v44 =	vadd.f32 v38, v42;
	v37, _, _ =	vpop (xrf2)  }
0x263: {  	v54 =	vmul.f32 v41, v41;
	v59 =	vmul.f32 v42, v42;
	(v2sf) =	vpush v37, $0xF  }
0x264: {  	v60 =	vmul.f32 v38, v38;
	v61 =	vmul.f32 v40, v40;
	v39 =	vadd.f32 v49, v48  }
0x265: {  	v43 =	vadd.f32 v41, v53;
	v45 =	vmul.f32 v48, v48;
	v58 =	vadd.f32 v47, v40  }
0x266: {  	v46 =	vmul.f32 v49, v49;
	v52 =	vmul.f32 v53, v53  }
0x267: {  	v62 =	vmul.f32 v47, v47;
	v4 =	vadd.f32 v43, v39;
	v6 =	vadd.f32 v58, v44  }
0x268: {  	v7 =	vadd.f32 v46, v45;
	v63 =	vadd.f32 v54, v52  }
0x269: {  	v5 =	vadd.f32 v62, v61;
	v36 =	vadd.f32 v60, v59  }
0x26a: {  	v4 =	vadd.f32 v6, v4  }
0x26b: {  	v37 =	vadd.f32 v63, v7;
	v5 =	vadd.f32 v5, v36  }
0x26c: {  	(xrf2) =	vadd.scan.msk.f32 $0xffff, v4  }
0x26d: {  	s4 =	simm.s32 $0x100;
	v39 =	vadd.f32 v5, v37  }
0x26e: {  	v33 =	vld [tilespmem:s4+$0x5C60]  }
0x26f: {  	v34 =	vld [tilespmem:s4+$0x5C30];
	(xrf2) =	vadd.scan.msk.f32 $0xffff, v39;
	s20 =	spop (v2sf)  }
0x270: {  	v35 =	vld [tilespmem:s4+$0x5C50];
	s1 =	smul.f32 $7.812500000e-03, s20  }
0x271: {  	v44 =	vld [tilespmem:s4+$0x5C00]  }
0x272: {  	v45 =	vld [tilespmem:s4+$0x5C10];
	s19 =	spop (v2sf);
	s30 =	smul.f32 s1, s1  }
0x273: {  	v46 =	vld [tilespmem:s4+$0x5C70];
	s10 =	smul.f32 $7.812500000e-03, s19  }
0x274: {  	v36 =	vld [tilespmem:s4+$0x5C40]  }
0x275: {  	s5 =	ssub.f32 s10, s30  }
0x276: {  	v52, _, _ =	vpop (xrf2)  }
0x277: {  	v9 =	vmul.f32 v45, v45;
	(v2sf) =	vpush v52, $0xF;
	s5 =	sadd.f32 $9.999999960e-13, s5  }
0x278: {  	v61 =	vadd.f32 v46, v33;
	v60 =	vmul.f32 v34, v34;
	v7 =	vmul.f32 v44, v44;
	v39 =	vld [tilespmem:s4+$0x5C20]  }
0x279: {  	v63 =	vmul.f32 v35, v35;
	v6 =	vadd.f32 v35, v36;
	v58, _, _ =	vpop (xrf2);
	v54 =	vmov s5  }
0x27a: {  	(v2sf) =	vpush v58, $0xF;
	v59 =	vshrl.u32 v54, $0x1;
	v8 =	vmul.f32 $-5.000000000e-01, v54  }
0x27b: {  	v5 =	vadd.f32 v45, v44;
	v7 =	vadd.f32 v9, v7;
	v10 =	vsub.s32 $0x5F3759DF, v59  }
0x27c: {  	v62 =	vmul.f32 v36, v36;
	v6 =	vadd.f32 v61, v6;
	v8 =	vmul.f32 v10, v8  }
0x27d: {  	v4 =	vadd.f32 v34, v39;
	v37 =	vmul.f32 v39, v39;
	v58 =	vmul.f32 v33, v33  }
0x27e: {  	v61 =	vadd.f32 v63, v62;
	v59 =	vmul.f32 v46, v46;
	v8 =	vmul.f32 v10, v8  }
0x27f: {  	v4 =	vadd.f32 v4, v5;
	v60 =	vadd.f32 v60, v37  }
0x280: {  	v5 =	vadd.f32 v59, v58;
	v8 =	vadd.f32 $1.500000000e+00, v8  }
0x281: {  	v4 =	vadd.f32 v6, v4  }
0x282: {  	v7 =	vadd.f32 v60, v7;
	v5 =	vadd.f32 v5, v61;
	v6 =	vmul.f32 v10, v8  }
0x283: {  	(xrf2) =	vadd.scan.msk.f32 $0xffff, v4;
	v4 =	vmov s1  }
0x284: {  	v3 =	vsub.f32 v3, v4;
	s10 =	simm.s32 $0x180;
	v5 =	vadd.f32 v5, v7;
	v8 =	vmul.f32 v6, v24  }
0x285: {  	v1 =	vsub.f32 v1, v4;
	v43 =	vld [tilespmem:s10+$0x5C00];
	v62 =	vmul.f32 v6, v17;
	v9 =	vmul.f32 v6, v18  }
0x286: {  	v2 =	vsub.f32 v2, v4;
	v37 =	vld [tilespmem:s10+$0x5C10];
	s20 =	spop (v2sf);
	(xrf2) =	vadd.scan.msk.f32 $0xffff, v5;
	v63 =	vmul.f32 v6, v20;
	v60 =	vmul.f32 v6, v21  }
0x287: {  	v52 =	vld [tilespmem:s10+$0x5C30];
	s5 =	smul.f32 $7.812500000e-03, s20;
	v10 =	vsub.f32 v50, v4;
	v3 =	vmul.f32 v8, v3;
	v1 =	vmul.f32 v62, v1  }
0x288: {  	v54 =	vld [tilespmem:s10+$0x5C20];
	v61 =	vmul.f32 v6, v22;
	v8 =	vmul.f32 v6, v19;
	v62 =	vsub.f32 v51, v4  }
0x289: {  	s30 =	spop (v2sf);
	v50 =	vld [tilespmem:s10+$0x5C40];
	s1 =	smul.f32 s5, s5;
	v2 =	vmul.f32 v9, v2;
	v3 =	vadd.f32 v3, v32;
	v1 =	vadd.f32 v1, v25  }
0x28a: {  	v57 =	vsub.f32 v57, v4;
	s19 =	smul.f32 $7.812500000e-03, s30;
	v6 =	vmul.f32 v6, v23;
	v51 =	vld [tilespmem:s10+$0x5C50];
	v8 =	vmul.f32 v8, v10  }
0x28b: {  	v63 =	vmul.f32 v63, v62;
	v2 =	vadd.f32 v2, v26;
	[tilespmem:s22+$0xDC70] =	vst v3;
	v3 =	vsub.f32 v55, v4  }
0x28c: {  	s1 =	ssub.f32 s19, s1;
	v58 =	vmul.f32 v60, v57;
	v62 =	vadd.f32 v37, v43;
	v4 =	vsub.f32 v56, v4  }
0x28d: {  	v60 =	vadd.f32 v63, v28;
	v55 =	vld [tilespmem:s10+$0x5C60];
	[tilespmem:s22+$0xDC00] =	vst v1;
	v57 =	vmul.f32 v61, v3;
	v1, _, _ =	vpop (xrf2);
	v3 =	vadd.f32 v8, v27  }
0x28e: {  	s19 =	sadd.f32 $9.999999960e-13, s1;
	v63 =	vmul.f32 v43, v43;
	v56 =	vld [tilespmem:s10+$0x5C70];
	v59 =	vmul.f32 v6, v4;
	[tilespmem:s22+$0xDC10] =	vst v2;
	(v2sf) =	vpush v1, $0xF  }
0x28f: {  	s1 =	simm.s32 $0x800;
	v2 =	vadd.f32 v52, v54;
	v61 =	vmov v37;
	v1 =	vadd.f32 v51, v50;
	[tilespmem:s22+$0xDC20] =	vst v3  }
.LBB2_9:
0x290: {  	p0 =	sne.s32 s1, $0xCE00;
	v3 =	vmul.f32 v61, v37;
	v4 =	vmul.f32 v54, v54;
	v5, _, _ =	vpop (xrf2);
	v6 =	vmov s19;
	[tilespmem:s22+$0xDC30] =	vst v60  }
0x291: {  	v7 =	vmovc v39;
	v39 =	vmovc v54;
	(v2sf) =	vpush v5, $0xF;
	v5 =	vshrl.u32 v6, $0x1;
	v6 =	vmul.f32 $-5.000000000e-01, v6  }
0x292: {  	v8 =	vmul.f32 v52, v52;
	v9 =	vmul.f32 v50, v50;
	v10 =	vmovc v41;
	v41 =	vmovc v34;
	v5 =	vsub.s32 $0x5F3759DF, v5  }
0x293: {  	v54 =	vmul.f32 v51, v51;
	v34 =	vmovc v52;
	v11 =	vadd.f32 v56, v55;
	v6 =	vmul.f32 v5, v6  }
0x294: {  	v2 =	vadd.f32 v2, v62;
	v62 =	vmovc v42;
	v52 =	vmul.f32 v55, v55;
	v61 =	vmul.f32 v56, v56  }
0x295: {  	v42 =	vmovc v36;
	v3 =	vadd.f32 v3, v63;
	v1 =	vadd.f32 v11, v1;
	v6 =	vmul.f32 v5, v6  }
0x296: {  	v36 =	vmovc v50;
	v4 =	vadd.f32 v8, v4;
	v8 =	vadd.f32 v54, v9;
	v9 =	vmovc v38;
	v38 =	vmov v35  }
0x297: {  	v60 =	vmovc v40;
	v40 =	vmovc v33;
	v35 =	vmov v51;
	v11 =	vadd.f32 v61, v52;
	v6 =	vadd.f32 $1.500000000e+00, v6  }
0x298: {  	v50 =	vmovc v47;
	v47 =	vmovc v46;
	v33 =	vmov v55;
	v1 =	vadd.f32 v1, v2;
	v2 =	vadd.f32 v58, v29  }
0x299: {  	v46 =	vmovc v56;
	v3 =	vadd.f32 v4, v3;
	v4 =	vadd.f32 v11, v8;
	v5 =	vmul.f32 v5, v6  }
0x29a: {  	v8 =	vadd.f32 v59, v31;
	v6 =	vadd.f32 v57, v30;
	(xrf2) =	vadd.scan.msk.f32 $0xffff, v1;
	v1 =	vmov s5  }
0x29b: {  	s19 =	sshra.s32 s1, $0x2;
	v3 =	vadd.f32 v4, v3;
	v4 =	vsub.f32 v50, v1;
	v11 =	vmul.f32 v5, v24;
	[tilespmem:s22+$0xDC40] =	vst v2  }
0x29c: {  	v2 =	vsub.f32 v48, v1;
	v51 =	vmul.f32 v5, v17;
	v55 =	vmul.f32 v5, v18;
	v63 =	vld [tilespmem:s19+$0x5C00];
	[tilespmem:s22+$0xDC50] =	vst v6  }
0x29d: {  	v6 =	vmul.f32 v5, v19;
	v61 =	vld [tilespmem:s19+$0x5C10];
	(xrf2) =	vadd.scan.msk.f32 $0xffff, v3;
	s5 =	spop (v2sf);
	v3 =	vsub.f32 v49, v1;
	v4 =	vmul.f32 v11, v4  }
0x29e: {  	v11 =	vsub.f32 v53, v1;
	v49 =	vmul.f32 v5, v20;
	v53 =	vmul.f32 v5, v21;
	v54 =	vld [tilespmem:s19+$0x5C20];
	s5 =	smul.f32 $7.812500000e-03, s5;
	[tilespmem:s22+$0xDC60] =	vst v8;
	s22 =	smov.u32 s24;
	s24 =	smov.u32 s4  }
0x29f: {  	v48 =	vmovc v44;
	v8 =	vmul.f32 v5, v22;
	v5 =	vmul.f32 v5, v23;
	s4 =	smov.u32 s10;
	s10 =	smov.u32 s19;
	v52 =	vld [tilespmem:s19+$0x5C30];
	v4 =	vadd.f32 v4, v32  }
0x2a0: {  	v10 =	vsub.f32 v10, v1;
	v56 =	vsub.f32 v62, v1;
	v44 =	vmovc v43;
	v2 =	vmul.f32 v51, v2;
	v50 =	vld [tilespmem:s10+$0x5C40];
	s19 =	smul.f32 s5, s5;
	s20 =	spop (v2sf)  }
0x2a1: {  	v9 =	vsub.f32 v9, v1;
	v1 =	vsub.f32 v60, v1;
	v3 =	vmul.f32 v55, v3;
	v51 =	vld [tilespmem:s10+$0x5C50];
	s20 =	smul.f32 $7.812500000e-03, s20;
	[tilespmem:s22+$0xDC70] =	vst v4  }
.Ltmp3:
0x2a2: {  	v2 =	vadd.f32 v2, v25;
	v4 =	vmul.f32 v6, v11;
	v6 =	vmul.f32 v49, v10;
	v43 =	vmovc v63;
	(pc) =	sbr.rel @p0 .LBB2_9-.Ltmp3, $4  }
0x2a3: {  	v58 =	vmul.f32 v53, v56;
	v57 =	vmul.f32 v8, v9;
	v3 =	vadd.f32 v3, v26;
	v49 =	vmovc v45;
	s19 =	ssub.f32 s20, s19  }
0x2a4: {  	v59 =	vmul.f32 v5, v1;
	v4 =	vadd.f32 v4, v27;
	v60 =	vadd.f32 v6, v28;
	v55 =	vld [tilespmem:s10+$0x5C60];
	v8, _, _ =	vpop (xrf2);
	[tilespmem:s22+$0xDC00] =	vst v2  }
0x2a5: {  	v45 =	vmovc v37;
	v53 =	vmovc v7;
	v62 =	vadd.f32 v61, v43;
	v37 =	vmov v61;
	v56 =	vld [tilespmem:s10+$0x5C70];
	(v2sf) =	vpush v8, $0xF;
	s19 =	sadd.f32 $9.999999960e-13, s19;
	[tilespmem:s22+$0xDC10] =	vst v3  }
0x2a6: {  	s1 =	sadd.s32 $0x200, s1;
	v63 =	vmul.f32 v63, v43;
	v2 =	vadd.f32 v52, v54;
	v1 =	vadd.f32 v51, v50;
	[tilespmem:s22+$0xDC20] =	vst v4  }
0x2a7: {  	_ = 	snop  }
0x2a8: {  	v3 =	vmul.f32 v61, v37;
	v4 =	vmul.f32 v54, v54  }
0x2a9: {  	v5 =	vmul.f32 v52, v52;
	v7 =	vmul.f32 v50, v50  }
0x2aa: {  	v8 =	vmul.f32 v51, v51;
	v2 =	vadd.f32 v2, v62;
	v6 =	vadd.f32 v56, v55  }
0x2ab: {  	v9 =	vmul.f32 v55, v55;
	v3 =	vadd.f32 v3, v63;
	v10 =	vmul.f32 v56, v56  }
0x2ac: {  	v4 =	vadd.f32 v5, v4;
	v1 =	vadd.f32 v6, v1  }
0x2ad: {  	v63 =	vadd.f32 v8, v7;
	v10 =	vadd.f32 v10, v9  }
0x2ae: {  	v1 =	vadd.f32 v1, v2  }
0x2af: {  	v11, _, _ =	vpop (xrf2);
	v2 =	vadd.f32 v4, v3;
	v3 =	vadd.f32 v10, v63  }
0x2b0: {  	(v2sf) =	vpush v11, $0xF;
	(xrf2) =	vadd.scan.msk.f32 $0xffff, v1  }
0x2b1: {  	v1 =	vadd.f32 v3, v2;
	_ =	sdelay $0x1  }
0x2b2: {  	(xrf2) =	vadd.scan.msk.f32 $0xffff, v1;
	_ =	sdelay $0x3  }
0x2b3: {  	v1 =	vmov s19  }
0x2b4: {  	v2 =	vshrl.u32 v1, $0x1;
	v1 =	vmul.f32 $-5.000000000e-01, v1  }
0x2b5: {  	v2 =	vsub.s32 $0x5F3759DF, v2  }
0x2b6: {  	v1 =	vmul.f32 v2, v1;
	v3, _, _ =	vpop (xrf2)  }
0x2b7: {  	(v2sf) =	vpush v3, $0xF  }
0x2b8: {  	s1 =	spop (v2sf);
	v1 =	vmul.f32 v2, v1  }
0x2b9: {  	s19 =	smul.f32 $7.812500000e-03, s1;
	v3, _, _ =	vpop (xrf2)  }
0x2ba: {  	v1 =	vadd.f32 $1.500000000e+00, v1;
	(v2sf) =	vpush v3, $0xF  }
0x2bb: {  	s30 =	spop (v2sf);
	s20 =	smul.f32 s19, s19  }
0x2bc: {  	v5 =	vadd.f32 v59, v31;
	s1 =	smul.f32 $7.812500000e-03, s30;
	v1 =	vmul.f32 v2, v1  }
0x2bd: {  	v4 =	vadd.f32 v58, v29;
	v2 =	vadd.f32 v57, v30  }
0x2be: {  	s1 =	ssub.f32 s1, s20;
	v3 =	vmov s5;
	v59 =	vmul.f32 v1, v24;
	v61 =	vmul.f32 v1, v17  }
0x2bf: {  	v10 =	vmul.f32 v1, v18;
	v58 =	vsub.f32 v47, v3;
	v8 =	vsub.f32 v48, v3  }
0x2c0: {  	s1 =	sadd.f32 $9.999999960e-13, s1;
	v11 =	vsub.f32 v49, v3;
	v47 =	vmul.f32 v1, v19;
	v48 =	vmul.f32 v1, v20  }
0x2c1: {  	v7 =	vsub.f32 v53, v3;
	v49 =	vmul.f32 v1, v21;
	v53 =	vmul.f32 v1, v22  }
0x2c2: {  	v62 =	vmov s1;
	v1 =	vmul.f32 v1, v23;
	v41 =	vsub.f32 v41, v3  }
0x2c3: {  	v42 =	vsub.f32 v42, v3;
	v63 =	vshrl.u32 v62, $0x1;
	v57 =	vmul.f32 $-5.000000000e-01, v62  }
0x2c4: {  	v62 =	vsub.f32 v38, v3;
	v8 =	vmul.f32 v61, v8;
	v61 =	vsub.s32 $0x5F3759DF, v63  }
0x2c5: {  	v3 =	vsub.f32 v40, v3;
	v10 =	vmul.f32 v10, v11;
	v57 =	vmul.f32 v61, v57  }
0x2c6: {  	v7 =	vmul.f32 v47, v7;
	v47 =	vmul.f32 v48, v41;
	v41 =	vmov s19;
	s5 =	spop (v2sf)  }
0x2c7: {  	v48 =	vsub.f32 v46, v41;
	v44 =	vsub.f32 v44, v41;
	v63 =	vmul.f32 v61, v57;
	s1 =	smul.f32 $7.812500000e-03, s5  }
0x2c8: {  	v11 =	vmul.f32 v53, v62;
	v45 =	vsub.f32 v45, v41;
	v53 =	vsub.f32 v39, v41  }
0x2c9: {  	v6 =	vmul.f32 v59, v58;
	v34 =	vsub.f32 v34, v41;
	v38 =	vadd.f32 $1.500000000e+00, v63;
	s30 =	spop (v2sf);
	s20 =	smul.f32 s1, s1  }
0x2ca: {  	v42 =	vmul.f32 v49, v42;
	v36 =	vsub.f32 v36, v41;
	v33 =	vsub.f32 v33, v41;
	s19 =	smul.f32 $7.812500000e-03, s30  }
0x2cb: {  	v6 =	vadd.f32 v6, v32;
	v8 =	vadd.f32 v8, v25;
	v9 =	vmul.f32 v61, v38  }
0x2cc: {  	[tilespmem:s22+$0xDC30] =	vst v60;
	v1 =	vmul.f32 v1, v3;
	v10 =	vadd.f32 v10, v26;
	v7 =	vadd.f32 v7, v27;
	s5 =	ssub.f32 s19, s20  }
0x2cd: {  	[tilespmem:s22+$0xDC60] =	vst v5;
	v40 =	vadd.f32 v47, v28;
	v49 =	vmul.f32 v9, v24;
	v46 =	vmul.f32 v9, v17  }
0x2ce: {  	[tilespmem:s22+$0xDC40] =	vst v4;
	v3 =	vadd.f32 v42, v29;
	v4 =	vmul.f32 v9, v18;
	v47 =	vmul.f32 v9, v19;
	s5 =	sadd.f32 $9.999999960e-13, s5  }
0x2cf: {  	[tilespmem:s22+$0xDC50] =	vst v2;
	v11 =	vadd.f32 v11, v30;
	v58 =	vmul.f32 v9, v20;
	v60 =	vmul.f32 v9, v21  }
0x2d0: {  	[tilespmem:s24+$0xDC70] =	vst v6;
	v61 =	vmul.f32 v9, v22;
	v62 =	vmul.f32 v9, v23;
	v57 =	vmov s5  }
0x2d1: {  	[tilespmem:s24+$0xDC00] =	vst v8;
	v2 =	vmul.f32 v49, v48;
	v59 =	vshrl.u32 v57, $0x1;
	v39 =	vmul.f32 $-5.000000000e-01, v57  }
0x2d2: {  	[tilespmem:s24+$0xDC10] =	vst v10;
	v44 =	vmul.f32 v46, v44;
	v4 =	vmul.f32 v4, v45;
	v42 =	vsub.s32 $0x5F3759DF, v59  }
0x2d3: {  	v1 =	vadd.f32 v1, v31;
	[tilespmem:s24+$0xDC20] =	vst v7;
	v47 =	vmul.f32 v47, v53;
	v63 =	vmul.f32 v42, v39  }
0x2d4: {  	[tilespmem:s24+$0xDC40] =	vst v3;
	v46 =	vsub.f32 v35, v41;
	v3 =	vmul.f32 v58, v34;
	v6 =	vmul.f32 v60, v36  }
0x2d5: {  	[tilespmem:s24+$0xDC30] =	vst v40;
	v2 =	vadd.f32 v2, v32;
	v10 =	vadd.f32 v44, v25;
	v9 =	vmul.f32 v42, v63  }
0x2d6: {  	[tilespmem:s24+$0xDC50] =	vst v11;
	v4 =	vadd.f32 v4, v26;
	v7 =	vmul.f32 v61, v46;
	v53 =	vadd.f32 v47, v27  }
0x2d7: {  	[tilespmem:s24+$0xDC60] =	vst v1;
	v1 =	vadd.f32 v3, v28;
	v3 =	vmul.f32 v62, v33;
	v49 =	vadd.f32 $1.500000000e+00, v9  }
0x2d8: {  	[tilespmem:s4+$0xDC70] =	vst v2;
	v2 =	vadd.f32 v6, v29;
	v7 =	vadd.f32 v7, v30  }
0x2d9: {  	v3 =	vadd.f32 v3, v31;
	v57 =	vmov s1;
	v5 =	vmul.f32 v42, v49  }
0x2da: {  	[tilespmem:s4+$0xDC30] =	vst v1;
	v58 =	vsub.f32 v56, v57;
	v1 =	vsub.f32 v37, v57  }
0x2db: {  	[tilespmem:s4+$0xDC40] =	vst v2;
	v2 =	vsub.f32 v54, v57;
	v41 =	vsub.f32 v52, v57;
	v59 =	vmul.f32 v5, v24  }
0x2dc: {  	[tilespmem:s4+$0xDC60] =	vst v3;
	v3 =	vsub.f32 v50, v57;
	v63 =	vsub.f32 v43, v57;
	v60 =	vmul.f32 v5, v17  }
0x2dd: {  	[tilespmem:s4+$0xDC00] =	vst v10;
	v6 =	vsub.f32 v55, v57;
	v61 =	vmul.f32 v5, v18;
	v8 =	vmul.f32 v59, v58  }
0x2de: {  	[tilespmem:s4+$0xDC10] =	vst v4;
	v43 =	vsub.f32 v51, v57;
	v62 =	vmul.f32 v5, v19;
	v9 =	vmul.f32 v60, v63  }
0x2df: {  	[tilespmem:s4+$0xDC20] =	vst v53;
	v36 =	vmul.f32 v5, v20;
	v1 =	vmul.f32 v61, v1;
	v40 =	vadd.f32 v8, v32  }
0x2e0: {  	[tilespmem:s4+$0xDC50] =	vst v7;
	v38 =	vmul.f32 v5, v21;
	v2 =	vmul.f32 v62, v2;
	v42 =	vadd.f32 v9, v25  }
0x2e1: {  	v39 =	vmul.f32 v5, v22;
	v44 =	vmul.f32 v36, v41;
	v1 =	vadd.f32 v1, v26;
	[tilespmem:s10+$0xDC70] =	vst v40  }
0x2e2: {  	v5 =	vmul.f32 v5, v23;
	v3 =	vmul.f32 v38, v3;
	v2 =	vadd.f32 v2, v27;
	[tilespmem:s10+$0xDC00] =	vst v42  }
0x2e3: {  	v45 =	vmul.f32 v39, v43;
	v7 =	vadd.f32 v44, v28;
	[tilespmem:s10+$0xDC10] =	vst v1  }
0x2e4: {  	v1 =	vmul.f32 v5, v6;
	[tilespmem:s10+$0xDC20] =	vst v2;
	v2 =	vadd.f32 v3, v29  }
0x2e5: {  	[tilespmem:s10+$0xDC30] =	vst v7;
	v3 =	vadd.f32 v45, v30  }
0x2e6: {  	v1 =	vadd.f32 v1, v31;
	[tilespmem:s10+$0xDC40] =	vst v2  }
0x2e7: {  	[tilespmem:s10+$0xDC50] =	vst v3  }
0x2e8: {  	[tilespmem:s10+$0xDC60] =	vst v1  }
0x2e9: {  	_ =	swait.ge [sflag:s28], $0x4000  }
0x2ea: {  	[sflag:s28] =	ssyncset.done $0x0  }
0x2eb: {  	s22 =	simm.s32 $0x0;
	s19 =	simm.s32 $0x1B00;
	[sflag:s28] =	ssyncadd.s32 $0xFFFFC000  }
0x2ec: {  	[tilespmem:s26], [sflag:$0x7] =	stream.indirect.gather.add.f32 [spmem:s23], $0x80, s19, s25, $0xb8;
	[tilespmem:$0x12880] =	vst v63  }
0x2ed: {  	v1 =	vld [tilespmem:s22+$0x9000]  }
0x2ee: {  	v2 =	vld [tilespmem:s22+$0x9010]  }
0x2ef: {  	v50 =	vld [tilespmem:s22+$0x9020]  }
0x2f0: {  	v51 =	vld [tilespmem:s22+$0x9030]  }
0x2f1: {  	v57 =	vld [tilespmem:s22+$0x9040]  }
0x2f2: {  	v55 =	vld [tilespmem:s22+$0x9050]  }
0x2f3: {  	v56 =	vld [tilespmem:s22+$0x9060]  }
0x2f4: {  	v3 =	vld [tilespmem:s22+$0x9070];
	_ =	sdelay $0x2  }
0x2f5: {  	v46 =	vadd.f32 v2, v1;
	v47 =	vadd.f32 v51, v50;
	v49 =	vmul.f32 v1, v1  }
0x2f6: {  	v48 =	vadd.f32 v55, v57;
	v52 =	vmul.f32 v2, v2;
	v53 =	vmul.f32 v50, v50  }
0x2f7: {  	v54 =	vmul.f32 v51, v51;
	v58 =	vadd.f32 v3, v56;
	v59 =	vmul.f32 v57, v57  }
0x2f8: {  	v60 =	vmul.f32 v55, v55;
	v61 =	vmul.f32 v56, v56  }
0x2f9: {  	v62 =	vmul.f32 v3, v3;
	v4 =	vadd.f32 v47, v46;
	v6 =	vadd.f32 v58, v48  }
0x2fa: {  	v7 =	vadd.f32 v52, v49;
	v63 =	vadd.f32 v54, v53  }
0x2fb: {  	v33 =	vadd.f32 v60, v59;
	v5 =	vadd.f32 v62, v61  }
0x2fc: {  	v4 =	vadd.f32 v6, v4  }
0x2fd: {  	v34 =	vadd.f32 v63, v7;
	v5 =	vadd.f32 v5, v33  }
0x2fe: {  	(xrf2) =	vadd.scan.msk.f32 $0xffff, v4  }
0x2ff: {  	v35 =	vadd.f32 v5, v34;
	_ =	sdelay $0x1  }
0x300: {  	s24 =	simm.s32 $0x80;
	(xrf2) =	vadd.scan.msk.f32 $0xffff, v35  }
0x301: {  	v41 =	vld [tilespmem:s24+$0x9030]  }
0x302: {  	v42 =	vld [tilespmem:s24+$0x9040]  }
0x303: {  	v38 =	vld [tilespmem:s24+$0x9050]  }
0x304: {  	v40 =	vld [tilespmem:s24+$0x9060]  }
0x305: {  	v48 =	vld [tilespmem:s24+$0x9000]  }
0x306: {  	v49 =	vld [tilespmem:s24+$0x9010]  }
0x307: {  	v53 =	vld [tilespmem:s24+$0x9020];
	v36, _, _ =	vpop (xrf2)  }
0x308: {  	v47 =	vld [tilespmem:s24+$0x9070];
	(v2sf) =	vpush v36, $0xF;
	_ =	sdelay $0x1  }
0x309: {  	v44 =	vadd.f32 v38, v42;
	v37, _, _ =	vpop (xrf2)  }
0x30a: {  	v54 =	vmul.f32 v41, v41;
	v59 =	vmul.f32 v42, v42;
	(v2sf) =	vpush v37, $0xF  }
0x30b: {  	v60 =	vmul.f32 v38, v38;
	v61 =	vmul.f32 v40, v40;
	v39 =	vadd.f32 v49, v48  }
0x30c: {  	v43 =	vadd.f32 v41, v53;
	v45 =	vmul.f32 v48, v48;
	v58 =	vadd.f32 v47, v40  }
0x30d: {  	v46 =	vmul.f32 v49, v49;
	v52 =	vmul.f32 v53, v53  }
0x30e: {  	v62 =	vmul.f32 v47, v47;
	v4 =	vadd.f32 v43, v39;
	v6 =	vadd.f32 v58, v44  }
0x30f: {  	v7 =	vadd.f32 v46, v45;
	v63 =	vadd.f32 v54, v52  }
0x310: {  	v5 =	vadd.f32 v62, v61;
	v36 =	vadd.f32 v60, v59  }
0x311: {  	v4 =	vadd.f32 v6, v4  }
0x312: {  	v37 =	vadd.f32 v63, v7;
	v5 =	vadd.f32 v5, v36  }
0x313: {  	(xrf2) =	vadd.scan.msk.f32 $0xffff, v4  }
0x314: {  	s4 =	simm.s32 $0x100;
	v39 =	vadd.f32 v5, v37  }
0x315: {  	v33 =	vld [tilespmem:s4+$0x9060]  }
0x316: {  	v34 =	vld [tilespmem:s4+$0x9030];
	(xrf2) =	vadd.scan.msk.f32 $0xffff, v39;
	s20 =	spop (v2sf)  }
0x317: {  	v35 =	vld [tilespmem:s4+$0x9050];
	s1 =	smul.f32 $7.812500000e-03, s20  }
0x318: {  	v44 =	vld [tilespmem:s4+$0x9000]  }
0x319: {  	v45 =	vld [tilespmem:s4+$0x9010];
	s19 =	spop (v2sf);
	s30 =	smul.f32 s1, s1  }
0x31a: {  	v46 =	vld [tilespmem:s4+$0x9070];
	s10 =	smul.f32 $7.812500000e-03, s19  }
0x31b: {  	v36 =	vld [tilespmem:s4+$0x9040]  }
0x31c: {  	s5 =	ssub.f32 s10, s30  }
0x31d: {  	v52, _, _ =	vpop (xrf2)  }
0x31e: {  	v9 =	vmul.f32 v45, v45;
	(v2sf) =	vpush v52, $0xF;
	s5 =	sadd.f32 $9.999999960e-13, s5  }
0x31f: {  	v61 =	vadd.f32 v46, v33;
	v60 =	vmul.f32 v34, v34;
	v7 =	vmul.f32 v44, v44;
	v39 =	vld [tilespmem:s4+$0x9020]  }
0x320: {  	v63 =	vmul.f32 v35, v35;
	v6 =	vadd.f32 v35, v36;
	v58, _, _ =	vpop (xrf2);
	v54 =	vmov s5  }
0x321: {  	(v2sf) =	vpush v58, $0xF;
	v59 =	vshrl.u32 v54, $0x1;
	v8 =	vmul.f32 $-5.000000000e-01, v54  }
0x322: {  	v5 =	vadd.f32 v45, v44;
	v7 =	vadd.f32 v9, v7;
	v10 =	vsub.s32 $0x5F3759DF, v59  }
0x323: {  	v62 =	vmul.f32 v36, v36;
	v6 =	vadd.f32 v61, v6;
	v8 =	vmul.f32 v10, v8  }
0x324: {  	v4 =	vadd.f32 v34, v39;
	v37 =	vmul.f32 v39, v39;
	v58 =	vmul.f32 v33, v33  }
0x325: {  	v61 =	vadd.f32 v63, v62;
	v59 =	vmul.f32 v46, v46;
	v8 =	vmul.f32 v10, v8  }
0x326: {  	v4 =	vadd.f32 v4, v5;
	v60 =	vadd.f32 v60, v37  }
0x327: {  	v5 =	vadd.f32 v59, v58;
	v8 =	vadd.f32 $1.500000000e+00, v8  }
0x328: {  	v4 =	vadd.f32 v6, v4  }
0x329: {  	v7 =	vadd.f32 v60, v7;
	v5 =	vadd.f32 v5, v61;
	v6 =	vmul.f32 v10, v8  }
0x32a: {  	(xrf2) =	vadd.scan.msk.f32 $0xffff, v4;
	v4 =	vmov s1  }
0x32b: {  	v3 =	vsub.f32 v3, v4;
	s10 =	simm.s32 $0x180;
	v5 =	vadd.f32 v5, v7;
	v8 =	vmul.f32 v6, v24  }
0x32c: {  	v1 =	vsub.f32 v1, v4;
	v43 =	vld [tilespmem:s10+$0x9000];
	v62 =	vmul.f32 v6, v17;
	v9 =	vmul.f32 v6, v18  }
0x32d: {  	v2 =	vsub.f32 v2, v4;
	v37 =	vld [tilespmem:s10+$0x9010];
	s20 =	spop (v2sf);
	(xrf2) =	vadd.scan.msk.f32 $0xffff, v5;
	v63 =	vmul.f32 v6, v20;
	v60 =	vmul.f32 v6, v21  }
0x32e: {  	v52 =	vld [tilespmem:s10+$0x9030];
	s5 =	smul.f32 $7.812500000e-03, s20;
	v10 =	vsub.f32 v50, v4;
	v3 =	vmul.f32 v8, v3;
	v1 =	vmul.f32 v62, v1  }
0x32f: {  	v54 =	vld [tilespmem:s10+$0x9020];
	v61 =	vmul.f32 v6, v22;
	v8 =	vmul.f32 v6, v19;
	v62 =	vsub.f32 v51, v4  }
0x330: {  	s30 =	spop (v2sf);
	v50 =	vld [tilespmem:s10+$0x9040];
	s1 =	smul.f32 s5, s5;
	v2 =	vmul.f32 v9, v2;
	v3 =	vadd.f32 v3, v32;
	v1 =	vadd.f32 v1, v25  }
0x331: {  	v57 =	vsub.f32 v57, v4;
	s19 =	smul.f32 $7.812500000e-03, s30;
	v6 =	vmul.f32 v6, v23;
	v51 =	vld [tilespmem:s10+$0x9050];
	v8 =	vmul.f32 v8, v10  }
0x332: {  	v63 =	vmul.f32 v63, v62;
	v2 =	vadd.f32 v2, v26;
	[tilespmem:s22+$0x11070] =	vst v3;
	v3 =	vsub.f32 v55, v4  }
0x333: {  	s1 =	ssub.f32 s19, s1;
	v58 =	vmul.f32 v60, v57;
	v62 =	vadd.f32 v37, v43;
	v4 =	vsub.f32 v56, v4  }
0x334: {  	v60 =	vadd.f32 v63, v28;
	v55 =	vld [tilespmem:s10+$0x9060];
	[tilespmem:s22+$0x11000] =	vst v1;
	v57 =	vmul.f32 v61, v3;
	v1, _, _ =	vpop (xrf2);
	v3 =	vadd.f32 v8, v27  }
0x335: {  	s19 =	sadd.f32 $9.999999960e-13, s1;
	v63 =	vmul.f32 v43, v43;
	v56 =	vld [tilespmem:s10+$0x9070];
	v59 =	vmul.f32 v6, v4;
	[tilespmem:s22+$0x11010] =	vst v2;
	(v2sf) =	vpush v1, $0xF  }
0x336: {  	s1 =	simm.s32 $0x800;
	v2 =	vadd.f32 v52, v54;
	v61 =	vmov v37;
	v1 =	vadd.f32 v51, v50;
	[tilespmem:s22+$0x11020] =	vst v3  }
.LBB2_11:
0x337: {  	p0 =	sne.s32 s1, $0x2E00;
	v3 =	vmul.f32 v61, v37;
	v4 =	vmul.f32 v54, v54;
	v5, _, _ =	vpop (xrf2);
	v6 =	vmov s19;
	[tilespmem:s22+$0x11030] =	vst v60  }
0x338: {  	v7 =	vmovc v39;
	v39 =	vmovc v54;
	(v2sf) =	vpush v5, $0xF;
	v5 =	vshrl.u32 v6, $0x1;
	v6 =	vmul.f32 $-5.000000000e-01, v6  }
0x339: {  	v8 =	vmul.f32 v52, v52;
	v9 =	vmul.f32 v50, v50;
	v10 =	vmovc v41;
	v41 =	vmovc v34;
	v5 =	vsub.s32 $0x5F3759DF, v5  }
0x33a: {  	v54 =	vmul.f32 v51, v51;
	v34 =	vmovc v52;
	v11 =	vadd.f32 v56, v55;
	v6 =	vmul.f32 v5, v6  }
0x33b: {  	v2 =	vadd.f32 v2, v62;
	v62 =	vmovc v42;
	v52 =	vmul.f32 v55, v55;
	v61 =	vmul.f32 v56, v56  }
0x33c: {  	v42 =	vmovc v36;
	v3 =	vadd.f32 v3, v63;
	v1 =	vadd.f32 v11, v1;
	v6 =	vmul.f32 v5, v6  }
0x33d: {  	v36 =	vmovc v50;
	v4 =	vadd.f32 v8, v4;
	v8 =	vadd.f32 v54, v9;
	v9 =	vmovc v38;
	v38 =	vmov v35  }
0x33e: {  	v60 =	vmovc v40;
	v40 =	vmovc v33;
	v35 =	vmov v51;
	v11 =	vadd.f32 v61, v52;
	v6 =	vadd.f32 $1.500000000e+00, v6  }
0x33f: {  	v50 =	vmovc v47;
	v47 =	vmovc v46;
	v33 =	vmov v55;
	v1 =	vadd.f32 v1, v2;
	v2 =	vadd.f32 v58, v29  }
0x340: {  	v46 =	vmovc v56;
	v3 =	vadd.f32 v4, v3;
	v4 =	vadd.f32 v11, v8;
	v5 =	vmul.f32 v5, v6  }
0x341: {  	v8 =	vadd.f32 v59, v31;
	v6 =	vadd.f32 v57, v30;
	(xrf2) =	vadd.scan.msk.f32 $0xffff, v1;
	v1 =	vmov s5  }
0x342: {  	s19 =	sshra.s32 s1, $0x2;
	v3 =	vadd.f32 v4, v3;
	v4 =	vsub.f32 v50, v1;
	v11 =	vmul.f32 v5, v24;
	[tilespmem:s22+$0x11040] =	vst v2  }
0x343: {  	v2 =	vsub.f32 v48, v1;
	v51 =	vmul.f32 v5, v17;
	v55 =	vmul.f32 v5, v18;
	v63 =	vld [tilespmem:s19+$0x9000];
	[tilespmem:s22+$0x11050] =	vst v6  }
0x344: {  	v6 =	vmul.f32 v5, v19;
	v61 =	vld [tilespmem:s19+$0x9010];
	(xrf2) =	vadd.scan.msk.f32 $0xffff, v3;
	s5 =	spop (v2sf);
	v3 =	vsub.f32 v49, v1;
	v4 =	vmul.f32 v11, v4  }
0x345: {  	v11 =	vsub.f32 v53, v1;
	v49 =	vmul.f32 v5, v20;
	v53 =	vmul.f32 v5, v21;
	v54 =	vld [tilespmem:s19+$0x9020];
	s5 =	smul.f32 $7.812500000e-03, s5;
	[tilespmem:s22+$0x11060] =	vst v8;
	s22 =	smov.u32 s24;
	s24 =	smov.u32 s4  }
0x346: {  	v48 =	vmovc v44;
	v8 =	vmul.f32 v5, v22;
	v5 =	vmul.f32 v5, v23;
	s4 =	smov.u32 s10;
	s10 =	smov.u32 s19;
	v52 =	vld [tilespmem:s19+$0x9030];
	v4 =	vadd.f32 v4, v32  }
0x347: {  	v10 =	vsub.f32 v10, v1;
	v56 =	vsub.f32 v62, v1;
	v44 =	vmovc v43;
	v2 =	vmul.f32 v51, v2;
	v50 =	vld [tilespmem:s10+$0x9040];
	s19 =	smul.f32 s5, s5;
	s20 =	spop (v2sf)  }
0x348: {  	v9 =	vsub.f32 v9, v1;
	v1 =	vsub.f32 v60, v1;
	v3 =	vmul.f32 v55, v3;
	v51 =	vld [tilespmem:s10+$0x9050];
	s20 =	smul.f32 $7.812500000e-03, s20;
	[tilespmem:s22+$0x11070] =	vst v4  }
.Ltmp4:
0x349: {  	v2 =	vadd.f32 v2, v25;
	v4 =	vmul.f32 v6, v11;
	v6 =	vmul.f32 v49, v10;
	v43 =	vmovc v63;
	(pc) =	sbr.rel @p0 .LBB2_11-.Ltmp4, $4  }
0x34a: {  	v58 =	vmul.f32 v53, v56;
	v57 =	vmul.f32 v8, v9;
	v3 =	vadd.f32 v3, v26;
	v49 =	vmovc v45;
	s19 =	ssub.f32 s20, s19  }
0x34b: {  	v59 =	vmul.f32 v5, v1;
	v4 =	vadd.f32 v4, v27;
	v60 =	vadd.f32 v6, v28;
	v55 =	vld [tilespmem:s10+$0x9060];
	v8, _, _ =	vpop (xrf2);
	[tilespmem:s22+$0x11000] =	vst v2  }
0x34c: {  	v45 =	vmovc v37;
	v53 =	vmovc v7;
	v62 =	vadd.f32 v61, v43;
	v37 =	vmov v61;
	v56 =	vld [tilespmem:s10+$0x9070];
	(v2sf) =	vpush v8, $0xF;
	s19 =	sadd.f32 $9.999999960e-13, s19;
	[tilespmem:s22+$0x11010] =	vst v3  }
0x34d: {  	s1 =	sadd.s32 $0x200, s1;
	v63 =	vmul.f32 v63, v43;
	v2 =	vadd.f32 v52, v54;
	v1 =	vadd.f32 v51, v50;
	[tilespmem:s22+$0x11020] =	vst v4  }
0x34e: {  	_ = 	snop  }
0x34f: {  	v3 =	vmul.f32 v61, v37;
	v4 =	vmul.f32 v54, v54  }
0x350: {  	v5 =	vmul.f32 v52, v52;
	v7 =	vmul.f32 v50, v50  }
0x351: {  	v8 =	vmul.f32 v51, v51;
	v2 =	vadd.f32 v2, v62;
	v6 =	vadd.f32 v56, v55  }
0x352: {  	v9 =	vmul.f32 v55, v55;
	v3 =	vadd.f32 v3, v63;
	v10 =	vmul.f32 v56, v56  }
0x353: {  	v4 =	vadd.f32 v5, v4;
	v1 =	vadd.f32 v6, v1  }
0x354: {  	v63 =	vadd.f32 v8, v7;
	v10 =	vadd.f32 v10, v9  }
0x355: {  	v1 =	vadd.f32 v1, v2  }
0x356: {  	v11, _, _ =	vpop (xrf2);
	v2 =	vadd.f32 v4, v3;
	v3 =	vadd.f32 v10, v63  }
0x357: {  	(v2sf) =	vpush v11, $0xF;
	(xrf2) =	vadd.scan.msk.f32 $0xffff, v1  }
0x358: {  	v1 =	vadd.f32 v3, v2;
	_ =	sdelay $0x1  }
0x359: {  	(xrf2) =	vadd.scan.msk.f32 $0xffff, v1;
	_ =	sdelay $0x3  }
0x35a: {  	v1 =	vmov s19  }
0x35b: {  	v2 =	vshrl.u32 v1, $0x1;
	v1 =	vmul.f32 $-5.000000000e-01, v1  }
0x35c: {  	v2 =	vsub.s32 $0x5F3759DF, v2  }
0x35d: {  	v1 =	vmul.f32 v2, v1;
	v3, _, _ =	vpop (xrf2)  }
0x35e: {  	(v2sf) =	vpush v3, $0xF  }
0x35f: {  	s1 =	spop (v2sf);
	v1 =	vmul.f32 v2, v1  }
0x360: {  	s19 =	smul.f32 $7.812500000e-03, s1;
	v3, _, _ =	vpop (xrf2)  }
0x361: {  	v1 =	vadd.f32 $1.500000000e+00, v1;
	(v2sf) =	vpush v3, $0xF  }
0x362: {  	s30 =	spop (v2sf);
	s20 =	smul.f32 s19, s19  }
0x363: {  	v5 =	vadd.f32 v59, v31;
	s1 =	smul.f32 $7.812500000e-03, s30;
	v1 =	vmul.f32 v2, v1  }
0x364: {  	v4 =	vadd.f32 v58, v29;
	v2 =	vadd.f32 v57, v30  }
0x365: {  	s1 =	ssub.f32 s1, s20;
	v3 =	vmov s5;
	v61 =	vmul.f32 v1, v24;
	v62 =	vmul.f32 v1, v17  }
0x366: {  	v10 =	vmul.f32 v1, v18;
	v59 =	vsub.f32 v47, v3;
	v8 =	vsub.f32 v48, v3  }
0x367: {  	s1 =	sadd.f32 $9.999999960e-13, s1;
	v11 =	vsub.f32 v49, v3;
	v47 =	vmul.f32 v1, v19;
	v48 =	vmul.f32 v1, v20  }
0x368: {  	v7 =	vsub.f32 v53, v3;
	v49 =	vmul.f32 v1, v21;
	v53 =	vmul.f32 v1, v22  }
0x369: {  	v63 =	vmov s1;
	v41 =	vsub.f32 v41, v3;
	v42 =	vsub.f32 v42, v3  }
0x36a: {  	v57 =	vmul.f32 $-5.000000000e-01, v63;
	v6 =	vmul.f32 v61, v59;
	v61 =	vshrl.u32 v63, $0x1  }
0x36b: {  	v8 =	vmul.f32 v62, v8;
	v63 =	vsub.f32 v38, v3;
	v62 =	vsub.s32 $0x5F3759DF, v61  }
0x36c: {  	v59 =	vmul.f32 v48, v41;
	v41 =	vmov s19;
	v57 =	vmul.f32 v62, v57  }
0x36d: {  	v1 =	vmul.f32 v1, v23;
	v3 =	vsub.f32 v40, v3;
	v61 =	vsub.f32 v46, v41;
	s20 =	spop (v2sf)  }
0x36e: {  	v44 =	vsub.f32 v44, v41;
	v45 =	vsub.f32 v45, v41;
	v58 =	vmul.f32 v62, v57;
	s1 =	smul.f32 $7.812500000e-03, s20  }
0x36f: {  	v10 =	vmul.f32 v10, v11;
	v34 =	vsub.f32 v34, v41;
	v36 =	vsub.f32 v36, v41  }
0x370: {  	v7 =	vmul.f32 v47, v7;
	v33 =	vsub.f32 v33, v41;
	v38 =	vadd.f32 $1.500000000e+00, v58;
	s20 =	spop (v2sf);
	s30 =	smul.f32 s1, s1  }
0x371: {  	v42 =	vmul.f32 v49, v42;
	v6 =	vadd.f32 v6, v32;
	v8 =	vadd.f32 v8, v25;
	s19 =	smul.f32 $7.812500000e-03, s20  }
0x372: {  	v10 =	vadd.f32 v10, v26;
	v11 =	vmul.f32 v53, v63;
	v9 =	vmul.f32 v62, v38  }
0x373: {  	[tilespmem:s22+$0x11030] =	vst v60;
	v7 =	vadd.f32 v7, v27;
	v40 =	vadd.f32 v59, v28;
	v1 =	vmul.f32 v1, v3;
	s5 =	ssub.f32 s19, s30  }
0x374: {  	[tilespmem:s22+$0x11060] =	vst v5;
	v3 =	vadd.f32 v42, v29;
	v62 =	vmul.f32 v9, v24;
	v63 =	vmul.f32 v9, v17  }
0x375: {  	[tilespmem:s22+$0x11040] =	vst v4;
	v11 =	vadd.f32 v11, v30;
	v4 =	vmul.f32 v9, v18;
	v47 =	vmul.f32 v9, v19;
	s5 =	sadd.f32 $9.999999960e-13, s5  }
0x376: {  	[tilespmem:s22+$0x11050] =	vst v2;
	v38 =	vsub.f32 v39, v41;
	v57 =	vmul.f32 v9, v20;
	v59 =	vmul.f32 v9, v21  }
0x377: {  	[tilespmem:s24+$0x11070] =	vst v6;
	v60 =	vmul.f32 v9, v22;
	v2 =	vmul.f32 v62, v61;
	v53 =	vmov s5  }
0x378: {  	[tilespmem:s24+$0x11000] =	vst v8;
	v61 =	vmul.f32 v9, v23;
	v58 =	vshrl.u32 v53, $0x1;
	v39 =	vmul.f32 $-5.000000000e-01, v53  }
0x379: {  	[tilespmem:s24+$0x11010] =	vst v10;
	v63 =	vmul.f32 v63, v44;
	v4 =	vmul.f32 v4, v45;
	v42 =	vsub.s32 $0x5F3759DF, v58  }
0x37a: {  	v1 =	vadd.f32 v1, v31;
	[tilespmem:s24+$0x11040] =	vst v3;
	v3 =	vmul.f32 v57, v34;
	v62 =	vmul.f32 v42, v39  }
0x37b: {  	[tilespmem:s24+$0x11020] =	vst v7;
	v6 =	vmul.f32 v59, v36;
	v46 =	vmov s1;
	v2 =	vadd.f32 v2, v32  }
0x37c: {  	[tilespmem:s24+$0x11030] =	vst v40;
	v10 =	vadd.f32 v63, v25;
	v4 =	vadd.f32 v4, v26;
	v9 =	vmul.f32 v42, v62  }
0x37d: {  	[tilespmem:s24+$0x11060] =	vst v1;
	v1 =	vadd.f32 v3, v28;
	v3 =	vmul.f32 v61, v33;
	v57 =	vsub.f32 v43, v46  }
0x37e: {  	[tilespmem:s24+$0x11050] =	vst v11;
	v33 =	vsub.f32 v51, v46;
	v44 =	vadd.f32 $1.500000000e+00, v9  }
0x37f: {  	[tilespmem:s4+$0x11070] =	vst v2;
	v2 =	vadd.f32 v6, v29;
	v3 =	vadd.f32 v3, v31  }
0x380: {  	[tilespmem:s4+$0x11030] =	vst v1;
	v1 =	vsub.f32 v37, v46;
	v6 =	vsub.f32 v55, v46;
	v5 =	vmul.f32 v42, v44  }
0x381: {  	[tilespmem:s4+$0x11040] =	vst v2;
	v2 =	vsub.f32 v54, v46;
	v39 =	vsub.f32 v35, v41;
	v41 =	vmul.f32 v47, v38  }
0x382: {  	[tilespmem:s4+$0x11060] =	vst v3;
	v3 =	vsub.f32 v50, v46;
	v47 =	vsub.f32 v56, v46;
	v48 =	vmul.f32 v5, v24  }
0x383: {  	v7 =	vmul.f32 v60, v39;
	v45 =	vadd.f32 v41, v27;
	v49 =	vmul.f32 v5, v17  }
0x384: {  	[tilespmem:s4+$0x11000] =	vst v10;
	v62 =	vsub.f32 v52, v46;
	v53 =	vmul.f32 v5, v18;
	v8 =	vmul.f32 v48, v47  }
0x385: {  	[tilespmem:s4+$0x11010] =	vst v4;
	v7 =	vadd.f32 v7, v30;
	v56 =	vmul.f32 v5, v19;
	v9 =	vmul.f32 v49, v57  }
0x386: {  	[tilespmem:s4+$0x11020] =	vst v45;
	v58 =	vmul.f32 v5, v20;
	v1 =	vmul.f32 v53, v1;
	v61 =	vadd.f32 v8, v32  }
0x387: {  	[tilespmem:s4+$0x11050] =	vst v7;
	v59 =	vmul.f32 v5, v21;
	v2 =	vmul.f32 v56, v2;
	v63 =	vadd.f32 v9, v25  }
0x388: {  	v60 =	vmul.f32 v5, v22;
	v36 =	vmul.f32 v58, v62;
	v1 =	vadd.f32 v1, v26;
	[tilespmem:s10+$0x11070] =	vst v61  }
0x389: {  	v5 =	vmul.f32 v5, v23;
	v3 =	vmul.f32 v59, v3;
	v2 =	vadd.f32 v2, v27;
	[tilespmem:s10+$0x11000] =	vst v63  }
0x38a: {  	v37 =	vmul.f32 v60, v33;
	v7 =	vadd.f32 v36, v28;
	[tilespmem:s10+$0x11010] =	vst v1  }
0x38b: {  	v1 =	vmul.f32 v5, v6;
	[tilespmem:s10+$0x11020] =	vst v2;
	v2 =	vadd.f32 v3, v29  }
0x38c: {  	[tilespmem:s10+$0x11030] =	vst v7;
	v3 =	vadd.f32 v37, v30  }
0x38d: {  	v1 =	vadd.f32 v1, v31;
	[tilespmem:s10+$0x11040] =	vst v2  }
0x38e: {  	s22 =	sshll.u32 s3, $0xC;
	s24 =	rddreg [dreg:$0x13];
	[tilespmem:s10+$0x11050] =	vst v3  }
0x38f: {  	s1 =	sadd.s32 s24, s22;
	s30 =	simm.s32 $0xDC00;
	[tilespmem:s10+$0x11060] =	vst v1  }
0x390: {  	[hbm4b:s1+s6] =	stream.linear.scatter [tilespmem:s30], [sflag:$0xA], $0x4000, $0x38;
	[tilespmem:$0x12880] =	vst v63  }
0x391: {  	_ =	swait.ge [sflag:s13], $0x80  }
0x392: {  	[sflag:s13] =	ssyncset.done $0x0  }
0x393: {  	[sflag:s13] =	ssyncadd.s32 $0xFFFFFF80  }
0x394: {  	s19 =	sor.u32 $0x30, s18;
	v1 =	vor.u32 s18, v0;
	_ =	swait.ge [sflag:s14], $0x80  }
0x395: {  	s22 =	sor.u32 $0x50, s18;
	s5 =	sor.u32 $0x10, s18;
	v44 =	vor.u32 s19, v0;
	v2 =	vmulhi.u32 $0x147AE15, v1;
	[sflag:s14] =	ssyncset.done $0x0  }
0x396: {  	s24 =	sor.u32 $0x60, s18;
	v51 =	vor.u32 s22, v0;
	v45 =	vmulhi.u32 $0x147AE15, v44;
	v3 =	vor.u32 s5, v0;
	s10 =	sor.u32 $0x20, s18;
	[sflag:s14] =	ssyncadd.s32 $0xFFFFFF80  }
0x397: {  	v39 =	vmulhi.u32 $0x147AE15, v3;
	v41 =	vor.u32 s10, v0;
	v2 =	vmul.u32 $0xC8, v2;
	[tilespmem:s15], [sflag:$0x6] =	stream.indirect.gather [hbm4b:s21+s25], $0x80, s31, s25, $0xb8;
	[tilespmem:$0x12880] =	vst v63  }
0x398: {  	s20 =	sor.u32 $0x40, s18;
	v54 =	vor.u32 s24, v0;
	v48 =	vmul.u32 $0xC8, v45;
	v42 =	vmulhi.u32 $0x147AE15, v41;
	v38 =	vld [tilespmem:$0x1A80]  }
0x399: {  	v49 =	vor.u32 s20, v0;
	v53 =	vmulhi.u32 $0x147AE15, v51;
	v1 =	vsub.s32 v1, v2;
	v2 =	vld [tilespmem:$0x1AA0]  }
0x39a: {  	v56 =	vmulhi.u32 $0x147AE15, v54;
	v5 =	vmul.u32 $0xC8, v39;
	s30 =	sor.u32 $0x70, s18;
	v43 =	vmul.u32 $0xC8, v42;
	v40 =	vld [tilespmem:$0x1A90]  }
0x39b: {  	v50 =	vmulhi.u32 $0x147AE15, v49;
	v58 =	vmul.u32 $0xC8, v53;
	v57 =	vor.u32 s30, v0  }
0x39c: {  	v3 =	vsub.s32 v3, v5;
	v60 =	vmulhi.u32 $0x147AE15, v57;
	v46 =	vsub.s32 v41, v43;
	v47 =	vld [tilespmem:$0x1AB0]  }
0x39d: {  	v3 =	vshll.u32 v3, $0x1;
	v1 =	vshll.u32 v1, $0x1;
	v4 =	vshll.u32 v46, $0x1;
	v52 =	vld [tilespmem:$0x1AC0]  }
0x39e: {  	v55 =	vld [tilespmem:$0x1AD0];
	v1 =	vadd.s32 v1, v38;
	v2 =	vadd.s32 v4, v2;
	v4 =	vmul.u32 $0xC8, v50  }
0x39f: {  	v6 =	vsub.s32 v44, v48;
	v61 =	vmul.u32 $0xC8, v56;
	v59 =	vld [tilespmem:$0x1AE0];
	v3 =	vadd.s32 v3, v40;
	[tilespmem:$0x1B80] =	vst v1  }
0x3a0: {  	s3 =	sadd.s32 $0x1, s3;
	v63 =	vmul.u32 $0xC8, v60;
	v62 =	vld [tilespmem:$0x1AF0];
	v1 =	vshll.u32 v6, $0x1;
	[tilespmem:$0x1B90] =	vst v3;
	v3 =	vsub.s32 v49, v4  }
0x3a1: {  	p0 =	sne.s32 s3, $0x19;
	[tilespmem:$0x1BA0] =	vst v2;
	v1 =	vadd.s32 v1, v47;
	v2 =	vshll.u32 v3, $0x1;
	v3 =	vsub.s32 v51, v58  }
.Ltmp5:
0x3a2: {  	[tilespmem:$0x1BB0] =	vst v1;
	v1 =	vadd.s32 v2, v52;
	v2 =	vshll.u32 v3, $0x1;
	v3 =	vsub.s32 v54, v61;
	(pc) =	sbr.rel @p0 .LBB2_4-.Ltmp5, $4  }
0x3a3: {  	[tilespmem:$0x1BC0] =	vst v1;
	v1 =	vadd.s32 v2, v55;
	v2 =	vshll.u32 v3, $0x1;
	v3 =	vsub.s32 v57, v63  }
0x3a4: {  	[tilespmem:$0x1BD0] =	vst v1;
	v1 =	vadd.s32 v2, v59;
	v2 =	vshll.u32 v3, $0x1  }
0x3a5: {  	[tilespmem:$0x1BE0] =	vst v1;
	v1 =	vadd.s32 v2, v62  }
0x3a6: {  	[tilespmem:$0x1BF0] =	vst v1  }
0x3a7: {  	_ =	swait.ge [sflag:s17], $0x4000  }
0x3a8: {  	[sflag:s17] =	ssyncset.done $0x0  }
0x3a9: {  	[sflag:s17] =	ssyncadd.s32 $0xFFFFC000  }
0x3aa: {  	_ =	swait.ge [sflag:s16], $0x4000  }
0x3ab: {  	[sflag:s16] =	ssyncset.done $0x0  }
0x3ac: {  	s1 =	simm.s32 $0x9;
	[sflag:s16] =	ssyncadd.s32 $0xFFFFC000  }
0x3ad: {  	_ =	swait.ge [sflag:s1], $0x4000  }
0x3ae: {  	[sflag:s1] =	ssyncset.done $0x0  }
0x3af: {  	s3 =	simm.s32 $0xA;
	[sflag:s1] =	ssyncadd.s32 $0xFFFFC000  }
0x3b0: {  	_ =	swait.ge [sflag:s3], $0x4000  }
0x3b1: {  	s4 =	rddreg [dreg:$0x14]  }
0x3b2: {  	s30 =	rddreg [dreg:$0x12];
	s4 =	sadd.s32 $0x1, s4  }
0x3b3: {  	p0 =	sne.s32 s4, s30  }
.Ltmp6:
0x3b4: {  	_ = 	snop;
	(pc) =	sbr.rel @p0 .LBB2_1-.Ltmp6, $3  }
0x3b5: {  	_ =	sdelay $0x1  }
0x3b6: {  	[sflag:s3] =	ssyncset.done $0x0  }
0x3b7: {  	s20 =	simm.s32 $0xB;
	[sflag:s3] =	ssyncadd.s32 $0xFFFFC000  }
0x3b8: {  	_ =	sfence.sel $0x180000  }
0x3b9: {  	[bflag:$0x0] =	sbarrier.arrive $0xFFFF  }
0x3ba: {  	_ =	strace $0x90000047  }
0x3bb: {  	s0 =	stileid.u32;
	[bflag:$0x2] =	sbarrier.arrive $0xFFFF  }
0x3bc: {  	p0 =	sne.s32 s0, $0x0;
	s0 =	rddreg [dreg:$0x6]  }
0x3bd: {  	s0 =	sadd.s32 @!p0 $0x100000, s0  }
0x3be: {  	[sflag:s0] =	ssyncadd.tile.s32 @!p0 $0x1;
	_ =	shalt  }
.Lfunc_end2:
_tile_overlayer_lowered:
.L_overlay_start_2:
0x3bf: {  	(tag) =	ssettag $0x2  }
0x3c0: {  	s0 =	rddreg [dreg:$0x0];
	s2 =	stileid.u32  }
0x3c1: {  	s1 =	rddreg [dreg:$0x1];
	p0 =	sne.s32 s2, $0x0  }
0x3c2: {  	s3 =	rddreg [dreg:$0x2];
	[bflag:$0x3] =	sbarrier.arrive $0xFFFF;
	s2 =	simm.s32 @!p0 $0x1C0B  }
0x3c3: {  	[timem:s3], [sflag:s2] =	dma.local @!p0 [hbm:s0], s1  }
0x3c4: {  	s0 =	simm.s32 @!p0 $0xB  }
0x3c5: {  	_ =	swait.ge @!p0 [sflag:s0], s1  }
0x3c6: {  	s1 =	ssub.s32 @!p0 $0x0, s1;
	[sflag:s0] =	ssyncset.done @!p0 $0x0  }
0x3c7: {  	[sflag:s0] =	ssyncadd.s32 @!p0 s1  }
0x3c8: {  	[bflag:$0x3] =	sbarrier.arrive $0xFFFF  }
0x3c9: {  	_ =	shalt  }

</sc_bundles>
